<compile_context>
chip_gen: v7x
topology: tpu7x:2x2x1
jax: 0.10.2.dev20260603
libtpu: 0.0.44.dev20260713+nightly
codegen_flags: <defaults>
</compile_context>

<pallas_src>
import functools

import jax
import jax.numpy as jnp
from jax import lax
from jax.experimental import pallas as pl
from jax.experimental.pallas import tpu as pltpu
from jax.experimental.pallas import tpu_sc as plsc

_MIN = -4.0
_DELTA = 0.5
_NUM_BITS = 4

_B = 64
_N = 32768
_C = 8192
_LANES = 16

_NC = 2
_NS = 16
_NW = _NC * _NS
_ROWS_PER_W = _B // _NW
_NCHUNK = _N // _C


def _tec_body(x_hbm, out_hbm, xb, ob, sem_i0, sem_i1, sem_o0, sem_o1):
    cid = lax.axis_index("c")
    sid = lax.axis_index("s")
    wid = sid * _NC + cid

    sems_i = (sem_i0, sem_i1)
    sems_o = (sem_o0, sem_o1)

    idx16 = lax.iota(jnp.int32, 16)
    tabs = [((idx16 >> (3 - k)) & 1).astype(jnp.float32) for k in range(4)]

    def compute(s):
        @plsc.parallel_loop(0, _C, step=_LANES, unroll=4)
        def body(i):
            sl = pl.ds(i, _LANES)
            v = xb[s, sl]
            t = (v - _MIN) * (1.0 / _DELTA)
            u = jnp.minimum(jnp.maximum(t, 0.0), 15.0)
            ti = u.astype(jnp.int32)
            d = jnp.where(ti.astype(jnp.float32) != u, ti + 1, ti)
            for k in range(_NUM_BITS):
                ob[s, k, sl] = jnp.take_along_axis(
                    tabs[k], d, axis=0, mode="promise_in_bounds")

    chunks = [(r, j * _C) for r in range(_ROWS_PER_W) for j in range(_NCHUNK)]
    n = len(chunks)

    def row(r):
        return wid * _ROWS_PER_W + r

    in_d = {}
    out_d = {}
    for g, (r, col) in enumerate(chunks):
        s = g & 1
        if g == 0:
            in_d[0] = pltpu.async_copy(
                x_hbm.at[row(r), pl.ds(col, _C)], xb.at[0], sems_i[0])
        if g + 1 < n:
            r2, col2 = chunks[g + 1]
            in_d[g + 1] = pltpu.async_copy(
                x_hbm.at[row(r2), pl.ds(col2, _C)], xb.at[1 - s], sems_i[1 - s])
        in_d[g].wait()
        if g >= 2:
            out_d[g - 2].wait()
        compute(s)
        out_d[g] = pltpu.async_copy(
            ob.at[s], out_hbm.at[row(r), :, pl.ds(col, _C)], sems_o[s])
    for g in (n - 2, n - 1):
        out_d[g].wait()


@jax.jit
def _disperse(x):
    mesh = plsc.VectorSubcoreMesh(core_axis_name="c", subcore_axis_name="s")
    f = functools.partial(
        pl.kernel,
        mesh=mesh,
        out_type=jax.ShapeDtypeStruct((_B, _NUM_BITS, _N), jnp.float32),
        scratch_types=[
            pltpu.VMEM((2, _C), jnp.float32),
            pltpu.VMEM((2, _NUM_BITS, _C), jnp.float32),
            pltpu.SemaphoreType.DMA,
            pltpu.SemaphoreType.DMA,
            pltpu.SemaphoreType.DMA,
            pltpu.SemaphoreType.DMA,
        ],
    )(_tec_body)
    return f(x)


def kernel(x, unpacked):
    del unpacked
    return _disperse(x)

# --- scband reference (transcript-rebuilt; emitter-appended) ---
"""Pipeline reference for scband-quantize-disperser-55267639165335 (READ-ONLY COPY).

The authoritative reference and input builder live on the scoring server;
editing this copy changes nothing except your own understanding.
"""

import jax, jax.numpy as jnp
import numpy as np

MIN = -4.0
DELTA = 0.5
NUM_BITS = 4
NUM_BINS = 2 ** NUM_BITS


def _make_unpacked():
    # unpacked[i] = 8-bit binary expansion of i, MSB first, as float32
    idx = np.arange(256)
    bits = ((idx[:, None] >> np.arange(7, -1, -1)[None, :]) & 1).astype(np.float32)
    return jnp.asarray(bits)


def setup_inputs(seed: int = 0) -> dict:
    key = jax.random.key(seed)
    x = jax.random.normal(key, (64, 32768), dtype=jnp.float32)
    unpacked = _make_unpacked()
    return {"x": x, "unpacked": unpacked}


def reference(x, unpacked):
    # quantize(x, min, delta, num_bins=16)
    scaled = (x - MIN) / DELTA
    bucket = jnp.ceil(scaled)
    digit_x = jnp.clip(bucket, 0, NUM_BINS - 1).astype(jnp.int32).reshape(-1)
    # torch.index_select(self.unpacked, 0, digit_x)[:, -num_bits:]
    qad = jnp.take(unpacked, digit_x, axis=0)[:, -NUM_BITS:]
    out = qad.reshape(x.shape[0], x.shape[1], -1)
    return jnp.transpose(out, (0, 2, 1))

if __name__ == "__main__":
    import jax
    _d = setup_inputs()
    print(jax.jit(kernel)(*tuple(_d.values())))

</pallas_src>

<mosaic_0001>
#map = affine_map<(d0, d1) -> (0, 0)>
#map1 = affine_map<(d0, d1) -> (0, 0, 0)>
module attributes {stable_mosaic.version = 14 : i64} {
  func.func @_tec_body(%arg0: i32, %arg1: i32, %arg2: memref<64x32768xf32, #tpu.memory_space<hbm>>, %arg3: memref<64x4x32768xf32, #tpu.memory_space<hbm>>, %arg4: memref<2x8192xf32, #tpu.memory_space<vmem>>, %arg5: memref<2x4x8192xf32, #tpu.memory_space<vmem>>, %arg6: memref<!tpu.dma_semaphore, #tpu.memory_space<semaphore_mem>>, %arg7: memref<!tpu.dma_semaphore, #tpu.memory_space<semaphore_mem>>, %arg8: memref<!tpu.dma_semaphore, #tpu.memory_space<semaphore_mem>>, %arg9: memref<!tpu.dma_semaphore, #tpu.memory_space<semaphore_mem>>) attributes {dimension_semantics = [#tpu.dimension_semantics<core_parallel>, #tpu.dimension_semantics<subcore_parallel>], iteration_bounds = array<i64: 2, 16>, scalar_prefetch = 0 : i64, scratch_operands = 6 : i64, tpu.core_type = #tpu.core_type<sc_vector_subcore>, window_params = [{transform_indices = #map}, {transform_indices = #map1}]} {
    %mul3A = arith.constant 2 : i32
    %mul3A_0 = arith.muli %arg1, %mul3A : i32
    %add3A = arith.addi %mul3A_0, %arg0 : i32
    %iota3A = tpu.iota {dimensions = array<i32: 0>} : vector<16xi32>
    %shift_right_arithmetic3A = arith.constant 3 : i32
    %shift_right_arithmetic3A_1 = vector.broadcast %shift_right_arithmetic3A : i32 to vector<16xi32>
    %shift_right_arithmetic3A_2 = arith.shrsi %iota3A, %shift_right_arithmetic3A_1 : vector<16xi32>
    %and3A = arith.constant 1 : i32
    %and3A_3 = vector.broadcast %and3A : i32 to vector<16xi32>
    %and3A_4 = arith.andi %shift_right_arithmetic3A_2, %and3A_3 : vector<16xi32>
    %convert_element_type3A = arith.sitofp %and3A_4 : vector<16xi32> to vector<16xf32>
    %shift_right_arithmetic3A_5 = arith.constant 2 : i32
    %shift_right_arithmetic3A_6 = vector.broadcast %shift_right_arithmetic3A_5 : i32 to vector<16xi32>
    %shift_right_arithmetic3A_7 = arith.shrsi %iota3A, %shift_right_arithmetic3A_6 : vector<16xi32>
    %and3A_8 = arith.constant 1 : i32
    %and3A_9 = vector.broadcast %and3A_8 : i32 to vector<16xi32>
    %and3A_10 = arith.andi %shift_right_arithmetic3A_7, %and3A_9 : vector<16xi32>
    %convert_element_type3A_11 = arith.sitofp %and3A_10 : vector<16xi32> to vector<16xf32>
    %shift_right_arithmetic3A_12 = arith.constant 1 : i32
    %shift_right_arithmetic3A_13 = vector.broadcast %shift_right_arithmetic3A_12 : i32 to vector<16xi32>
    %shift_right_arithmetic3A_14 = arith.shrsi %iota3A, %shift_right_arithmetic3A_13 : vector<16xi32>
    %and3A_15 = arith.constant 1 : i32
    %and3A_16 = vector.broadcast %and3A_15 : i32 to vector<16xi32>
    %and3A_17 = arith.andi %shift_right_arithmetic3A_14, %and3A_16 : vector<16xi32>
    %convert_element_type3A_18 = arith.sitofp %and3A_17 : vector<16xi32> to vector<16xf32>
    %shift_right_arithmetic3A_19 = arith.constant 0 : i32
    %shift_right_arithmetic3A_20 = vector.broadcast %shift_right_arithmetic3A_19 : i32 to vector<16xi32>
    %shift_right_arithmetic3A_21 = arith.shrsi %iota3A, %shift_right_arithmetic3A_20 : vector<16xi32>
    %and3A_22 = arith.constant 1 : i32
    %and3A_23 = vector.broadcast %and3A_22 : i32 to vector<16xi32>
    %and3A_24 = arith.andi %shift_right_arithmetic3A_21, %and3A_23 : vector<16xi32>
    %convert_element_type3A_25 = arith.sitofp %and3A_24 : vector<16xi32> to vector<16xf32>
    %mul3A_26 = arith.constant 2 : i32
    %mul3A_27 = arith.muli %add3A, %mul3A_26 : i32
    %add3A_28 = arith.constant 0 : i32
    %add3A_29 = arith.addi %mul3A_27, %add3A_28 : i32
    %dma_start3A = arith.constant 0 : i32
    %dma_start3A_30 = arith.constant 0 : i32
    %dma_start3A_31 = tpu.memref_slice %arg4[%dma_start3A, %dma_start3A_30] : memref<2x8192xf32, #tpu.memory_space<vmem>> -> memref<1x8192xf32, #tpu.memory_space<vmem>>
    %dma_start3A_32 = tpu.memref_squeeze %dma_start3A_31 : memref<1x8192xf32, #tpu.memory_space<vmem>> -> memref<8192xf32, #tpu.memory_space<vmem>>
    %dma_start3A_33 = arith.constant 0 : i32
    %dma_start3A_34 = tpu.memref_slice %arg2[%add3A_29, %dma_start3A_33] : memref<64x32768xf32, #tpu.memory_space<hbm>> -> memref<1x8192xf32, #tpu.memory_space<hbm>>
    %dma_start3A_35 = tpu.memref_squeeze %dma_start3A_34 : memref<1x8192xf32, #tpu.memory_space<hbm>> -> memref<8192xf32, #tpu.memory_space<hbm>>
    %dma_start3A_36 = arith.constant 0 : i32
    %dma_start3A_37 = tpu.memref_slice %arg4[%dma_start3A, %dma_start3A_36] : memref<2x8192xf32, #tpu.memory_space<vmem>> -> memref<1x8192xf32, #tpu.memory_space<vmem>>
    %dma_start3A_38 = tpu.memref_squeeze %dma_start3A_37 : memref<1x8192xf32, #tpu.memory_space<vmem>> -> memref<8192xf32, #tpu.memory_space<vmem>>
    %dma_start3A_39 = arith.constant 0 : i32
    %dma_start3A_40 = tpu.memref_slice %arg2[%add3A_29, %dma_start3A_39] : memref<64x32768xf32, #tpu.memory_space<hbm>> -> memref<1x8192xf32, #tpu.memory_space<hbm>>
    %dma_start3A_41 = tpu.memref_squeeze %dma_start3A_40 : memref<1x8192xf32, #tpu.memory_space<hbm>> -> memref<8192xf32, #tpu.memory_space<hbm>>
    tpu.enqueue_dma source(%dma_start3A_41 : memref<8192xf32, #tpu.memory_space<hbm>>) target(%dma_start3A_38 : memref<8192xf32, #tpu.memory_space<vmem>>) target_semaphore(%arg6 : memref<!tpu.dma_semaphore, #tpu.memory_space<semaphore_mem>>)
    %mul3A_42 = arith.constant 2 : i32
    %mul3A_43 = arith.muli %add3A, %mul3A_42 : i32
    %add3A_44 = arith.constant 0 : i32
    %add3A_45 = arith.addi %mul3A_43, %add3A_44 : i32
    %dma_start3A_46 = arith.constant 1 : i32
    %dma_start3A_47 = arith.constant 0 : i32
    %dma_start3A_48 = tpu.memref_slice %arg4[%dma_start3A_46, %dma_start3A_47] : memref<2x8192xf32, #tpu.memory_space<vmem>> -> memref<1x8192xf32, #tpu.memory_space<vmem>>
    %dma_start3A_49 = tpu.memref_squeeze %dma_start3A_48 : memref<1x8192xf32, #tpu.memory_space<vmem>> -> memref<8192xf32, #tpu.memory_space<vmem>>
    %dma_start3A_50 = arith.constant 8192 : i32
    %dma_start3A_51 = tpu.memref_slice %arg2[%add3A_45, %dma_start3A_50] : memref<64x32768xf32, #tpu.memory_space<hbm>> -> memref<1x8192xf32, #tpu.memory_space<hbm>>
    %dma_start3A_52 = tpu.memref_squeeze %dma_start3A_51 : memref<1x8192xf32, #tpu.memory_space<hbm>> -> memref<8192xf32, #tpu.memory_space<hbm>>
    %dma_start3A_53 = arith.constant 0 : i32
    %dma_start3A_54 = tpu.memref_slice %arg4[%dma_start3A_46, %dma_start3A_53] : memref<2x8192xf32, #tpu.memory_space<vmem>> -> memref<1x8192xf32, #tpu.memory_space<vmem>>
    %dma_start3A_55 = tpu.memref_squeeze %dma_start3A_54 : memref<1x8192xf32, #tpu.memory_space<vmem>> -> memref<8192xf32, #tpu.memory_space<vmem>>
    %dma_start3A_56 = arith.constant 8192 : i32
    %dma_start3A_57 = tpu.memref_slice %arg2[%add3A_45, %dma_start3A_56] : memref<64x32768xf32, #tpu.memory_space<hbm>> -> memref<1x8192xf32, #tpu.memory_space<hbm>>
    %dma_start3A_58 = tpu.memref_squeeze %dma_start3A_57 : memref<1x8192xf32, #tpu.memory_space<hbm>> -> memref<8192xf32, #tpu.memory_space<hbm>>
    tpu.enqueue_dma source(%dma_start3A_58 : memref<8192xf32, #tpu.memory_space<hbm>>) target(%dma_start3A_55 : memref<8192xf32, #tpu.memory_space<vmem>>) target_semaphore(%arg7 : memref<!tpu.dma_semaphore, #tpu.memory_space<semaphore_mem>>)
    %dma_wait3A = arith.constant 0 : i32
    %dma_wait3A_59 = arith.constant 0 : i32
    %dma_wait3A_60 = tpu.memref_slice %arg4[%dma_wait3A, %dma_wait3A_59] : memref<2x8192xf32, #tpu.memory_space<vmem>> -> memref<1x8192xf32, #tpu.memory_space<vmem>>
    %dma_wait3A_61 = tpu.memref_squeeze %dma_wait3A_60 : memref<1x8192xf32, #tpu.memory_space<vmem>> -> memref<8192xf32, #tpu.memory_space<vmem>>
    %dma_wait3A_62 = arith.constant 0 : i32
    %dma_wait3A_63 = tpu.memref_slice %arg2[%add3A_29, %dma_wait3A_62] : memref<64x32768xf32, #tpu.memory_space<hbm>> -> memref<1x8192xf32, #tpu.memory_space<hbm>>
    %dma_wait3A_64 = tpu.memref_squeeze %dma_wait3A_63 : memref<1x8192xf32, #tpu.memory_space<hbm>> -> memref<8192xf32, #tpu.memory_space<hbm>>
    %dma_wait3A_65 = arith.constant 0 : i32
    %dma_wait3A_66 = tpu.memref_slice %arg4[%dma_wait3A, %dma_wait3A_65] : memref<2x8192xf32, #tpu.memory_space<vmem>> -> memref<1x8192xf32, #tpu.memory_space<vmem>>
    %dma_wait3A_67 = tpu.memref_squeeze %dma_wait3A_66 : memref<1x8192xf32, #tpu.memory_space<vmem>> -> memref<8192xf32, #tpu.memory_space<vmem>>
    %dma_wait3A_68 = arith.constant 0 : i32
    %dma_wait3A_69 = tpu.memref_slice %arg2[%add3A_29, %dma_wait3A_68] : memref<64x32768xf32, #tpu.memory_space<hbm>> -> memref<1x8192xf32, #tpu.memory_space<hbm>>
    %dma_wait3A_70 = tpu.memref_squeeze %dma_wait3A_69 : memref<1x8192xf32, #tpu.memory_space<hbm>> -> memref<8192xf32, #tpu.memory_space<hbm>>
    tpu.wait_dma2 semaphore(%arg6 : memref<!tpu.dma_semaphore, #tpu.memory_space<semaphore_mem>>) src(%dma_wait3A_70 : memref<8192xf32, #tpu.memory_space<hbm>>) dst(%dma_wait3A_67 : memref<8192xf32, #tpu.memory_space<vmem>>)
    %parallel_loop3A = arith.constant 0 : i32
    %parallel_loop3A_71 = arith.constant 8192 : i32
    %parallel_loop3A_72 = arith.constant 16 : i32
    scf.for %parallel_loop3A_591 = %parallel_loop3A to %parallel_loop3A_71 step %parallel_loop3A_72  : i32 {
      %parallel_loop3A_592 = arith.constant 0 : i32
      %parallel_loop3A_593 = arith.index_cast %parallel_loop3A_592 : i32 to index
      %parallel_loop3A_594 = arith.index_cast %parallel_loop3A_591 : i32 to index
      %parallel_loop3A_595 = tpu.vector_load %arg4[%parallel_loop3A_593, %parallel_loop3A_594] {strides = array<i32>} : memref<2x8192xf32, #tpu.memory_space<vmem>>, vector<1x16xf32>,
      %parallel_loop3A_596 = vector.shape_cast %parallel_loop3A_595 : vector<1x16xf32> to vector<16xf32>
      %parallel_loop3A_597 = arith.constant -4.000000e+00 : f32
      %parallel_loop3A_598 = vector.broadcast %parallel_loop3A_597 : f32 to vector<16xf32>
      %parallel_loop3A_599 = arith.subf %parallel_loop3A_596, %parallel_loop3A_598 : vector<16xf32>
      %parallel_loop3A_600 = arith.constant 2.000000e+00 : f32
      %parallel_loop3A_601 = vector.broadcast %parallel_loop3A_600 : f32 to vector<16xf32>
      %parallel_loop3A_602 = arith.mulf %parallel_loop3A_599, %parallel_loop3A_601 : vector<16xf32>
      %parallel_loop3A_603 = arith.constant 0.000000e+00 : f32
      %parallel_loop3A_604 = vector.broadcast %parallel_loop3A_603 : f32 to vector<16xf32>
      %parallel_loop3A_605 = arith.maximumf %parallel_loop3A_602, %parallel_loop3A_604 : vector<16xf32>
      %parallel_loop3A_606 = arith.constant 1.500000e+01 : f32
      %parallel_loop3A_607 = vector.broadcast %parallel_loop3A_606 : f32 to vector<16xf32>
      %parallel_loop3A_608 = arith.minimumf %parallel_loop3A_605, %parallel_loop3A_607 : vector<16xf32>
      %parallel_loop3A_609 = arith.fptosi %parallel_loop3A_608 : vector<16xf32> to vector<16xi32>
      %parallel_loop3A_610 = arith.sitofp %parallel_loop3A_609 : vector<16xi32> to vector<16xf32>
      %parallel_loop3A_611 = arith.cmpf one, %parallel_loop3A_610, %parallel_loop3A_608 : vector<16xf32>
      %parallel_loop3A_612 = arith.constant 1 : i32
      %parallel_loop3A_613 = vector.broadcast %parallel_loop3A_612 : i32 to vector<16xi32>
      %parallel_loop3A_614 = arith.addi %parallel_loop3A_609, %parallel_loop3A_613 : vector<16xi32>
      %parallel_loop3A_615 = arith.select %parallel_loop3A_611, %parallel_loop3A_614, %parallel_loop3A_609 : vector<16xi1>, vector<16xi32>
      %parallel_loop3A_616 = vector.shape_cast %parallel_loop3A_615 : vector<16xi32> to vector<16x1xi32>
      %parallel_loop3A_617 = vector.shape_cast %parallel_loop3A_616 : vector<16x1xi32> to vector<16xi32>
      %parallel_loop3A_618 = tpu.dynamic_gather %convert_element_type3A[%parallel_loop3A_617] in [0] : vector<16xf32>, vector<16xi32> -> vector<16xf32>
      %parallel_loop3A_619 = arith.constant 0 : i32
      %parallel_loop3A_620 = arith.constant 0 : i32
      %parallel_loop3A_621 = arith.index_cast %parallel_loop3A_619 : i32 to index
      %parallel_loop3A_622 = arith.index_cast %parallel_loop3A_620 : i32 to index
      %parallel_loop3A_623 = arith.index_cast %parallel_loop3A_591 : i32 to index
      %parallel_loop3A_624 = tpu.vector_load %arg5[%parallel_loop3A_621, %parallel_loop3A_622, %parallel_loop3A_623] {strides = array<i32>} : memref<2x4x8192xf32, #tpu.memory_space<vmem>>, vector<1x1x16xf32>,
      %parallel_loop3A_625 = vector.shape_cast %parallel_loop3A_624 : vector<1x1x16xf32> to vector<16xf32>
      %parallel_loop3A_626 = vector.shape_cast %parallel_loop3A_618 : vector<16xf32> to vector<1x1x16xf32>
      tpu.vector_store %arg5[%parallel_loop3A_621, %parallel_loop3A_622, %parallel_loop3A_623], %parallel_loop3A_626 {strides = array<i32>} : memref<2x4x8192xf32, #tpu.memory_space<vmem>>, vector<1x1x16xf32>,
      %parallel_loop3A_627 = vector.shape_cast %parallel_loop3A_615 : vector<16xi32> to vector<16x1xi32>
      %parallel_loop3A_628 = vector.shape_cast %parallel_loop3A_627 : vector<16x1xi32> to vector<16xi32>
      %parallel_loop3A_629 = tpu.dynamic_gather %convert_element_type3A_11[%parallel_loop3A_628] in [0] : vector<16xf32>, vector<16xi32> -> vector<16xf32>
      %parallel_loop3A_630 = arith.constant 0 : i32
      %parallel_loop3A_631 = arith.constant 1 : i32
      %parallel_loop3A_632 = arith.index_cast %parallel_loop3A_630 : i32 to index
      %parallel_loop3A_633 = arith.index_cast %parallel_loop3A_631 : i32 to index
      %parallel_loop3A_634 = arith.index_cast %parallel_loop3A_591 : i32 to index
      %parallel_loop3A_635 = tpu.vector_load %arg5[%parallel_loop3A_632, %parallel_loop3A_633, %parallel_loop3A_634] {strides = array<i32>} : memref<2x4x8192xf32, #tpu.memory_space<vmem>>, vector<1x1x16xf32>,
      %parallel_loop3A_636 = vector.shape_cast %parallel_loop3A_635 : vector<1x1x16xf32> to vector<16xf32>
      %parallel_loop3A_637 = vector.shape_cast %parallel_loop3A_629 : vector<16xf32> to vector<1x1x16xf32>
      tpu.vector_store %arg5[%parallel_loop3A_632, %parallel_loop3A_633, %parallel_loop3A_634], %parallel_loop3A_637 {strides = array<i32>} : memref<2x4x8192xf32, #tpu.memory_space<vmem>>, vector<1x1x16xf32>,
      %parallel_loop3A_638 = vector.shape_cast %parallel_loop3A_615 : vector<16xi32> to vector<16x1xi32>
      %parallel_loop3A_639 = vector.shape_cast %parallel_loop3A_638 : vector<16x1xi32> to vector<16xi32>
      %parallel_loop3A_640 = tpu.dynamic_gather %convert_element_type3A_18[%parallel_loop3A_639] in [0] : vector<16xf32>, vector<16xi32> -> vector<16xf32>
      %parallel_loop3A_641 = arith.constant 0 : i32
      %parallel_loop3A_642 = arith.constant 2 : i32
      %parallel_loop3A_643 = arith.index_cast %parallel_loop3A_641 : i32 to index
      %parallel_loop3A_644 = arith.index_cast %parallel_loop3A_642 : i32 to index
      %parallel_loop3A_645 = arith.index_cast %parallel_loop3A_591 : i32 to index
      %parallel_loop3A_646 = tpu.vector_load %arg5[%parallel_loop3A_643, %parallel_loop3A_644, %parallel_loop3A_645] {strides = array<i32>} : memref<2x4x8192xf32, #tpu.memory_space<vmem>>, vector<1x1x16xf32>,
      %parallel_loop3A_647 = vector.shape_cast %parallel_loop3A_646 : vector<1x1x16xf32> to vector<16xf32>
      %parallel_loop3A_648 = vector.shape_cast %parallel_loop3A_640 : vector<16xf32> to vector<1x1x16xf32>
      tpu.vector_store %arg5[%parallel_loop3A_643, %parallel_loop3A_644, %parallel_loop3A_645], %parallel_loop3A_648 {strides = array<i32>} : memref<2x4x8192xf32, #tpu.memory_space<vmem>>, vector<1x1x16xf32>,
      %parallel_loop3A_649 = vector.shape_cast %parallel_loop3A_615 : vector<16xi32> to vector<16x1xi32>
      %parallel_loop3A_650 = vector.shape_cast %parallel_loop3A_649 : vector<16x1xi32> to vector<16xi32>
      %parallel_loop3A_651 = tpu.dynamic_gather %convert_element_type3A_25[%parallel_loop3A_650] in [0] : vector<16xf32>, vector<16xi32> -> vector<16xf32>
      %parallel_loop3A_652 = arith.constant 0 : i32
      %parallel_loop3A_653 = arith.constant 3 : i32
      %parallel_loop3A_654 = arith.index_cast %parallel_loop3A_652 : i32 to index
      %parallel_loop3A_655 = arith.index_cast %parallel_loop3A_653 : i32 to index
      %parallel_loop3A_656 = arith.index_cast %parallel_loop3A_591 : i32 to index
      %parallel_loop3A_657 = tpu.vector_load %arg5[%parallel_loop3A_654, %parallel_loop3A_655, %parallel_loop3A_656] {strides = array<i32>} : memref<2x4x8192xf32, #tpu.memory_space<vmem>>, vector<1x1x16xf32>,
      %parallel_loop3A_658 = vector.shape_cast %parallel_loop3A_657 : vector<1x1x16xf32> to vector<16xf32>
      %parallel_loop3A_659 = vector.shape_cast %parallel_loop3A_651 : vector<16xf32> to vector<1x1x16xf32>
      tpu.vector_store %arg5[%parallel_loop3A_654, %parallel_loop3A_655, %parallel_loop3A_656], %parallel_loop3A_659 {strides = array<i32>} : memref<2x4x8192xf32, #tpu.memory_space<vmem>>, vector<1x1x16xf32>,
    } {sc.loop_unroll_factor = 4 : i64, sc.parallel_access}
    %mul3A_73 = arith.constant 2 : i32
    %mul3A_74 = arith.muli %add3A, %mul3A_73 : i32
    %add3A_75 = arith.constant 0 : i32
    %add3A_76 = arith.addi %mul3A_74, %add3A_75 : i32
    %dma_start3A_77 = arith.constant 0 : i32
    %dma_start3A_78 = arith.constant 0 : i32
    %dma_start3A_79 = arith.constant 0 : i32
    %dma_start3A_80 = tpu.memref_slice %arg5[%dma_start3A_77, %dma_start3A_78, %dma_start3A_79] : memref<2x4x8192xf32, #tpu.memory_space<vmem>> -> memref<1x4x8192xf32, #tpu.memory_space<vmem>>
    %dma_start3A_81 = tpu.memref_squeeze %dma_start3A_80 : memref<1x4x8192xf32, #tpu.memory_space<vmem>> -> memref<4x8192xf32, #tpu.memory_space<vmem>>
    %dma_start3A_82 = arith.constant 0 : i32
    %dma_start3A_83 = arith.constant 0 : i32
    %dma_start3A_84 = tpu.memref_slice %arg3[%add3A_76, %dma_start3A_82, %dma_start3A_83] : memref<64x4x32768xf32, #tpu.memory_space<hbm>> -> memref<1x4x8192xf32, #tpu.memory_space<hbm>>
    %dma_start3A_85 = tpu.memref_squeeze %dma_start3A_84 : memref<1x4x8192xf32, #tpu.memory_space<hbm>> -> memref<4x8192xf32, #tpu.memory_space<hbm>>
    %dma_start3A_86 = arith.constant 0 : i32
    %dma_start3A_87 = arith.constant 0 : i32
    %dma_start3A_88 = tpu.memref_slice %arg3[%add3A_76, %dma_start3A_86, %dma_start3A_87] : memref<64x4x32768xf32, #tpu.memory_space<hbm>> -> memref<1x4x8192xf32, #tpu.memory_space<hbm>>
    %dma_start3A_89 = tpu.memref_squeeze %dma_start3A_88 : memref<1x4x8192xf32, #tpu.memory_space<hbm>> -> memref<4x8192xf32, #tpu.memory_space<hbm>>
    %dma_start3A_90 = arith.constant 0 : i32
    %dma_start3A_91 = arith.constant 0 : i32
    %dma_start3A_92 = tpu.memref_slice %arg5[%dma_start3A_77, %dma_start3A_90, %dma_start3A_91] : memref<2x4x8192xf32, #tpu.memory_space<vmem>> -> memref<1x4x8192xf32, #tpu.memory_space<vmem>>
    %dma_start3A_93 = tpu.memref_squeeze %dma_start3A_92 : memref<1x4x8192xf32, #tpu.memory_space<vmem>> -> memref<4x8192xf32, #tpu.memory_space<vmem>>
    tpu.enqueue_dma source(%dma_start3A_93 : memref<4x8192xf32, #tpu.memory_space<vmem>>) target(%dma_start3A_89 : memref<4x8192xf32, #tpu.memory_space<hbm>>) target_semaphore(%arg8 : memref<!tpu.dma_semaphore, #tpu.memory_space<semaphore_mem>>)
    %mul3A_94 = arith.constant 2 : i32
    %mul3A_95 = arith.muli %add3A, %mul3A_94 : i32
    %add3A_96 = arith.constant 0 : i32
    %add3A_97 = arith.addi %mul3A_95, %add3A_96 : i32
    %dma_start3A_98 = arith.constant 0 : i32
    %dma_start3A_99 = arith.constant 0 : i32
    %dma_start3A_100 = tpu.memref_slice %arg4[%dma_start3A_98, %dma_start3A_99] : memref<2x8192xf32, #tpu.memory_space<vmem>> -> memref<1x8192xf32, #tpu.memory_space<vmem>>
    %dma_start3A_101 = tpu.memref_squeeze %dma_start3A_100 : memref<1x8192xf32, #tpu.memory_space<vmem>> -> memref<8192xf32, #tpu.memory_space<vmem>>
    %dma_start3A_102 = arith.constant 16384 : i32
    %dma_start3A_103 = tpu.memref_slice %arg2[%add3A_97, %dma_start3A_102] : memref<64x32768xf32, #tpu.memory_space<hbm>> -> memref<1x8192xf32, #tpu.memory_space<hbm>>
    %dma_start3A_104 = tpu.memref_squeeze %dma_start3A_103 : memref<1x8192xf32, #tpu.memory_space<hbm>> -> memref<8192xf32, #tpu.memory_space<hbm>>
    %dma_start3A_105 = arith.constant 0 : i32
    %dma_start3A_106 = tpu.memref_slice %arg4[%dma_start3A_98, %dma_start3A_105] : memref<2x8192xf32, #tpu.memory_space<vmem>> -> memref<1x8192xf32, #tpu.memory_space<vmem>>
    %dma_start3A_107 = tpu.memref_squeeze %dma_start3A_106 : memref<1x8192xf32, #tpu.memory_space<vmem>> -> memref<8192xf32, #tpu.memory_space<vmem>>
    %dma_start3A_108 = arith.constant 16384 : i32
    %dma_start3A_109 = tpu.memref_slice %arg2[%add3A_97, %dma_start3A_108] : memref<64x32768xf32, #tpu.memory_space<hbm>> -> memref<1x8192xf32, #tpu.memory_space<hbm>>
    %dma_start3A_110 = tpu.memref_squeeze %dma_start3A_109 : memref<1x8192xf32, #tpu.memory_space<hbm>> -> memref<8192xf32, #tpu.memory_space<hbm>>
    tpu.enqueue_dma source(%dma_start3A_110 : memref<8192xf32, #tpu.memory_space<hbm>>) target(%dma_start3A_107 : memref<8192xf32, #tpu.memory_space<vmem>>) target_semaphore(%arg6 : memref<!tpu.dma_semaphore, #tpu.memory_space<semaphore_mem>>)
    %dma_wait3A_111 = arith.constant 1 : i32
    %dma_wait3A_112 = arith.constant 0 : i32
    %dma_wait3A_113 = tpu.memref_slice %arg4[%dma_wait3A_111, %dma_wait3A_112] : memref<2x8192xf32, #tpu.memory_space<vmem>> -> memref<1x8192xf32, #tpu.memory_space<vmem>>
    %dma_wait3A_114 = tpu.memref_squeeze %dma_wait3A_113 : memref<1x8192xf32, #tpu.memory_space<vmem>> -> memref<8192xf32, #tpu.memory_space<vmem>>
    %dma_wait3A_115 = arith.constant 8192 : i32
    %dma_wait3A_116 = tpu.memref_slice %arg2[%add3A_45, %dma_wait3A_115] : memref<64x32768xf32, #tpu.memory_space<hbm>> -> memref<1x8192xf32, #tpu.memory_space<hbm>>
    %dma_wait3A_117 = tpu.memref_squeeze %dma_wait3A_116 : memref<1x8192xf32, #tpu.memory_space<hbm>> -> memref<8192xf32, #tpu.memory_space<hbm>>
    %dma_wait3A_118 = arith.constant 0 : i32
    %dma_wait3A_119 = tpu.memref_slice %arg4[%dma_wait3A_111, %dma_wait3A_118] : memref<2x8192xf32, #tpu.memory_space<vmem>> -> memref<1x8192xf32, #tpu.memory_space<vmem>>
    %dma_wait3A_120 = tpu.memref_squeeze %dma_wait3A_119 : memref<1x8192xf32, #tpu.memory_space<vmem>> -> memref<8192xf32, #tpu.memory_space<vmem>>
    %dma_wait3A_121 = arith.constant 8192 : i32
    %dma_wait3A_122 = tpu.memref_slice %arg2[%add3A_45, %dma_wait3A_121] : memref<64x32768xf32, #tpu.memory_space<hbm>> -> memref<1x8192xf32, #tpu.memory_space<hbm>>
    %dma_wait3A_123 = tpu.memref_squeeze %dma_wait3A_122 : memref<1x8192xf32, #tpu.memory_space<hbm>> -> memref<8192xf32, #tpu.memory_space<hbm>>
    tpu.wait_dma2 semaphore(%arg7 : memref<!tpu.dma_semaphore, #tpu.memory_space<semaphore_mem>>) src(%dma_wait3A_123 : memref<8192xf32, #tpu.memory_space<hbm>>) dst(%dma_wait3A_120 : memref<8192xf32, #tpu.memory_space<vmem>>)
    %parallel_loop3A_124 = arith.constant 0 : i32
    %parallel_loop3A_125 = arith.constant 8192 : i32
    %parallel_loop3A_126 = arith.constant 16 : i32
    scf.for %parallel_loop3A_591 = %parallel_loop3A_124 to %parallel_loop3A_125 step %parallel_loop3A_126  : i32 {
      %parallel_loop3A_592 = arith.constant 1 : i32
      %parallel_loop3A_593 = arith.index_cast %parallel_loop3A_592 : i32 to index
      %parallel_loop3A_594 = arith.index_cast %parallel_loop3A_591 : i32 to index
      %parallel_loop3A_595 = tpu.vector_load %arg4[%parallel_loop3A_593, %parallel_loop3A_594] {strides = array<i32>} : memref<2x8192xf32, #tpu.memory_space<vmem>>, vector<1x16xf32>,
      %parallel_loop3A_596 = vector.shape_cast %parallel_loop3A_595 : vector<1x16xf32> to vector<16xf32>
      %parallel_loop3A_597 = arith.constant -4.000000e+00 : f32
      %parallel_loop3A_598 = vector.broadcast %parallel_loop3A_597 : f32 to vector<16xf32>
      %parallel_loop3A_599 = arith.subf %parallel_loop3A_596, %parallel_loop3A_598 : vector<16xf32>
      %parallel_loop3A_600 = arith.constant 2.000000e+00 : f32
      %parallel_loop3A_601 = vector.broadcast %parallel_loop3A_600 : f32 to vector<16xf32>
      %parallel_loop3A_602 = arith.mulf %parallel_loop3A_599, %parallel_loop3A_601 : vector<16xf32>
      %parallel_loop3A_603 = arith.constant 0.000000e+00 : f32
      %parallel_loop3A_604 = vector.broadcast %parallel_loop3A_603 : f32 to vector<16xf32>
      %parallel_loop3A_605 = arith.maximumf %parallel_loop3A_602, %parallel_loop3A_604 : vector<16xf32>
      %parallel_loop3A_606 = arith.constant 1.500000e+01 : f32
      %parallel_loop3A_607 = vector.broadcast %parallel_loop3A_606 : f32 to vector<16xf32>
      %parallel_loop3A_608 = arith.minimumf %parallel_loop3A_605, %parallel_loop3A_607 : vector<16xf32>
      %parallel_loop3A_609 = arith.fptosi %parallel_loop3A_608 : vector<16xf32> to vector<16xi32>
      %parallel_loop3A_610 = arith.sitofp %parallel_loop3A_609 : vector<16xi32> to vector<16xf32>
      %parallel_loop3A_611 = arith.cmpf one, %parallel_loop3A_610, %parallel_loop3A_608 : vector<16xf32>
      %parallel_loop3A_612 = arith.constant 1 : i32
      %parallel_loop3A_613 = vector.broadcast %parallel_loop3A_612 : i32 to vector<16xi32>
      %parallel_loop3A_614 = arith.addi %parallel_loop3A_609, %parallel_loop3A_613 : vector<16xi32>
      %parallel_loop3A_615 = arith.select %parallel_loop3A_611, %parallel_loop3A_614, %parallel_loop3A_609 : vector<16xi1>, vector<16xi32>
      %parallel_loop3A_616 = vector.shape_cast %parallel_loop3A_615 : vector<16xi32> to vector<16x1xi32>
      %parallel_loop3A_617 = vector.shape_cast %parallel_loop3A_616 : vector<16x1xi32> to vector<16xi32>
      %parallel_loop3A_618 = tpu.dynamic_gather %convert_element_type3A[%parallel_loop3A_617] in [0] : vector<16xf32>, vector<16xi32> -> vector<16xf32>
      %parallel_loop3A_619 = arith.constant 1 : i32
      %parallel_loop3A_620 = arith.constant 0 : i32
      %parallel_loop3A_621 = arith.index_cast %parallel_loop3A_619 : i32 to index
      %parallel_loop3A_622 = arith.index_cast %parallel_loop3A_620 : i32 to index
      %parallel_loop3A_623 = arith.index_cast %parallel_loop3A_591 : i32 to index
      %parallel_loop3A_624 = tpu.vector_load %arg5[%parallel_loop3A_621, %parallel_loop3A_622, %parallel_loop3A_623] {strides = array<i32>} : memref<2x4x8192xf32, #tpu.memory_space<vmem>>, vector<1x1x16xf32>,
      %parallel_loop3A_625 = vector.shape_cast %parallel_loop3A_624 : vector<1x1x16xf32> to vector<16xf32>
      %parallel_loop3A_626 = vector.shape_cast %parallel_loop3A_618 : vector<16xf32> to vector<1x1x16xf32>
      tpu.vector_store %arg5[%parallel_loop3A_621, %parallel_loop3A_622, %parallel_loop3A_623], %parallel_loop3A_626 {strides = array<i32>} : memref<2x4x8192xf32, #tpu.memory_space<vmem>>, vector<1x1x16xf32>,
      %parallel_loop3A_627 = vector.shape_cast %parallel_loop3A_615 : vector<16xi32> to vector<16x1xi32>
      %parallel_loop3A_628 = vector.shape_cast %parallel_loop3A_627 : vector<16x1xi32> to vector<16xi32>
      %parallel_loop3A_629 = tpu.dynamic_gather %convert_element_type3A_11[%parallel_loop3A_628] in [0] : vector<16xf32>, vector<16xi32> -> vector<16xf32>
      %parallel_loop3A_630 = arith.constant 1 : i32
      %parallel_loop3A_631 = arith.constant 1 : i32
      %parallel_loop3A_632 = arith.index_cast %parallel_loop3A_630 : i32 to index
      %parallel_loop3A_633 = arith.index_cast %parallel_loop3A_631 : i32 to index
      %parallel_loop3A_634 = arith.index_cast %parallel_loop3A_591 : i32 to index
      %parallel_loop3A_635 = tpu.vector_load %arg5[%parallel_loop3A_632, %parallel_loop3A_633, %parallel_loop3A_634] {strides = array<i32>} : memref<2x4x8192xf32, #tpu.memory_space<vmem>>, vector<1x1x16xf32>,
      %parallel_loop3A_636 = vector.shape_cast %parallel_loop3A_635 : vector<1x1x16xf32> to vector<16xf32>
      %parallel_loop3A_637 = vector.shape_cast %parallel_loop3A_629 : vector<16xf32> to vector<1x1x16xf32>
      tpu.vector_store %arg5[%parallel_loop3A_632, %parallel_loop3A_633, %parallel_loop3A_634], %parallel_loop3A_637 {strides = array<i32>} : memref<2x4x8192xf32, #tpu.memory_space<vmem>>, vector<1x1x16xf32>,
      %parallel_loop3A_638 = vector.shape_cast %parallel_loop3A_615 : vector<16xi32> to vector<16x1xi32>
      %parallel_loop3A_639 = vector.shape_cast %parallel_loop3A_638 : vector<16x1xi32> to vector<16xi32>
      %parallel_loop3A_640 = tpu.dynamic_gather %convert_element_type3A_18[%parallel_loop3A_639] in [0] : vector<16xf32>, vector<16xi32> -> vector<16xf32>
      %parallel_loop3A_641 = arith.constant 1 : i32
      %parallel_loop3A_642 = arith.constant 2 : i32
      %parallel_loop3A_643 = arith.index_cast %parallel_loop3A_641 : i32 to index
      %parallel_loop3A_644 = arith.index_cast %parallel_loop3A_642 : i32 to index
      %parallel_loop3A_645 = arith.index_cast %parallel_loop3A_591 : i32 to index
      %parallel_loop3A_646 = tpu.vector_load %arg5[%parallel_loop3A_643, %parallel_loop3A_644, %parallel_loop3A_645] {strides = array<i32>} : memref<2x4x8192xf32, #tpu.memory_space<vmem>>, vector<1x1x16xf32>,
      %parallel_loop3A_647 = vector.shape_cast %parallel_loop3A_646 : vector<1x1x16xf32> to vector<16xf32>
      %parallel_loop3A_648 = vector.shape_cast %parallel_loop3A_640 : vector<16xf32> to vector<1x1x16xf32>
      tpu.vector_store %arg5[%parallel_loop3A_643, %parallel_loop3A_644, %parallel_loop3A_645], %parallel_loop3A_648 {strides = array<i32>} : memref<2x4x8192xf32, #tpu.memory_space<vmem>>, vector<1x1x16xf32>,
      %parallel_loop3A_649 = vector.shape_cast %parallel_loop3A_615 : vector<16xi32> to vector<16x1xi32>
      %parallel_loop3A_650 = vector.shape_cast %parallel_loop3A_649 : vector<16x1xi32> to vector<16xi32>
      %parallel_loop3A_651 = tpu.dynamic_gather %convert_element_type3A_25[%parallel_loop3A_650] in [0] : vector<16xf32>, vector<16xi32> -> vector<16xf32>
      %parallel_loop3A_652 = arith.constant 1 : i32
      %parallel_loop3A_653 = arith.constant 3 : i32
      %parallel_loop3A_654 = arith.index_cast %parallel_loop3A_652 : i32 to index
      %parallel_loop3A_655 = arith.index_cast %parallel_loop3A_653 : i32 to index
      %parallel_loop3A_656 = arith.index_cast %parallel_loop3A_591 : i32 to index
      %parallel_loop3A_657 = tpu.vector_load %arg5[%parallel_loop3A_654, %parallel_loop3A_655, %parallel_loop3A_656] {strides = array<i32>} : memref<2x4x8192xf32, #tpu.memory_space<vmem>>, vector<1x1x16xf32>,
      %parallel_loop3A_658 = vector.shape_cast %parallel_loop3A_657 : vector<1x1x16xf32> to vector<16xf32>
      %parallel_loop3A_659 = vector.shape_cast %parallel_loop3A_651 : vector<16xf32> to vector<1x1x16xf32>
      tpu.vector_store %arg5[%parallel_loop3A_654, %parallel_loop3A_655, %parallel_loop3A_656], %parallel_loop3A_659 {strides = array<i32>} : memref<2x4x8192xf32, #tpu.memory_space<vmem>>, vector<1x1x16xf32>,
    } {sc.loop_unroll_factor = 4 : i64, sc.parallel_access}
    %mul3A_127 = arith.constant 2 : i32
    %mul3A_128 = arith.muli %add3A, %mul3A_127 : i32
    %add3A_129 = arith.constant 0 : i32
    %add3A_130 = arith.addi %mul3A_128, %add3A_129 : i32
    %dma_start3A_131 = arith.constant 1 : i32
    %dma_start3A_132 = arith.constant 0 : i32
    %dma_start3A_133 = arith.constant 0 : i32
    %dma_start3A_134 = tpu.memref_slice %arg5[%dma_start3A_131, %dma_start3A_132, %dma_start3A_133] : memref<2x4x8192xf32, #tpu.memory_space<vmem>> -> memref<1x4x8192xf32, #tpu.memory_space<vmem>>
    %dma_start3A_135 = tpu.memref_squeeze %dma_start3A_134 : memref<1x4x8192xf32, #tpu.memory_space<vmem>> -> memref<4x8192xf32, #tpu.memory_space<vmem>>
    %dma_start3A_136 = arith.constant 0 : i32
    %dma_start3A_137 = arith.constant 8192 : i32
    %dma_start3A_138 = tpu.memref_slice %arg3[%add3A_130, %dma_start3A_136, %dma_start3A_137] : memref<64x4x32768xf32, #tpu.memory_space<hbm>> -> memref<1x4x8192xf32, #tpu.memory_space<hbm>>
    %dma_start3A_139 = tpu.memref_squeeze %dma_start3A_138 : memref<1x4x8192xf32, #tpu.memory_space<hbm>> -> memref<4x8192xf32, #tpu.memory_space<hbm>>
    %dma_start3A_140 = arith.constant 0 : i32
    %dma_start3A_141 = arith.constant 8192 : i32
    %dma_start3A_142 = tpu.memref_slice %arg3[%add3A_130, %dma_start3A_140, %dma_start3A_141] : memref<64x4x32768xf32, #tpu.memory_space<hbm>> -> memref<1x4x8192xf32, #tpu.memory_space<hbm>>
    %dma_start3A_143 = tpu.memref_squeeze %dma_start3A_142 : memref<1x4x8192xf32, #tpu.memory_space<hbm>> -> memref<4x8192xf32, #tpu.memory_space<hbm>>
    %dma_start3A_144 = arith.constant 0 : i32
    %dma_start3A_145 = arith.constant 0 : i32
    %dma_start3A_146 = tpu.memref_slice %arg5[%dma_start3A_131, %dma_start3A_144, %dma_start3A_145] : memref<2x4x8192xf32, #tpu.memory_space<vmem>> -> memref<1x4x8192xf32, #tpu.memory_space<vmem>>
    %dma_start3A_147 = tpu.memref_squeeze %dma_start3A_146 : memref<1x4x8192xf32, #tpu.memory_space<vmem>> -> memref<4x8192xf32, #tpu.memory_space<vmem>>
    tpu.enqueue_dma source(%dma_start3A_147 : memref<4x8192xf32, #tpu.memory_space<vmem>>) target(%dma_start3A_143 : memref<4x8192xf32, #tpu.memory_space<hbm>>) target_semaphore(%arg9 : memref<!tpu.dma_semaphore, #tpu.memory_space<semaphore_mem>>)
    %mul3A_148 = arith.constant 2 : i32
    %mul3A_149 = arith.muli %add3A, %mul3A_148 : i32
    %add3A_150 = arith.constant 0 : i32
    %add3A_151 = arith.addi %mul3A_149, %add3A_150 : i32
    %dma_start3A_152 = arith.constant 1 : i32
    %dma_start3A_153 = arith.constant 0 : i32
    %dma_start3A_154 = tpu.memref_slice %arg4[%dma_start3A_152, %dma_start3A_153] : memref<2x8192xf32, #tpu.memory_space<vmem>> -> memref<1x8192xf32, #tpu.memory_space<vmem>>
    %dma_start3A_155 = tpu.memref_squeeze %dma_start3A_154 : memref<1x8192xf32, #tpu.memory_space<vmem>> -> memref<8192xf32, #tpu.memory_space<vmem>>
    %dma_start3A_156 = arith.constant 24576 : i32
    %dma_start3A_157 = tpu.memref_slice %arg2[%add3A_151, %dma_start3A_156] : memref<64x32768xf32, #tpu.memory_space<hbm>> -> memref<1x8192xf32, #tpu.memory_space<hbm>>
    %dma_start3A_158 = tpu.memref_squeeze %dma_start3A_157 : memref<1x8192xf32, #tpu.memory_space<hbm>> -> memref<8192xf32, #tpu.memory_space<hbm>>
    %dma_start3A_159 = arith.constant 0 : i32
    %dma_start3A_160 = tpu.memref_slice %arg4[%dma_start3A_152, %dma_start3A_159] : memref<2x8192xf32, #tpu.memory_space<vmem>> -> memref<1x8192xf32, #tpu.memory_space<vmem>>
    %dma_start3A_161 = tpu.memref_squeeze %dma_start3A_160 : memref<1x8192xf32, #tpu.memory_space<vmem>> -> memref<8192xf32, #tpu.memory_space<vmem>>
    %dma_start3A_162 = arith.constant 24576 : i32
    %dma_start3A_163 = tpu.memref_slice %arg2[%add3A_151, %dma_start3A_162] : memref<64x32768xf32, #tpu.memory_space<hbm>> -> memref<1x8192xf32, #tpu.memory_space<hbm>>
    %dma_start3A_164 = tpu.memref_squeeze %dma_start3A_163 : memref<1x8192xf32, #tpu.memory_space<hbm>> -> memref<8192xf32, #tpu.memory_space<hbm>>
    tpu.enqueue_dma source(%dma_start3A_164 : memref<8192xf32, #tpu.memory_space<hbm>>) target(%dma_start3A_161 : memref<8192xf32, #tpu.memory_space<vmem>>) target_semaphore(%arg7 : memref<!tpu.dma_semaphore, #tpu.memory_space<semaphore_mem>>)
    %dma_wait3A_165 = arith.constant 0 : i32
    %dma_wait3A_166 = arith.constant 0 : i32
    %dma_wait3A_167 = tpu.memref_slice %arg4[%dma_wait3A_165, %dma_wait3A_166] : memref<2x8192xf32, #tpu.memory_space<vmem>> -> memref<1x8192xf32, #tpu.memory_space<vmem>>
    %dma_wait3A_168 = tpu.memref_squeeze %dma_wait3A_167 : memref<1x8192xf32, #tpu.memory_space<vmem>> -> memref<8192xf32, #tpu.memory_space<vmem>>
    %dma_wait3A_169 = arith.constant 16384 : i32
    %dma_wait3A_170 = tpu.memref_slice %arg2[%add3A_97, %dma_wait3A_169] : memref<64x32768xf32, #tpu.memory_space<hbm>> -> memref<1x8192xf32, #tpu.memory_space<hbm>>
    %dma_wait3A_171 = tpu.memref_squeeze %dma_wait3A_170 : memref<1x8192xf32, #tpu.memory_space<hbm>> -> memref<8192xf32, #tpu.memory_space<hbm>>
    %dma_wait3A_172 = arith.constant 0 : i32
    %dma_wait3A_173 = tpu.memref_slice %arg4[%dma_wait3A_165, %dma_wait3A_172] : memref<2x8192xf32, #tpu.memory_space<vmem>> -> memref<1x8192xf32, #tpu.memory_space<vmem>>
    %dma_wait3A_174 = tpu.memref_squeeze %dma_wait3A_173 : memref<1x8192xf32, #tpu.memory_space<vmem>> -> memref<8192xf32, #tpu.memory_space<vmem>>
    %dma_wait3A_175 = arith.constant 16384 : i32
    %dma_wait3A_176 = tpu.memref_slice %arg2[%add3A_97, %dma_wait3A_175] : memref<64x32768xf32, #tpu.memory_space<hbm>> -> memref<1x8192xf32, #tpu.memory_space<hbm>>
    %dma_wait3A_177 = tpu.memref_squeeze %dma_wait3A_176 : memref<1x8192xf32, #tpu.memory_space<hbm>> -> memref<8192xf32, #tpu.memory_space<hbm>>
    tpu.wait_dma2 semaphore(%arg6 : memref<!tpu.dma_semaphore, #tpu.memory_space<semaphore_mem>>) src(%dma_wait3A_177 : memref<8192xf32, #tpu.memory_space<hbm>>) dst(%dma_wait3A_174 : memref<8192xf32, #tpu.memory_space<vmem>>)
    %dma_wait3A_178 = arith.constant 0 : i32
    %dma_wait3A_179 = arith.constant 0 : i32
    %dma_wait3A_180 = arith.constant 0 : i32
    %dma_wait3A_181 = tpu.memref_slice %arg5[%dma_wait3A_178, %dma_wait3A_179, %dma_wait3A_180] : memref<2x4x8192xf32, #tpu.memory_space<vmem>> -> memref<1x4x8192xf32, #tpu.memory_space<vmem>>
    %dma_wait3A_182 = tpu.memref_squeeze %dma_wait3A_181 : memref<1x4x8192xf32, #tpu.memory_space<vmem>> -> memref<4x8192xf32, #tpu.memory_space<vmem>>
    %dma_wait3A_183 = arith.constant 0 : i32
    %dma_wait3A_184 = arith.constant 0 : i32
    %dma_wait3A_185 = tpu.memref_slice %arg3[%add3A_76, %dma_wait3A_183, %dma_wait3A_184] : memref<64x4x32768xf32, #tpu.memory_space<hbm>> -> memref<1x4x8192xf32, #tpu.memory_space<hbm>>
    %dma_wait3A_186 = tpu.memref_squeeze %dma_wait3A_185 : memref<1x4x8192xf32, #tpu.memory_space<hbm>> -> memref<4x8192xf32, #tpu.memory_space<hbm>>
    %dma_wait3A_187 = arith.constant 0 : i32
    %dma_wait3A_188 = arith.constant 0 : i32
    %dma_wait3A_189 = tpu.memref_slice %arg3[%add3A_76, %dma_wait3A_187, %dma_wait3A_188] : memref<64x4x32768xf32, #tpu.memory_space<hbm>> -> memref<1x4x8192xf32, #tpu.memory_space<hbm>>
    %dma_wait3A_190 = tpu.memref_squeeze %dma_wait3A_189 : memref<1x4x8192xf32, #tpu.memory_space<hbm>> -> memref<4x8192xf32, #tpu.memory_space<hbm>>
    %dma_wait3A_191 = arith.constant 0 : i32
    %dma_wait3A_192 = arith.constant 0 : i32
    %dma_wait3A_193 = tpu.memref_slice %arg5[%dma_wait3A_178, %dma_wait3A_191, %dma_wait3A_192] : memref<2x4x8192xf32, #tpu.memory_space<vmem>> -> memref<1x4x8192xf32, #tpu.memory_space<vmem>>
    %dma_wait3A_194 = tpu.memref_squeeze %dma_wait3A_193 : memref<1x4x8192xf32, #tpu.memory_space<vmem>> -> memref<4x8192xf32, #tpu.memory_space<vmem>>
    tpu.wait_dma2 semaphore(%arg8 : memref<!tpu.dma_semaphore, #tpu.memory_space<semaphore_mem>>) src(%dma_wait3A_194 : memref<4x8192xf32, #tpu.memory_space<vmem>>) dst(%dma_wait3A_190 : memref<4x8192xf32, #tpu.memory_space<hbm>>)
    %parallel_loop3A_195 = arith.constant 0 : i32
    %parallel_loop3A_196 = arith.constant 8192 : i32
    %parallel_loop3A_197 = arith.constant 16 : i32
    scf.for %parallel_loop3A_591 = %parallel_loop3A_195 to %parallel_loop3A_196 step %parallel_loop3A_197  : i32 {
      %parallel_loop3A_592 = arith.constant 0 : i32
      %parallel_loop3A_593 = arith.index_cast %parallel_loop3A_592 : i32 to index
      %parallel_loop3A_594 = arith.index_cast %parallel_loop3A_591 : i32 to index
      %parallel_loop3A_595 = tpu.vector_load %arg4[%parallel_loop3A_593, %parallel_loop3A_594] {strides = array<i32>} : memref<2x8192xf32, #tpu.memory_space<vmem>>, vector<1x16xf32>,
      %parallel_loop3A_596 = vector.shape_cast %parallel_loop3A_595 : vector<1x16xf32> to vector<16xf32>
      %parallel_loop3A_597 = arith.constant -4.000000e+00 : f32
      %parallel_loop3A_598 = vector.broadcast %parallel_loop3A_597 : f32 to vector<16xf32>
      %parallel_loop3A_599 = arith.subf %parallel_loop3A_596, %parallel_loop3A_598 : vector<16xf32>
      %parallel_loop3A_600 = arith.constant 2.000000e+00 : f32
      %parallel_loop3A_601 = vector.broadcast %parallel_loop3A_600 : f32 to vector<16xf32>
      %parallel_loop3A_602 = arith.mulf %parallel_loop3A_599, %parallel_loop3A_601 : vector<16xf32>
      %parallel_loop3A_603 = arith.constant 0.000000e+00 : f32
      %parallel_loop3A_604 = vector.broadcast %parallel_loop3A_603 : f32 to vector<16xf32>
      %parallel_loop3A_605 = arith.maximumf %parallel_loop3A_602, %parallel_loop3A_604 : vector<16xf32>
      %parallel_loop3A_606 = arith.constant 1.500000e+01 : f32
      %parallel_loop3A_607 = vector.broadcast %parallel_loop3A_606 : f32 to vector<16xf32>
      %parallel_loop3A_608 = arith.minimumf %parallel_loop3A_605, %parallel_loop3A_607 : vector<16xf32>
      %parallel_loop3A_609 = arith.fptosi %parallel_loop3A_608 : vector<16xf32> to vector<16xi32>
      %parallel_loop3A_610 = arith.sitofp %parallel_loop3A_609 : vector<16xi32> to vector<16xf32>
      %parallel_loop3A_611 = arith.cmpf one, %parallel_loop3A_610, %parallel_loop3A_608 : vector<16xf32>
      %parallel_loop3A_612 = arith.constant 1 : i32
      %parallel_loop3A_613 = vector.broadcast %parallel_loop3A_612 : i32 to vector<16xi32>
      %parallel_loop3A_614 = arith.addi %parallel_loop3A_609, %parallel_loop3A_613 : vector<16xi32>
      %parallel_loop3A_615 = arith.select %parallel_loop3A_611, %parallel_loop3A_614, %parallel_loop3A_609 : vector<16xi1>, vector<16xi32>
      %parallel_loop3A_616 = vector.shape_cast %parallel_loop3A_615 : vector<16xi32> to vector<16x1xi32>
      %parallel_loop3A_617 = vector.shape_cast %parallel_loop3A_616 : vector<16x1xi32> to vector<16xi32>
      %parallel_loop3A_618 = tpu.dynamic_gather %convert_element_type3A[%parallel_loop3A_617] in [0] : vector<16xf32>, vector<16xi32> -> vector<16xf32>
      %parallel_loop3A_619 = arith.constant 0 : i32
      %parallel_loop3A_620 = arith.constant 0 : i32
      %parallel_loop3A_621 = arith.index_cast %parallel_loop3A_619 : i32 to index
      %parallel_loop3A_622 = arith.index_cast %parallel_loop3A_620 : i32 to index
      %parallel_loop3A_623 = arith.index_cast %parallel_loop3A_591 : i32 to index
      %parallel_loop3A_624 = tpu.vector_load %arg5[%parallel_loop3A_621, %parallel_loop3A_622, %parallel_loop3A_623] {strides = array<i32>} : memref<2x4x8192xf32, #tpu.memory_space<vmem>>, vector<1x1x16xf32>,
      %parallel_loop3A_625 = vector.shape_cast %parallel_loop3A_624 : vector<1x1x16xf32> to vector<16xf32>
      %parallel_loop3A_626 = vector.shape_cast %parallel_loop3A_618 : vector<16xf32> to vector<1x1x16xf32>
      tpu.vector_store %arg5[%parallel_loop3A_621, %parallel_loop3A_622, %parallel_loop3A_623], %parallel_loop3A_626 {strides = array<i32>} : memref<2x4x8192xf32, #tpu.memory_space<vmem>>, vector<1x1x16xf32>,
      %parallel_loop3A_627 = vector.shape_cast %parallel_loop3A_615 : vector<16xi32> to vector<16x1xi32>
      %parallel_loop3A_628 = vector.shape_cast %parallel_loop3A_627 : vector<16x1xi32> to vector<16xi32>
      %parallel_loop3A_629 = tpu.dynamic_gather %convert_element_type3A_11[%parallel_loop3A_628] in [0] : vector<16xf32>, vector<16xi32> -> vector<16xf32>
      %parallel_loop3A_630 = arith.constant 0 : i32
      %parallel_loop3A_631 = arith.constant 1 : i32
      %parallel_loop3A_632 = arith.index_cast %parallel_loop3A_630 : i32 to index
      %parallel_loop3A_633 = arith.index_cast %parallel_loop3A_631 : i32 to index
      %parallel_loop3A_634 = arith.index_cast %parallel_loop3A_591 : i32 to index
      %parallel_loop3A_635 = tpu.vector_load %arg5[%parallel_loop3A_632, %parallel_loop3A_633, %parallel_loop3A_634] {strides = array<i32>} : memref<2x4x8192xf32, #tpu.memory_space<vmem>>, vector<1x1x16xf32>,
      %parallel_loop3A_636 = vector.shape_cast %parallel_loop3A_635 : vector<1x1x16xf32> to vector<16xf32>
      %parallel_loop3A_637 = vector.shape_cast %parallel_loop3A_629 : vector<16xf32> to vector<1x1x16xf32>
      tpu.vector_store %arg5[%parallel_loop3A_632, %parallel_loop3A_633, %parallel_loop3A_634], %parallel_loop3A_637 {strides = array<i32>} : memref<2x4x8192xf32, #tpu.memory_space<vmem>>, vector<1x1x16xf32>,
      %parallel_loop3A_638 = vector.shape_cast %parallel_loop3A_615 : vector<16xi32> to vector<16x1xi32>
      %parallel_loop3A_639 = vector.shape_cast %parallel_loop3A_638 : vector<16x1xi32> to vector<16xi32>
      %parallel_loop3A_640 = tpu.dynamic_gather %convert_element_type3A_18[%parallel_loop3A_639] in [0] : vector<16xf32>, vector<16xi32> -> vector<16xf32>
      %parallel_loop3A_641 = arith.constant 0 : i32
      %parallel_loop3A_642 = arith.constant 2 : i32
      %parallel_loop3A_643 = arith.index_cast %parallel_loop3A_641 : i32 to index
      %parallel_loop3A_644 = arith.index_cast %parallel_loop3A_642 : i32 to index
      %parallel_loop3A_645 = arith.index_cast %parallel_loop3A_591 : i32 to index
      %parallel_loop3A_646 = tpu.vector_load %arg5[%parallel_loop3A_643, %parallel_loop3A_644, %parallel_loop3A_645] {strides = array<i32>} : memref<2x4x8192xf32, #tpu.memory_space<vmem>>, vector<1x1x16xf32>,
      %parallel_loop3A_647 = vector.shape_cast %parallel_loop3A_646 : vector<1x1x16xf32> to vector<16xf32>
      %parallel_loop3A_648 = vector.shape_cast %parallel_loop3A_640 : vector<16xf32> to vector<1x1x16xf32>
      tpu.vector_store %arg5[%parallel_loop3A_643, %parallel_loop3A_644, %parallel_loop3A_645], %parallel_loop3A_648 {strides = array<i32>} : memref<2x4x8192xf32, #tpu.memory_space<vmem>>, vector<1x1x16xf32>,
      %parallel_loop3A_649 = vector.shape_cast %parallel_loop3A_615 : vector<16xi32> to vector<16x1xi32>
      %parallel_loop3A_650 = vector.shape_cast %parallel_loop3A_649 : vector<16x1xi32> to vector<16xi32>
      %parallel_loop3A_651 = tpu.dynamic_gather %convert_element_type3A_25[%parallel_loop3A_650] in [0] : vector<16xf32>, vector<16xi32> -> vector<16xf32>
      %parallel_loop3A_652 = arith.constant 0 : i32
      %parallel_loop3A_653 = arith.constant 3 : i32
      %parallel_loop3A_654 = arith.index_cast %parallel_loop3A_652 : i32 to index
      %parallel_loop3A_655 = arith.index_cast %parallel_loop3A_653 : i32 to index
      %parallel_loop3A_656 = arith.index_cast %parallel_loop3A_591 : i32 to index
      %parallel_loop3A_657 = tpu.vector_load %arg5[%parallel_loop3A_654, %parallel_loop3A_655, %parallel_loop3A_656] {strides = array<i32>} : memref<2x4x8192xf32, #tpu.memory_space<vmem>>, vector<1x1x16xf32>,
      %parallel_loop3A_658 = vector.shape_cast %parallel_loop3A_657 : vector<1x1x16xf32> to vector<16xf32>
      %parallel_loop3A_659 = vector.shape_cast %parallel_loop3A_651 : vector<16xf32> to vector<1x1x16xf32>
      tpu.vector_store %arg5[%parallel_loop3A_654, %parallel_loop3A_655, %parallel_loop3A_656], %parallel_loop3A_659 {strides = array<i32>} : memref<2x4x8192xf32, #tpu.memory_space<vmem>>, vector<1x1x16xf32>,
    } {sc.loop_unroll_factor = 4 : i64, sc.parallel_access}
    %mul3A_198 = arith.constant 2 : i32
    %mul3A_199 = arith.muli %add3A, %mul3A_198 : i32
    %add3A_200 = arith.constant 0 : i32
    %add3A_201 = arith.addi %mul3A_199, %add3A_200 : i32
    %dma_start3A_202 = arith.constant 0 : i32
    %dma_start3A_203 = arith.constant 0 : i32
    %dma_start3A_204 = arith.constant 0 : i32
    %dma_start3A_205 = tpu.memref_slice %arg5[%dma_start3A_202, %dma_start3A_203, %dma_start3A_204] : memref<2x4x8192xf32, #tpu.memory_space<vmem>> -> memref<1x4x8192xf32, #tpu.memory_space<vmem>>
    %dma_start3A_206 = tpu.memref_squeeze %dma_start3A_205 : memref<1x4x8192xf32, #tpu.memory_space<vmem>> -> memref<4x8192xf32, #tpu.memory_space<vmem>>
    %dma_start3A_207 = arith.constant 0 : i32
    %dma_start3A_208 = arith.constant 16384 : i32
    %dma_start3A_209 = tpu.memref_slice %arg3[%add3A_201, %dma_start3A_207, %dma_start3A_208] : memref<64x4x32768xf32, #tpu.memory_space<hbm>> -> memref<1x4x8192xf32, #tpu.memory_space<hbm>>
    %dma_start3A_210 = tpu.memref_squeeze %dma_start3A_209 : memref<1x4x8192xf32, #tpu.memory_space<hbm>> -> memref<4x8192xf32, #tpu.memory_space<hbm>>
    %dma_start3A_211 = arith.constant 0 : i32
    %dma_start3A_212 = arith.constant 16384 : i32
    %dma_start3A_213 = tpu.memref_slice %arg3[%add3A_201, %dma_start3A_211, %dma_start3A_212] : memref<64x4x32768xf32, #tpu.memory_space<hbm>> -> memref<1x4x8192xf32, #tpu.memory_space<hbm>>
    %dma_start3A_214 = tpu.memref_squeeze %dma_start3A_213 : memref<1x4x8192xf32, #tpu.memory_space<hbm>> -> memref<4x8192xf32, #tpu.memory_space<hbm>>
    %dma_start3A_215 = arith.constant 0 : i32
    %dma_start3A_216 = arith.constant 0 : i32
    %dma_start3A_217 = tpu.memref_slice %arg5[%dma_start3A_202, %dma_start3A_215, %dma_start3A_216] : memref<2x4x8192xf32, #tpu.memory_space<vmem>> -> memref<1x4x8192xf32, #tpu.memory_space<vmem>>
    %dma_start3A_218 = tpu.memref_squeeze %dma_start3A_217 : memref<1x4x8192xf32, #tpu.memory_space<vmem>> -> memref<4x8192xf32, #tpu.memory_space<vmem>>
    tpu.enqueue_dma source(%dma_start3A_218 : memref<4x8192xf32, #tpu.memory_space<vmem>>) target(%dma_start3A_214 : memref<4x8192xf32, #tpu.memory_space<hbm>>) target_semaphore(%arg8 : memref<!tpu.dma_semaphore, #tpu.memory_space<semaphore_mem>>)
    %mul3A_219 = arith.constant 2 : i32
    %mul3A_220 = arith.muli %add3A, %mul3A_219 : i32
    %add3A_221 = arith.constant 1 : i32
    %add3A_222 = arith.addi %mul3A_220, %add3A_221 : i32
    %dma_start3A_223 = arith.constant 0 : i32
    %dma_start3A_224 = arith.constant 0 : i32
    %dma_start3A_225 = tpu.memref_slice %arg4[%dma_start3A_223, %dma_start3A_224] : memref<2x8192xf32, #tpu.memory_space<vmem>> -> memref<1x8192xf32, #tpu.memory_space<vmem>>
    %dma_start3A_226 = tpu.memref_squeeze %dma_start3A_225 : memref<1x8192xf32, #tpu.memory_space<vmem>> -> memref<8192xf32, #tpu.memory_space<vmem>>
    %dma_start3A_227 = arith.constant 0 : i32
    %dma_start3A_228 = tpu.memref_slice %arg2[%add3A_222, %dma_start3A_227] : memref<64x32768xf32, #tpu.memory_space<hbm>> -> memref<1x8192xf32, #tpu.memory_space<hbm>>
    %dma_start3A_229 = tpu.memref_squeeze %dma_start3A_228 : memref<1x8192xf32, #tpu.memory_space<hbm>> -> memref<8192xf32, #tpu.memory_space<hbm>>
    %dma_start3A_230 = arith.constant 0 : i32
    %dma_start3A_231 = tpu.memref_slice %arg4[%dma_start3A_223, %dma_start3A_230] : memref<2x8192xf32, #tpu.memory_space<vmem>> -> memref<1x8192xf32, #tpu.memory_space<vmem>>
    %dma_start3A_232 = tpu.memref_squeeze %dma_start3A_231 : memref<1x8192xf32, #tpu.memory_space<vmem>> -> memref<8192xf32, #tpu.memory_space<vmem>>
    %dma_start3A_233 = arith.constant 0 : i32
    %dma_start3A_234 = tpu.memref_slice %arg2[%add3A_222, %dma_start3A_233] : memref<64x32768xf32, #tpu.memory_space<hbm>> -> memref<1x8192xf32, #tpu.memory_space<hbm>>
    %dma_start3A_235 = tpu.memref_squeeze %dma_start3A_234 : memref<1x8192xf32, #tpu.memory_space<hbm>> -> memref<8192xf32, #tpu.memory_space<hbm>>
    tpu.enqueue_dma source(%dma_start3A_235 : memref<8192xf32, #tpu.memory_space<hbm>>) target(%dma_start3A_232 : memref<8192xf32, #tpu.memory_space<vmem>>) target_semaphore(%arg6 : memref<!tpu.dma_semaphore, #tpu.memory_space<semaphore_mem>>)
    %dma_wait3A_236 = arith.constant 1 : i32
    %dma_wait3A_237 = arith.constant 0 : i32
    %dma_wait3A_238 = tpu.memref_slice %arg4[%dma_wait3A_236, %dma_wait3A_237] : memref<2x8192xf32, #tpu.memory_space<vmem>> -> memref<1x8192xf32, #tpu.memory_space<vmem>>
    %dma_wait3A_239 = tpu.memref_squeeze %dma_wait3A_238 : memref<1x8192xf32, #tpu.memory_space<vmem>> -> memref<8192xf32, #tpu.memory_space<vmem>>
    %dma_wait3A_240 = arith.constant 24576 : i32
    %dma_wait3A_241 = tpu.memref_slice %arg2[%add3A_151, %dma_wait3A_240] : memref<64x32768xf32, #tpu.memory_space<hbm>> -> memref<1x8192xf32, #tpu.memory_space<hbm>>
    %dma_wait3A_242 = tpu.memref_squeeze %dma_wait3A_241 : memref<1x8192xf32, #tpu.memory_space<hbm>> -> memref<8192xf32, #tpu.memory_space<hbm>>
    %dma_wait3A_243 = arith.constant 0 : i32
    %dma_wait3A_244 = tpu.memref_slice %arg4[%dma_wait3A_236, %dma_wait3A_243] : memref<2x8192xf32, #tpu.memory_space<vmem>> -> memref<1x8192xf32, #tpu.memory_space<vmem>>
    %dma_wait3A_245 = tpu.memref_squeeze %dma_wait3A_244 : memref<1x8192xf32, #tpu.memory_space<vmem>> -> memref<8192xf32, #tpu.memory_space<vmem>>
    %dma_wait3A_246 = arith.constant 24576 : i32
    %dma_wait3A_247 = tpu.memref_slice %arg2[%add3A_151, %dma_wait3A_246] : memref<64x32768xf32, #tpu.memory_space<hbm>> -> memref<1x8192xf32, #tpu.memory_space<hbm>>
    %dma_wait3A_248 = tpu.memref_squeeze %dma_wait3A_247 : memref<1x8192xf32, #tpu.memory_space<hbm>> -> memref<8192xf32, #tpu.memory_space<hbm>>
    tpu.wait_dma2 semaphore(%arg7 : memref<!tpu.dma_semaphore, #tpu.memory_space<semaphore_mem>>) src(%dma_wait3A_248 : memref<8192xf32, #tpu.memory_space<hbm>>) dst(%dma_wait3A_245 : memref<8192xf32, #tpu.memory_space<vmem>>)
    %dma_wait3A_249 = arith.constant 1 : i32
    %dma_wait3A_250 = arith.constant 0 : i32
    %dma_wait3A_251 = arith.constant 0 : i32
    %dma_wait3A_252 = tpu.memref_slice %arg5[%dma_wait3A_249, %dma_wait3A_250, %dma_wait3A_251] : memref<2x4x8192xf32, #tpu.memory_space<vmem>> -> memref<1x4x8192xf32, #tpu.memory_space<vmem>>
    %dma_wait3A_253 = tpu.memref_squeeze %dma_wait3A_252 : memref<1x4x8192xf32, #tpu.memory_space<vmem>> -> memref<4x8192xf32, #tpu.memory_space<vmem>>
    %dma_wait3A_254 = arith.constant 0 : i32
    %dma_wait3A_255 = arith.constant 8192 : i32
    %dma_wait3A_256 = tpu.memref_slice %arg3[%add3A_130, %dma_wait3A_254, %dma_wait3A_255] : memref<64x4x32768xf32, #tpu.memory_space<hbm>> -> memref<1x4x8192xf32, #tpu.memory_space<hbm>>
    %dma_wait3A_257 = tpu.memref_squeeze %dma_wait3A_256 : memref<1x4x8192xf32, #tpu.memory_space<hbm>> -> memref<4x8192xf32, #tpu.memory_space<hbm>>
    %dma_wait3A_258 = arith.constant 0 : i32
    %dma_wait3A_259 = arith.constant 8192 : i32
    %dma_wait3A_260 = tpu.memref_slice %arg3[%add3A_130, %dma_wait3A_258, %dma_wait3A_259] : memref<64x4x32768xf32, #tpu.memory_space<hbm>> -> memref<1x4x8192xf32, #tpu.memory_space<hbm>>
    %dma_wait3A_261 = tpu.memref_squeeze %dma_wait3A_260 : memref<1x4x8192xf32, #tpu.memory_space<hbm>> -> memref<4x8192xf32, #tpu.memory_space<hbm>>
    %dma_wait3A_262 = arith.constant 0 : i32
    %dma_wait3A_263 = arith.constant 0 : i32
    %dma_wait3A_264 = tpu.memref_slice %arg5[%dma_wait3A_249, %dma_wait3A_262, %dma_wait3A_263] : memref<2x4x8192xf32, #tpu.memory_space<vmem>> -> memref<1x4x8192xf32, #tpu.memory_space<vmem>>
    %dma_wait3A_265 = tpu.memref_squeeze %dma_wait3A_264 : memref<1x4x8192xf32, #tpu.memory_space<vmem>> -> memref<4x8192xf32, #tpu.memory_space<vmem>>
    tpu.wait_dma2 semaphore(%arg9 : memref<!tpu.dma_semaphore, #tpu.memory_space<semaphore_mem>>) src(%dma_wait3A_265 : memref<4x8192xf32, #tpu.memory_space<vmem>>) dst(%dma_wait3A_261 : memref<4x8192xf32, #tpu.memory_space<hbm>>)
    %parallel_loop3A_266 = arith.constant 0 : i32
    %parallel_loop3A_267 = arith.constant 8192 : i32
    %parallel_loop3A_268 = arith.constant 16 : i32
    scf.for %parallel_loop3A_591 = %parallel_loop3A_266 to %parallel_loop3A_267 step %parallel_loop3A_268  : i32 {
      %parallel_loop3A_592 = arith.constant 1 : i32
      %parallel_loop3A_593 = arith.index_cast %parallel_loop3A_592 : i32 to index
      %parallel_loop3A_594 = arith.index_cast %parallel_loop3A_591 : i32 to index
      %parallel_loop3A_595 = tpu.vector_load %arg4[%parallel_loop3A_593, %parallel_loop3A_594] {strides = array<i32>} : memref<2x8192xf32, #tpu.memory_space<vmem>>, vector<1x16xf32>,
      %parallel_loop3A_596 = vector.shape_cast %parallel_loop3A_595 : vector<1x16xf32> to vector<16xf32>
      %parallel_loop3A_597 = arith.constant -4.000000e+00 : f32
      %parallel_loop3A_598 = vector.broadcast %parallel_loop3A_597 : f32 to vector<16xf32>
      %parallel_loop3A_599 = arith.subf %parallel_loop3A_596, %parallel_loop3A_598 : vector<16xf32>
      %parallel_loop3A_600 = arith.constant 2.000000e+00 : f32
      %parallel_loop3A_601 = vector.broadcast %parallel_loop3A_600 : f32 to vector<16xf32>
      %parallel_loop3A_602 = arith.mulf %parallel_loop3A_599, %parallel_loop3A_601 : vector<16xf32>
      %parallel_loop3A_603 = arith.constant 0.000000e+00 : f32
      %parallel_loop3A_604 = vector.broadcast %parallel_loop3A_603 : f32 to vector<16xf32>
      %parallel_loop3A_605 = arith.maximumf %parallel_loop3A_602, %parallel_loop3A_604 : vector<16xf32>
      %parallel_loop3A_606 = arith.constant 1.500000e+01 : f32
      %parallel_loop3A_607 = vector.broadcast %parallel_loop3A_606 : f32 to vector<16xf32>
      %parallel_loop3A_608 = arith.minimumf %parallel_loop3A_605, %parallel_loop3A_607 : vector<16xf32>
      %parallel_loop3A_609 = arith.fptosi %parallel_loop3A_608 : vector<16xf32> to vector<16xi32>
      %parallel_loop3A_610 = arith.sitofp %parallel_loop3A_609 : vector<16xi32> to vector<16xf32>
      %parallel_loop3A_611 = arith.cmpf one, %parallel_loop3A_610, %parallel_loop3A_608 : vector<16xf32>
      %parallel_loop3A_612 = arith.constant 1 : i32
      %parallel_loop3A_613 = vector.broadcast %parallel_loop3A_612 : i32 to vector<16xi32>
      %parallel_loop3A_614 = arith.addi %parallel_loop3A_609, %parallel_loop3A_613 : vector<16xi32>
      %parallel_loop3A_615 = arith.select %parallel_loop3A_611, %parallel_loop3A_614, %parallel_loop3A_609 : vector<16xi1>, vector<16xi32>
      %parallel_loop3A_616 = vector.shape_cast %parallel_loop3A_615 : vector<16xi32> to vector<16x1xi32>
      %parallel_loop3A_617 = vector.shape_cast %parallel_loop3A_616 : vector<16x1xi32> to vector<16xi32>
      %parallel_loop3A_618 = tpu.dynamic_gather %convert_element_type3A[%parallel_loop3A_617] in [0] : vector<16xf32>, vector<16xi32> -> vector<16xf32>
      %parallel_loop3A_619 = arith.constant 1 : i32
      %parallel_loop3A_620 = arith.constant 0 : i32
      %parallel_loop3A_621 = arith.index_cast %parallel_loop3A_619 : i32 to index
      %parallel_loop3A_622 = arith.index_cast %parallel_loop3A_620 : i32 to index
      %parallel_loop3A_623 = arith.index_cast %parallel_loop3A_591 : i32 to index
      %parallel_loop3A_624 = tpu.vector_load %arg5[%parallel_loop3A_621, %parallel_loop3A_622, %parallel_loop3A_623] {strides = array<i32>} : memref<2x4x8192xf32, #tpu.memory_space<vmem>>, vector<1x1x16xf32>,
      %parallel_loop3A_625 = vector.shape_cast %parallel_loop3A_624 : vector<1x1x16xf32> to vector<16xf32>
      %parallel_loop3A_626 = vector.shape_cast %parallel_loop3A_618 : vector<16xf32> to vector<1x1x16xf32>
      tpu.vector_store %arg5[%parallel_loop3A_621, %parallel_loop3A_622, %parallel_loop3A_623], %parallel_loop3A_626 {strides = array<i32>} : memref<2x4x8192xf32, #tpu.memory_space<vmem>>, vector<1x1x16xf32>,
      %parallel_loop3A_627 = vector.shape_cast %parallel_loop3A_615 : vector<16xi32> to vector<16x1xi32>
      %parallel_loop3A_628 = vector.shape_cast %parallel_loop3A_627 : vector<16x1xi32> to vector<16xi32>
      %parallel_loop3A_629 = tpu.dynamic_gather %convert_element_type3A_11[%parallel_loop3A_628] in [0] : vector<16xf32>, vector<16xi32> -> vector<16xf32>
      %parallel_loop3A_630 = arith.constant 1 : i32
      %parallel_loop3A_631 = arith.constant 1 : i32
      %parallel_loop3A_632 = arith.index_cast %parallel_loop3A_630 : i32 to index
      %parallel_loop3A_633 = arith.index_cast %parallel_loop3A_631 : i32 to index
      %parallel_loop3A_634 = arith.index_cast %parallel_loop3A_591 : i32 to index
      %parallel_loop3A_635 = tpu.vector_load %arg5[%parallel_loop3A_632, %parallel_loop3A_633, %parallel_loop3A_634] {strides = array<i32>} : memref<2x4x8192xf32, #tpu.memory_space<vmem>>, vector<1x1x16xf32>,
      %parallel_loop3A_636 = vector.shape_cast %parallel_loop3A_635 : vector<1x1x16xf32> to vector<16xf32>
      %parallel_loop3A_637 = vector.shape_cast %parallel_loop3A_629 : vector<16xf32> to vector<1x1x16xf32>
      tpu.vector_store %arg5[%parallel_loop3A_632, %parallel_loop3A_633, %parallel_loop3A_634], %parallel_loop3A_637 {strides = array<i32>} : memref<2x4x8192xf32, #tpu.memory_space<vmem>>, vector<1x1x16xf32>,
      %parallel_loop3A_638 = vector.shape_cast %parallel_loop3A_615 : vector<16xi32> to vector<16x1xi32>
      %parallel_loop3A_639 = vector.shape_cast %parallel_loop3A_638 : vector<16x1xi32> to vector<16xi32>
      %parallel_loop3A_640 = tpu.dynamic_gather %convert_element_type3A_18[%parallel_loop3A_639] in [0] : vector<16xf32>, vector<16xi32> -> vector<16xf32>
      %parallel_loop3A_641 = arith.constant 1 : i32
      %parallel_loop3A_642 = arith.constant 2 : i32
      %parallel_loop3A_643 = arith.index_cast %parallel_loop3A_641 : i32 to index
      %parallel_loop3A_644 = arith.index_cast %parallel_loop3A_642 : i32 to index
      %parallel_loop3A_645 = arith.index_cast %parallel_loop3A_591 : i32 to index
      %parallel_loop3A_646 = tpu.vector_load %arg5[%parallel_loop3A_643, %parallel_loop3A_644, %parallel_loop3A_645] {strides = array<i32>} : memref<2x4x8192xf32, #tpu.memory_space<vmem>>, vector<1x1x16xf32>,
      %parallel_loop3A_647 = vector.shape_cast %parallel_loop3A_646 : vector<1x1x16xf32> to vector<16xf32>
      %parallel_loop3A_648 = vector.shape_cast %parallel_loop3A_640 : vector<16xf32> to vector<1x1x16xf32>
      tpu.vector_store %arg5[%parallel_loop3A_643, %parallel_loop3A_644, %parallel_loop3A_645], %parallel_loop3A_648 {strides = array<i32>} : memref<2x4x8192xf32, #tpu.memory_space<vmem>>, vector<1x1x16xf32>,
      %parallel_loop3A_649 = vector.shape_cast %parallel_loop3A_615 : vector<16xi32> to vector<16x1xi32>
      %parallel_loop3A_650 = vector.shape_cast %parallel_loop3A_649 : vector<16x1xi32> to vector<16xi32>
      %parallel_loop3A_651 = tpu.dynamic_gather %convert_element_type3A_25[%parallel_loop3A_650] in [0] : vector<16xf32>, vector<16xi32> -> vector<16xf32>
      %parallel_loop3A_652 = arith.constant 1 : i32
      %parallel_loop3A_653 = arith.constant 3 : i32
      %parallel_loop3A_654 = arith.index_cast %parallel_loop3A_652 : i32 to index
      %parallel_loop3A_655 = arith.index_cast %parallel_loop3A_653 : i32 to index
      %parallel_loop3A_656 = arith.index_cast %parallel_loop3A_591 : i32 to index
      %parallel_loop3A_657 = tpu.vector_load %arg5[%parallel_loop3A_654, %parallel_loop3A_655, %parallel_loop3A_656] {strides = array<i32>} : memref<2x4x8192xf32, #tpu.memory_space<vmem>>, vector<1x1x16xf32>,
      %parallel_loop3A_658 = vector.shape_cast %parallel_loop3A_657 : vector<1x1x16xf32> to vector<16xf32>
      %parallel_loop3A_659 = vector.shape_cast %parallel_loop3A_651 : vector<16xf32> to vector<1x1x16xf32>
      tpu.vector_store %arg5[%parallel_loop3A_654, %parallel_loop3A_655, %parallel_loop3A_656], %parallel_loop3A_659 {strides = array<i32>} : memref<2x4x8192xf32, #tpu.memory_space<vmem>>, vector<1x1x16xf32>,
    } {sc.loop_unroll_factor = 4 : i64, sc.parallel_access}
    %mul3A_269 = arith.constant 2 : i32
    %mul3A_270 = arith.muli %add3A, %mul3A_269 : i32
    %add3A_271 = arith.constant 0 : i32
    %add3A_272 = arith.addi %mul3A_270, %add3A_271 : i32
    %dma_start3A_273 = arith.constant 1 : i32
    %dma_start3A_274 = arith.constant 0 : i32
    %dma_start3A_275 = arith.constant 0 : i32
    %dma_start3A_276 = tpu.memref_slice %arg5[%dma_start3A_273, %dma_start3A_274, %dma_start3A_275] : memref<2x4x8192xf32, #tpu.memory_space<vmem>> -> memref<1x4x8192xf32, #tpu.memory_space<vmem>>
    %dma_start3A_277 = tpu.memref_squeeze %dma_start3A_276 : memref<1x4x8192xf32, #tpu.memory_space<vmem>> -> memref<4x8192xf32, #tpu.memory_space<vmem>>
    %dma_start3A_278 = arith.constant 0 : i32
    %dma_start3A_279 = arith.constant 24576 : i32
    %dma_start3A_280 = tpu.memref_slice %arg3[%add3A_272, %dma_start3A_278, %dma_start3A_279] : memref<64x4x32768xf32, #tpu.memory_space<hbm>> -> memref<1x4x8192xf32, #tpu.memory_space<hbm>>
    %dma_start3A_281 = tpu.memref_squeeze %dma_start3A_280 : memref<1x4x8192xf32, #tpu.memory_space<hbm>> -> memref<4x8192xf32, #tpu.memory_space<hbm>>
    %dma_start3A_282 = arith.constant 0 : i32
    %dma_start3A_283 = arith.constant 24576 : i32
    %dma_start3A_284 = tpu.memref_slice %arg3[%add3A_272, %dma_start3A_282, %dma_start3A_283] : memref<64x4x32768xf32, #tpu.memory_space<hbm>> -> memref<1x4x8192xf32, #tpu.memory_space<hbm>>
    %dma_start3A_285 = tpu.memref_squeeze %dma_start3A_284 : memref<1x4x8192xf32, #tpu.memory_space<hbm>> -> memref<4x8192xf32, #tpu.memory_space<hbm>>
    %dma_start3A_286 = arith.constant 0 : i32
    %dma_start3A_287 = arith.constant 0 : i32
    %dma_start3A_288 = tpu.memref_slice %arg5[%dma_start3A_273, %dma_start3A_286, %dma_start3A_287] : memref<2x4x8192xf32, #tpu.memory_space<vmem>> -> memref<1x4x8192xf32, #tpu.memory_space<vmem>>
    %dma_start3A_289 = tpu.memref_squeeze %dma_start3A_288 : memref<1x4x8192xf32, #tpu.memory_space<vmem>> -> memref<4x8192xf32, #tpu.memory_space<vmem>>
    tpu.enqueue_dma source(%dma_start3A_289 : memref<4x8192xf32, #tpu.memory_space<vmem>>) target(%dma_start3A_285 : memref<4x8192xf32, #tpu.memory_space<hbm>>) target_semaphore(%arg9 : memref<!tpu.dma_semaphore, #tpu.memory_space<semaphore_mem>>)
    %mul3A_290 = arith.constant 2 : i32
    %mul3A_291 = arith.muli %add3A, %mul3A_290 : i32
    %add3A_292 = arith.constant 1 : i32
    %add3A_293 = arith.addi %mul3A_291, %add3A_292 : i32
    %dma_start3A_294 = arith.constant 1 : i32
    %dma_start3A_295 = arith.constant 0 : i32
    %dma_start3A_296 = tpu.memref_slice %arg4[%dma_start3A_294, %dma_start3A_295] : memref<2x8192xf32, #tpu.memory_space<vmem>> -> memref<1x8192xf32, #tpu.memory_space<vmem>>
    %dma_start3A_297 = tpu.memref_squeeze %dma_start3A_296 : memref<1x8192xf32, #tpu.memory_space<vmem>> -> memref<8192xf32, #tpu.memory_space<vmem>>
    %dma_start3A_298 = arith.constant 8192 : i32
    %dma_start3A_299 = tpu.memref_slice %arg2[%add3A_293, %dma_start3A_298] : memref<64x32768xf32, #tpu.memory_space<hbm>> -> memref<1x8192xf32, #tpu.memory_space<hbm>>
    %dma_start3A_300 = tpu.memref_squeeze %dma_start3A_299 : memref<1x8192xf32, #tpu.memory_space<hbm>> -> memref<8192xf32, #tpu.memory_space<hbm>>
    %dma_start3A_301 = arith.constant 0 : i32
    %dma_start3A_302 = tpu.memref_slice %arg4[%dma_start3A_294, %dma_start3A_301] : memref<2x8192xf32, #tpu.memory_space<vmem>> -> memref<1x8192xf32, #tpu.memory_space<vmem>>
    %dma_start3A_303 = tpu.memref_squeeze %dma_start3A_302 : memref<1x8192xf32, #tpu.memory_space<vmem>> -> memref<8192xf32, #tpu.memory_space<vmem>>
    %dma_start3A_304 = arith.constant 8192 : i32
    %dma_start3A_305 = tpu.memref_slice %arg2[%add3A_293, %dma_start3A_304] : memref<64x32768xf32, #tpu.memory_space<hbm>> -> memref<1x8192xf32, #tpu.memory_space<hbm>>
    %dma_start3A_306 = tpu.memref_squeeze %dma_start3A_305 : memref<1x8192xf32, #tpu.memory_space<hbm>> -> memref<8192xf32, #tpu.memory_space<hbm>>
    tpu.enqueue_dma source(%dma_start3A_306 : memref<8192xf32, #tpu.memory_space<hbm>>) target(%dma_start3A_303 : memref<8192xf32, #tpu.memory_space<vmem>>) target_semaphore(%arg7 : memref<!tpu.dma_semaphore, #tpu.memory_space<semaphore_mem>>)
    %dma_wait3A_307 = arith.constant 0 : i32
    %dma_wait3A_308 = arith.constant 0 : i32
    %dma_wait3A_309 = tpu.memref_slice %arg4[%dma_wait3A_307, %dma_wait3A_308] : memref<2x8192xf32, #tpu.memory_space<vmem>> -> memref<1x8192xf32, #tpu.memory_space<vmem>>
    %dma_wait3A_310 = tpu.memref_squeeze %dma_wait3A_309 : memref<1x8192xf32, #tpu.memory_space<vmem>> -> memref<8192xf32, #tpu.memory_space<vmem>>
    %dma_wait3A_311 = arith.constant 0 : i32
    %dma_wait3A_312 = tpu.memref_slice %arg2[%add3A_222, %dma_wait3A_311] : memref<64x32768xf32, #tpu.memory_space<hbm>> -> memref<1x8192xf32, #tpu.memory_space<hbm>>
    %dma_wait3A_313 = tpu.memref_squeeze %dma_wait3A_312 : memref<1x8192xf32, #tpu.memory_space<hbm>> -> memref<8192xf32, #tpu.memory_space<hbm>>
    %dma_wait3A_314 = arith.constant 0 : i32
    %dma_wait3A_315 = tpu.memref_slice %arg4[%dma_wait3A_307, %dma_wait3A_314] : memref<2x8192xf32, #tpu.memory_space<vmem>> -> memref<1x8192xf32, #tpu.memory_space<vmem>>
    %dma_wait3A_316 = tpu.memref_squeeze %dma_wait3A_315 : memref<1x8192xf32, #tpu.memory_space<vmem>> -> memref<8192xf32, #tpu.memory_space<vmem>>
    %dma_wait3A_317 = arith.constant 0 : i32
    %dma_wait3A_318 = tpu.memref_slice %arg2[%add3A_222, %dma_wait3A_317] : memref<64x32768xf32, #tpu.memory_space<hbm>> -> memref<1x8192xf32, #tpu.memory_space<hbm>>
    %dma_wait3A_319 = tpu.memref_squeeze %dma_wait3A_318 : memref<1x8192xf32, #tpu.memory_space<hbm>> -> memref<8192xf32, #tpu.memory_space<hbm>>
    tpu.wait_dma2 semaphore(%arg6 : memref<!tpu.dma_semaphore, #tpu.memory_space<semaphore_mem>>) src(%dma_wait3A_319 : memref<8192xf32, #tpu.memory_space<hbm>>) dst(%dma_wait3A_316 : memref<8192xf32, #tpu.memory_space<vmem>>)
    %dma_wait3A_320 = arith.constant 0 : i32
    %dma_wait3A_321 = arith.constant 0 : i32
    %dma_wait3A_322 = arith.constant 0 : i32
    %dma_wait3A_323 = tpu.memref_slice %arg5[%dma_wait3A_320, %dma_wait3A_321, %dma_wait3A_322] : memref<2x4x8192xf32, #tpu.memory_space<vmem>> -> memref<1x4x8192xf32, #tpu.memory_space<vmem>>
    %dma_wait3A_324 = tpu.memref_squeeze %dma_wait3A_323 : memref<1x4x8192xf32, #tpu.memory_space<vmem>> -> memref<4x8192xf32, #tpu.memory_space<vmem>>
    %dma_wait3A_325 = arith.constant 0 : i32
    %dma_wait3A_326 = arith.constant 16384 : i32
    %dma_wait3A_327 = tpu.memref_slice %arg3[%add3A_201, %dma_wait3A_325, %dma_wait3A_326] : memref<64x4x32768xf32, #tpu.memory_space<hbm>> -> memref<1x4x8192xf32, #tpu.memory_space<hbm>>
    %dma_wait3A_328 = tpu.memref_squeeze %dma_wait3A_327 : memref<1x4x8192xf32, #tpu.memory_space<hbm>> -> memref<4x8192xf32, #tpu.memory_space<hbm>>
    %dma_wait3A_329 = arith.constant 0 : i32
    %dma_wait3A_330 = arith.constant 16384 : i32
    %dma_wait3A_331 = tpu.memref_slice %arg3[%add3A_201, %dma_wait3A_329, %dma_wait3A_330] : memref<64x4x32768xf32, #tpu.memory_space<hbm>> -> memref<1x4x8192xf32, #tpu.memory_space<hbm>>
    %dma_wait3A_332 = tpu.memref_squeeze %dma_wait3A_331 : memref<1x4x8192xf32, #tpu.memory_space<hbm>> -> memref<4x8192xf32, #tpu.memory_space<hbm>>
    %dma_wait3A_333 = arith.constant 0 : i32
    %dma_wait3A_334 = arith.constant 0 : i32
    %dma_wait3A_335 = tpu.memref_slice %arg5[%dma_wait3A_320, %dma_wait3A_333, %dma_wait3A_334] : memref<2x4x8192xf32, #tpu.memory_space<vmem>> -> memref<1x4x8192xf32, #tpu.memory_space<vmem>>
    %dma_wait3A_336 = tpu.memref_squeeze %dma_wait3A_335 : memref<1x4x8192xf32, #tpu.memory_space<vmem>> -> memref<4x8192xf32, #tpu.memory_space<vmem>>
    tpu.wait_dma2 semaphore(%arg8 : memref<!tpu.dma_semaphore, #tpu.memory_space<semaphore_mem>>) src(%dma_wait3A_336 : memref<4x8192xf32, #tpu.memory_space<vmem>>) dst(%dma_wait3A_332 : memref<4x8192xf32, #tpu.memory_space<hbm>>)
    %parallel_loop3A_337 = arith.constant 0 : i32
    %parallel_loop3A_338 = arith.constant 8192 : i32
    %parallel_loop3A_339 = arith.constant 16 : i32
    scf.for %parallel_loop3A_591 = %parallel_loop3A_337 to %parallel_loop3A_338 step %parallel_loop3A_339  : i32 {
      %parallel_loop3A_592 = arith.constant 0 : i32
      %parallel_loop3A_593 = arith.index_cast %parallel_loop3A_592 : i32 to index
      %parallel_loop3A_594 = arith.index_cast %parallel_loop3A_591 : i32 to index
      %parallel_loop3A_595 = tpu.vector_load %arg4[%parallel_loop3A_593, %parallel_loop3A_594] {strides = array<i32>} : memref<2x8192xf32, #tpu.memory_space<vmem>>, vector<1x16xf32>,
      %parallel_loop3A_596 = vector.shape_cast %parallel_loop3A_595 : vector<1x16xf32> to vector<16xf32>
      %parallel_loop3A_597 = arith.constant -4.000000e+00 : f32
      %parallel_loop3A_598 = vector.broadcast %parallel_loop3A_597 : f32 to vector<16xf32>
      %parallel_loop3A_599 = arith.subf %parallel_loop3A_596, %parallel_loop3A_598 : vector<16xf32>
      %parallel_loop3A_600 = arith.constant 2.000000e+00 : f32
      %parallel_loop3A_601 = vector.broadcast %parallel_loop3A_600 : f32 to vector<16xf32>
      %parallel_loop3A_602 = arith.mulf %parallel_loop3A_599, %parallel_loop3A_601 : vector<16xf32>
      %parallel_loop3A_603 = arith.constant 0.000000e+00 : f32
      %parallel_loop3A_604 = vector.broadcast %parallel_loop3A_603 : f32 to vector<16xf32>
      %parallel_loop3A_605 = arith.maximumf %parallel_loop3A_602, %parallel_loop3A_604 : vector<16xf32>
      %parallel_loop3A_606 = arith.constant 1.500000e+01 : f32
      %parallel_loop3A_607 = vector.broadcast %parallel_loop3A_606 : f32 to vector<16xf32>
      %parallel_loop3A_608 = arith.minimumf %parallel_loop3A_605, %parallel_loop3A_607 : vector<16xf32>
      %parallel_loop3A_609 = arith.fptosi %parallel_loop3A_608 : vector<16xf32> to vector<16xi32>
      %parallel_loop3A_610 = arith.sitofp %parallel_loop3A_609 : vector<16xi32> to vector<16xf32>
      %parallel_loop3A_611 = arith.cmpf one, %parallel_loop3A_610, %parallel_loop3A_608 : vector<16xf32>
      %parallel_loop3A_612 = arith.constant 1 : i32
      %parallel_loop3A_613 = vector.broadcast %parallel_loop3A_612 : i32 to vector<16xi32>
      %parallel_loop3A_614 = arith.addi %parallel_loop3A_609, %parallel_loop3A_613 : vector<16xi32>
      %parallel_loop3A_615 = arith.select %parallel_loop3A_611, %parallel_loop3A_614, %parallel_loop3A_609 : vector<16xi1>, vector<16xi32>
      %parallel_loop3A_616 = vector.shape_cast %parallel_loop3A_615 : vector<16xi32> to vector<16x1xi32>
      %parallel_loop3A_617 = vector.shape_cast %parallel_loop3A_616 : vector<16x1xi32> to vector<16xi32>
      %parallel_loop3A_618 = tpu.dynamic_gather %convert_element_type3A[%parallel_loop3A_617] in [0] : vector<16xf32>, vector<16xi32> -> vector<16xf32>
      %parallel_loop3A_619 = arith.constant 0 : i32
      %parallel_loop3A_620 = arith.constant 0 : i32
      %parallel_loop3A_621 = arith.index_cast %parallel_loop3A_619 : i32 to index
      %parallel_loop3A_622 = arith.index_cast %parallel_loop3A_620 : i32 to index
      %parallel_loop3A_623 = arith.index_cast %parallel_loop3A_591 : i32 to index
      %parallel_loop3A_624 = tpu.vector_load %arg5[%parallel_loop3A_621, %parallel_loop3A_622, %parallel_loop3A_623] {strides = array<i32>} : memref<2x4x8192xf32, #tpu.memory_space<vmem>>, vector<1x1x16xf32>,
      %parallel_loop3A_625 = vector.shape_cast %parallel_loop3A_624 : vector<1x1x16xf32> to vector<16xf32>
      %parallel_loop3A_626 = vector.shape_cast %parallel_loop3A_618 : vector<16xf32> to vector<1x1x16xf32>
      tpu.vector_store %arg5[%parallel_loop3A_621, %parallel_loop3A_622, %parallel_loop3A_623], %parallel_loop3A_626 {strides = array<i32>} : memref<2x4x8192xf32, #tpu.memory_space<vmem>>, vector<1x1x16xf32>,
      %parallel_loop3A_627 = vector.shape_cast %parallel_loop3A_615 : vector<16xi32> to vector<16x1xi32>
      %parallel_loop3A_628 = vector.shape_cast %parallel_loop3A_627 : vector<16x1xi32> to vector<16xi32>
      %parallel_loop3A_629 = tpu.dynamic_gather %convert_element_type3A_11[%parallel_loop3A_628] in [0] : vector<16xf32>, vector<16xi32> -> vector<16xf32>
      %parallel_loop3A_630 = arith.constant 0 : i32
      %parallel_loop3A_631 = arith.constant 1 : i32
      %parallel_loop3A_632 = arith.index_cast %parallel_loop3A_630 : i32 to index
      %parallel_loop3A_633 = arith.index_cast %parallel_loop3A_631 : i32 to index
      %parallel_loop3A_634 = arith.index_cast %parallel_loop3A_591 : i32 to index
      %parallel_loop3A_635 = tpu.vector_load %arg5[%parallel_loop3A_632, %parallel_loop3A_633, %parallel_loop3A_634] {strides = array<i32>} : memref<2x4x8192xf32, #tpu.memory_space<vmem>>, vector<1x1x16xf32>,
      %parallel_loop3A_636 = vector.shape_cast %parallel_loop3A_635 : vector<1x1x16xf32> to vector<16xf32>
      %parallel_loop3A_637 = vector.shape_cast %parallel_loop3A_629 : vector<16xf32> to vector<1x1x16xf32>
      tpu.vector_store %arg5[%parallel_loop3A_632, %parallel_loop3A_633, %parallel_loop3A_634], %parallel_loop3A_637 {strides = array<i32>} : memref<2x4x8192xf32, #tpu.memory_space<vmem>>, vector<1x1x16xf32>,
      %parallel_loop3A_638 = vector.shape_cast %parallel_loop3A_615 : vector<16xi32> to vector<16x1xi32>
      %parallel_loop3A_639 = vector.shape_cast %parallel_loop3A_638 : vector<16x1xi32> to vector<16xi32>
      %parallel_loop3A_640 = tpu.dynamic_gather %convert_element_type3A_18[%parallel_loop3A_639] in [0] : vector<16xf32>, vector<16xi32> -> vector<16xf32>
      %parallel_loop3A_641 = arith.constant 0 : i32
      %parallel_loop3A_642 = arith.constant 2 : i32
      %parallel_loop3A_643 = arith.index_cast %parallel_loop3A_641 : i32 to index
      %parallel_loop3A_644 = arith.index_cast %parallel_loop3A_642 : i32 to index
      %parallel_loop3A_645 = arith.index_cast %parallel_loop3A_591 : i32 to index
      %parallel_loop3A_646 = tpu.vector_load %arg5[%parallel_loop3A_643, %parallel_loop3A_644, %parallel_loop3A_645] {strides = array<i32>} : memref<2x4x8192xf32, #tpu.memory_space<vmem>>, vector<1x1x16xf32>,
      %parallel_loop3A_647 = vector.shape_cast %parallel_loop3A_646 : vector<1x1x16xf32> to vector<16xf32>
      %parallel_loop3A_648 = vector.shape_cast %parallel_loop3A_640 : vector<16xf32> to vector<1x1x16xf32>
      tpu.vector_store %arg5[%parallel_loop3A_643, %parallel_loop3A_644, %parallel_loop3A_645], %parallel_loop3A_648 {strides = array<i32>} : memref<2x4x8192xf32, #tpu.memory_space<vmem>>, vector<1x1x16xf32>,
      %parallel_loop3A_649 = vector.shape_cast %parallel_loop3A_615 : vector<16xi32> to vector<16x1xi32>
      %parallel_loop3A_650 = vector.shape_cast %parallel_loop3A_649 : vector<16x1xi32> to vector<16xi32>
      %parallel_loop3A_651 = tpu.dynamic_gather %convert_element_type3A_25[%parallel_loop3A_650] in [0] : vector<16xf32>, vector<16xi32> -> vector<16xf32>
      %parallel_loop3A_652 = arith.constant 0 : i32
      %parallel_loop3A_653 = arith.constant 3 : i32
      %parallel_loop3A_654 = arith.index_cast %parallel_loop3A_652 : i32 to index
      %parallel_loop3A_655 = arith.index_cast %parallel_loop3A_653 : i32 to index
      %parallel_loop3A_656 = arith.index_cast %parallel_loop3A_591 : i32 to index
      %parallel_loop3A_657 = tpu.vector_load %arg5[%parallel_loop3A_654, %parallel_loop3A_655, %parallel_loop3A_656] {strides = array<i32>} : memref<2x4x8192xf32, #tpu.memory_space<vmem>>, vector<1x1x16xf32>,
      %parallel_loop3A_658 = vector.shape_cast %parallel_loop3A_657 : vector<1x1x16xf32> to vector<16xf32>
      %parallel_loop3A_659 = vector.shape_cast %parallel_loop3A_651 : vector<16xf32> to vector<1x1x16xf32>
      tpu.vector_store %arg5[%parallel_loop3A_654, %parallel_loop3A_655, %parallel_loop3A_656], %parallel_loop3A_659 {strides = array<i32>} : memref<2x4x8192xf32, #tpu.memory_space<vmem>>, vector<1x1x16xf32>,
    } {sc.loop_unroll_factor = 4 : i64, sc.parallel_access}
    %mul3A_340 = arith.constant 2 : i32
    %mul3A_341 = arith.muli %add3A, %mul3A_340 : i32
    %add3A_342 = arith.constant 1 : i32
    %add3A_343 = arith.addi %mul3A_341, %add3A_342 : i32
    %dma_start3A_344 = arith.constant 0 : i32
    %dma_start3A_345 = arith.constant 0 : i32
    %dma_start3A_346 = arith.constant 0 : i32
    %dma_start3A_347 = tpu.memref_slice %arg5[%dma_start3A_344, %dma_start3A_345, %dma_start3A_346] : memref<2x4x8192xf32, #tpu.memory_space<vmem>> -> memref<1x4x8192xf32, #tpu.memory_space<vmem>>
    %dma_start3A_348 = tpu.memref_squeeze %dma_start3A_347 : memref<1x4x8192xf32, #tpu.memory_space<vmem>> -> memref<4x8192xf32, #tpu.memory_space<vmem>>
    %dma_start3A_349 = arith.constant 0 : i32
    %dma_start3A_350 = arith.constant 0 : i32
    %dma_start3A_351 = tpu.memref_slice %arg3[%add3A_343, %dma_start3A_349, %dma_start3A_350] : memref<64x4x32768xf32, #tpu.memory_space<hbm>> -> memref<1x4x8192xf32, #tpu.memory_space<hbm>>
    %dma_start3A_352 = tpu.memref_squeeze %dma_start3A_351 : memref<1x4x8192xf32, #tpu.memory_space<hbm>> -> memref<4x8192xf32, #tpu.memory_space<hbm>>
    %dma_start3A_353 = arith.constant 0 : i32
    %dma_start3A_354 = arith.constant 0 : i32
    %dma_start3A_355 = tpu.memref_slice %arg3[%add3A_343, %dma_start3A_353, %dma_start3A_354] : memref<64x4x32768xf32, #tpu.memory_space<hbm>> -> memref<1x4x8192xf32, #tpu.memory_space<hbm>>
    %dma_start3A_356 = tpu.memref_squeeze %dma_start3A_355 : memref<1x4x8192xf32, #tpu.memory_space<hbm>> -> memref<4x8192xf32, #tpu.memory_space<hbm>>
    %dma_start3A_357 = arith.constant 0 : i32
    %dma_start3A_358 = arith.constant 0 : i32
    %dma_start3A_359 = tpu.memref_slice %arg5[%dma_start3A_344, %dma_start3A_357, %dma_start3A_358] : memref<2x4x8192xf32, #tpu.memory_space<vmem>> -> memref<1x4x8192xf32, #tpu.memory_space<vmem>>
    %dma_start3A_360 = tpu.memref_squeeze %dma_start3A_359 : memref<1x4x8192xf32, #tpu.memory_space<vmem>> -> memref<4x8192xf32, #tpu.memory_space<vmem>>
    tpu.enqueue_dma source(%dma_start3A_360 : memref<4x8192xf32, #tpu.memory_space<vmem>>) target(%dma_start3A_356 : memref<4x8192xf32, #tpu.memory_space<hbm>>) target_semaphore(%arg8 : memref<!tpu.dma_semaphore, #tpu.memory_space<semaphore_mem>>)
    %mul3A_361 = arith.constant 2 : i32
    %mul3A_362 = arith.muli %add3A, %mul3A_361 : i32
    %add3A_363 = arith.constant 1 : i32
    %add3A_364 = arith.addi %mul3A_362, %add3A_363 : i32
    %dma_start3A_365 = arith.constant 0 : i32
    %dma_start3A_366 = arith.constant 0 : i32
    %dma_start3A_367 = tpu.memref_slice %arg4[%dma_start3A_365, %dma_start3A_366] : memref<2x8192xf32, #tpu.memory_space<vmem>> -> memref<1x8192xf32, #tpu.memory_space<vmem>>
    %dma_start3A_368 = tpu.memref_squeeze %dma_start3A_367 : memref<1x8192xf32, #tpu.memory_space<vmem>> -> memref<8192xf32, #tpu.memory_space<vmem>>
    %dma_start3A_369 = arith.constant 16384 : i32
    %dma_start3A_370 = tpu.memref_slice %arg2[%add3A_364, %dma_start3A_369] : memref<64x32768xf32, #tpu.memory_space<hbm>> -> memref<1x8192xf32, #tpu.memory_space<hbm>>
    %dma_start3A_371 = tpu.memref_squeeze %dma_start3A_370 : memref<1x8192xf32, #tpu.memory_space<hbm>> -> memref<8192xf32, #tpu.memory_space<hbm>>
    %dma_start3A_372 = arith.constant 0 : i32
    %dma_start3A_373 = tpu.memref_slice %arg4[%dma_start3A_365, %dma_start3A_372] : memref<2x8192xf32, #tpu.memory_space<vmem>> -> memref<1x8192xf32, #tpu.memory_space<vmem>>
    %dma_start3A_374 = tpu.memref_squeeze %dma_start3A_373 : memref<1x8192xf32, #tpu.memory_space<vmem>> -> memref<8192xf32, #tpu.memory_space<vmem>>
    %dma_start3A_375 = arith.constant 16384 : i32
    %dma_start3A_376 = tpu.memref_slice %arg2[%add3A_364, %dma_start3A_375] : memref<64x32768xf32, #tpu.memory_space<hbm>> -> memref<1x8192xf32, #tpu.memory_space<hbm>>
    %dma_start3A_377 = tpu.memref_squeeze %dma_start3A_376 : memref<1x8192xf32, #tpu.memory_space<hbm>> -> memref<8192xf32, #tpu.memory_space<hbm>>
    tpu.enqueue_dma source(%dma_start3A_377 : memref<8192xf32, #tpu.memory_space<hbm>>) target(%dma_start3A_374 : memref<8192xf32, #tpu.memory_space<vmem>>) target_semaphore(%arg6 : memref<!tpu.dma_semaphore, #tpu.memory_space<semaphore_mem>>)
    %dma_wait3A_378 = arith.constant 1 : i32
    %dma_wait3A_379 = arith.constant 0 : i32
    %dma_wait3A_380 = tpu.memref_slice %arg4[%dma_wait3A_378, %dma_wait3A_379] : memref<2x8192xf32, #tpu.memory_space<vmem>> -> memref<1x8192xf32, #tpu.memory_space<vmem>>
    %dma_wait3A_381 = tpu.memref_squeeze %dma_wait3A_380 : memref<1x8192xf32, #tpu.memory_space<vmem>> -> memref<8192xf32, #tpu.memory_space<vmem>>
    %dma_wait3A_382 = arith.constant 8192 : i32
    %dma_wait3A_383 = tpu.memref_slice %arg2[%add3A_293, %dma_wait3A_382] : memref<64x32768xf32, #tpu.memory_space<hbm>> -> memref<1x8192xf32, #tpu.memory_space<hbm>>
    %dma_wait3A_384 = tpu.memref_squeeze %dma_wait3A_383 : memref<1x8192xf32, #tpu.memory_space<hbm>> -> memref<8192xf32, #tpu.memory_space<hbm>>
    %dma_wait3A_385 = arith.constant 0 : i32
    %dma_wait3A_386 = tpu.memref_slice %arg4[%dma_wait3A_378, %dma_wait3A_385] : memref<2x8192xf32, #tpu.memory_space<vmem>> -> memref<1x8192xf32, #tpu.memory_space<vmem>>
    %dma_wait3A_387 = tpu.memref_squeeze %dma_wait3A_386 : memref<1x8192xf32, #tpu.memory_space<vmem>> -> memref<8192xf32, #tpu.memory_space<vmem>>
    %dma_wait3A_388 = arith.constant 8192 : i32
    %dma_wait3A_389 = tpu.memref_slice %arg2[%add3A_293, %dma_wait3A_388] : memref<64x32768xf32, #tpu.memory_space<hbm>> -> memref<1x8192xf32, #tpu.memory_space<hbm>>
    %dma_wait3A_390 = tpu.memref_squeeze %dma_wait3A_389 : memref<1x8192xf32, #tpu.memory_space<hbm>> -> memref<8192xf32, #tpu.memory_space<hbm>>
    tpu.wait_dma2 semaphore(%arg7 : memref<!tpu.dma_semaphore, #tpu.memory_space<semaphore_mem>>) src(%dma_wait3A_390 : memref<8192xf32, #tpu.memory_space<hbm>>) dst(%dma_wait3A_387 : memref<8192xf32, #tpu.memory_space<vmem>>)
    %dma_wait3A_391 = arith.constant 1 : i32
    %dma_wait3A_392 = arith.constant 0 : i32
    %dma_wait3A_393 = arith.constant 0 : i32
    %dma_wait3A_394 = tpu.memref_slice %arg5[%dma_wait3A_391, %dma_wait3A_392, %dma_wait3A_393] : memref<2x4x8192xf32, #tpu.memory_space<vmem>> -> memref<1x4x8192xf32, #tpu.memory_space<vmem>>
    %dma_wait3A_395 = tpu.memref_squeeze %dma_wait3A_394 : memref<1x4x8192xf32, #tpu.memory_space<vmem>> -> memref<4x8192xf32, #tpu.memory_space<vmem>>
    %dma_wait3A_396 = arith.constant 0 : i32
    %dma_wait3A_397 = arith.constant 24576 : i32
    %dma_wait3A_398 = tpu.memref_slice %arg3[%add3A_272, %dma_wait3A_396, %dma_wait3A_397] : memref<64x4x32768xf32, #tpu.memory_space<hbm>> -> memref<1x4x8192xf32, #tpu.memory_space<hbm>>
    %dma_wait3A_399 = tpu.memref_squeeze %dma_wait3A_398 : memref<1x4x8192xf32, #tpu.memory_space<hbm>> -> memref<4x8192xf32, #tpu.memory_space<hbm>>
    %dma_wait3A_400 = arith.constant 0 : i32
    %dma_wait3A_401 = arith.constant 24576 : i32
    %dma_wait3A_402 = tpu.memref_slice %arg3[%add3A_272, %dma_wait3A_400, %dma_wait3A_401] : memref<64x4x32768xf32, #tpu.memory_space<hbm>> -> memref<1x4x8192xf32, #tpu.memory_space<hbm>>
    %dma_wait3A_403 = tpu.memref_squeeze %dma_wait3A_402 : memref<1x4x8192xf32, #tpu.memory_space<hbm>> -> memref<4x8192xf32, #tpu.memory_space<hbm>>
    %dma_wait3A_404 = arith.constant 0 : i32
    %dma_wait3A_405 = arith.constant 0 : i32
    %dma_wait3A_406 = tpu.memref_slice %arg5[%dma_wait3A_391, %dma_wait3A_404, %dma_wait3A_405] : memref<2x4x8192xf32, #tpu.memory_space<vmem>> -> memref<1x4x8192xf32, #tpu.memory_space<vmem>>
    %dma_wait3A_407 = tpu.memref_squeeze %dma_wait3A_406 : memref<1x4x8192xf32, #tpu.memory_space<vmem>> -> memref<4x8192xf32, #tpu.memory_space<vmem>>
    tpu.wait_dma2 semaphore(%arg9 : memref<!tpu.dma_semaphore, #tpu.memory_space<semaphore_mem>>) src(%dma_wait3A_407 : memref<4x8192xf32, #tpu.memory_space<vmem>>) dst(%dma_wait3A_403 : memref<4x8192xf32, #tpu.memory_space<hbm>>)
    %parallel_loop3A_408 = arith.constant 0 : i32
    %parallel_loop3A_409 = arith.constant 8192 : i32
    %parallel_loop3A_410 = arith.constant 16 : i32
    scf.for %parallel_loop3A_591 = %parallel_loop3A_408 to %parallel_loop3A_409 step %parallel_loop3A_410  : i32 {
      %parallel_loop3A_592 = arith.constant 1 : i32
      %parallel_loop3A_593 = arith.index_cast %parallel_loop3A_592 : i32 to index
      %parallel_loop3A_594 = arith.index_cast %parallel_loop3A_591 : i32 to index
      %parallel_loop3A_595 = tpu.vector_load %arg4[%parallel_loop3A_593, %parallel_loop3A_594] {strides = array<i32>} : memref<2x8192xf32, #tpu.memory_space<vmem>>, vector<1x16xf32>,
      %parallel_loop3A_596 = vector.shape_cast %parallel_loop3A_595 : vector<1x16xf32> to vector<16xf32>
      %parallel_loop3A_597 = arith.constant -4.000000e+00 : f32
      %parallel_loop3A_598 = vector.broadcast %parallel_loop3A_597 : f32 to vector<16xf32>
      %parallel_loop3A_599 = arith.subf %parallel_loop3A_596, %parallel_loop3A_598 : vector<16xf32>
      %parallel_loop3A_600 = arith.constant 2.000000e+00 : f32
      %parallel_loop3A_601 = vector.broadcast %parallel_loop3A_600 : f32 to vector<16xf32>
      %parallel_loop3A_602 = arith.mulf %parallel_loop3A_599, %parallel_loop3A_601 : vector<16xf32>
      %parallel_loop3A_603 = arith.constant 0.000000e+00 : f32
      %parallel_loop3A_604 = vector.broadcast %parallel_loop3A_603 : f32 to vector<16xf32>
      %parallel_loop3A_605 = arith.maximumf %parallel_loop3A_602, %parallel_loop3A_604 : vector<16xf32>
      %parallel_loop3A_606 = arith.constant 1.500000e+01 : f32
      %parallel_loop3A_607 = vector.broadcast %parallel_loop3A_606 : f32 to vector<16xf32>
      %parallel_loop3A_608 = arith.minimumf %parallel_loop3A_605, %parallel_loop3A_607 : vector<16xf32>
      %parallel_loop3A_609 = arith.fptosi %parallel_loop3A_608 : vector<16xf32> to vector<16xi32>
      %parallel_loop3A_610 = arith.sitofp %parallel_loop3A_609 : vector<16xi32> to vector<16xf32>
      %parallel_loop3A_611 = arith.cmpf one, %parallel_loop3A_610, %parallel_loop3A_608 : vector<16xf32>
      %parallel_loop3A_612 = arith.constant 1 : i32
      %parallel_loop3A_613 = vector.broadcast %parallel_loop3A_612 : i32 to vector<16xi32>
      %parallel_loop3A_614 = arith.addi %parallel_loop3A_609, %parallel_loop3A_613 : vector<16xi32>
      %parallel_loop3A_615 = arith.select %parallel_loop3A_611, %parallel_loop3A_614, %parallel_loop3A_609 : vector<16xi1>, vector<16xi32>
      %parallel_loop3A_616 = vector.shape_cast %parallel_loop3A_615 : vector<16xi32> to vector<16x1xi32>
      %parallel_loop3A_617 = vector.shape_cast %parallel_loop3A_616 : vector<16x1xi32> to vector<16xi32>
      %parallel_loop3A_618 = tpu.dynamic_gather %convert_element_type3A[%parallel_loop3A_617] in [0] : vector<16xf32>, vector<16xi32> -> vector<16xf32>
      %parallel_loop3A_619 = arith.constant 1 : i32
      %parallel_loop3A_620 = arith.constant 0 : i32
      %parallel_loop3A_621 = arith.index_cast %parallel_loop3A_619 : i32 to index
      %parallel_loop3A_622 = arith.index_cast %parallel_loop3A_620 : i32 to index
      %parallel_loop3A_623 = arith.index_cast %parallel_loop3A_591 : i32 to index
      %parallel_loop3A_624 = tpu.vector_load %arg5[%parallel_loop3A_621, %parallel_loop3A_622, %parallel_loop3A_623] {strides = array<i32>} : memref<2x4x8192xf32, #tpu.memory_space<vmem>>, vector<1x1x16xf32>,
      %parallel_loop3A_625 = vector.shape_cast %parallel_loop3A_624 : vector<1x1x16xf32> to vector<16xf32>
      %parallel_loop3A_626 = vector.shape_cast %parallel_loop3A_618 : vector<16xf32> to vector<1x1x16xf32>
      tpu.vector_store %arg5[%parallel_loop3A_621, %parallel_loop3A_622, %parallel_loop3A_623], %parallel_loop3A_626 {strides = array<i32>} : memref<2x4x8192xf32, #tpu.memory_space<vmem>>, vector<1x1x16xf32>,
      %parallel_loop3A_627 = vector.shape_cast %parallel_loop3A_615 : vector<16xi32> to vector<16x1xi32>
      %parallel_loop3A_628 = vector.shape_cast %parallel_loop3A_627 : vector<16x1xi32> to vector<16xi32>
      %parallel_loop3A_629 = tpu.dynamic_gather %convert_element_type3A_11[%parallel_loop3A_628] in [0] : vector<16xf32>, vector<16xi32> -> vector<16xf32>
      %parallel_loop3A_630 = arith.constant 1 : i32
      %parallel_loop3A_631 = arith.constant 1 : i32
      %parallel_loop3A_632 = arith.index_cast %parallel_loop3A_630 : i32 to index
      %parallel_loop3A_633 = arith.index_cast %parallel_loop3A_631 : i32 to index
      %parallel_loop3A_634 = arith.index_cast %parallel_loop3A_591 : i32 to index
      %parallel_loop3A_635 = tpu.vector_load %arg5[%parallel_loop3A_632, %parallel_loop3A_633, %parallel_loop3A_634] {strides = array<i32>} : memref<2x4x8192xf32, #tpu.memory_space<vmem>>, vector<1x1x16xf32>,
      %parallel_loop3A_636 = vector.shape_cast %parallel_loop3A_635 : vector<1x1x16xf32> to vector<16xf32>
      %parallel_loop3A_637 = vector.shape_cast %parallel_loop3A_629 : vector<16xf32> to vector<1x1x16xf32>
      tpu.vector_store %arg5[%parallel_loop3A_632, %parallel_loop3A_633, %parallel_loop3A_634], %parallel_loop3A_637 {strides = array<i32>} : memref<2x4x8192xf32, #tpu.memory_space<vmem>>, vector<1x1x16xf32>,
      %parallel_loop3A_638 = vector.shape_cast %parallel_loop3A_615 : vector<16xi32> to vector<16x1xi32>
      %parallel_loop3A_639 = vector.shape_cast %parallel_loop3A_638 : vector<16x1xi32> to vector<16xi32>
      %parallel_loop3A_640 = tpu.dynamic_gather %convert_element_type3A_18[%parallel_loop3A_639] in [0] : vector<16xf32>, vector<16xi32> -> vector<16xf32>
      %parallel_loop3A_641 = arith.constant 1 : i32
      %parallel_loop3A_642 = arith.constant 2 : i32
      %parallel_loop3A_643 = arith.index_cast %parallel_loop3A_641 : i32 to index
      %parallel_loop3A_644 = arith.index_cast %parallel_loop3A_642 : i32 to index
      %parallel_loop3A_645 = arith.index_cast %parallel_loop3A_591 : i32 to index
      %parallel_loop3A_646 = tpu.vector_load %arg5[%parallel_loop3A_643, %parallel_loop3A_644, %parallel_loop3A_645] {strides = array<i32>} : memref<2x4x8192xf32, #tpu.memory_space<vmem>>, vector<1x1x16xf32>,
      %parallel_loop3A_647 = vector.shape_cast %parallel_loop3A_646 : vector<1x1x16xf32> to vector<16xf32>
      %parallel_loop3A_648 = vector.shape_cast %parallel_loop3A_640 : vector<16xf32> to vector<1x1x16xf32>
      tpu.vector_store %arg5[%parallel_loop3A_643, %parallel_loop3A_644, %parallel_loop3A_645], %parallel_loop3A_648 {strides = array<i32>} : memref<2x4x8192xf32, #tpu.memory_space<vmem>>, vector<1x1x16xf32>,
      %parallel_loop3A_649 = vector.shape_cast %parallel_loop3A_615 : vector<16xi32> to vector<16x1xi32>
      %parallel_loop3A_650 = vector.shape_cast %parallel_loop3A_649 : vector<16x1xi32> to vector<16xi32>
      %parallel_loop3A_651 = tpu.dynamic_gather %convert_element_type3A_25[%parallel_loop3A_650] in [0] : vector<16xf32>, vector<16xi32> -> vector<16xf32>
      %parallel_loop3A_652 = arith.constant 1 : i32
      %parallel_loop3A_653 = arith.constant 3 : i32
      %parallel_loop3A_654 = arith.index_cast %parallel_loop3A_652 : i32 to index
      %parallel_loop3A_655 = arith.index_cast %parallel_loop3A_653 : i32 to index
      %parallel_loop3A_656 = arith.index_cast %parallel_loop3A_591 : i32 to index
      %parallel_loop3A_657 = tpu.vector_load %arg5[%parallel_loop3A_654, %parallel_loop3A_655, %parallel_loop3A_656] {strides = array<i32>} : memref<2x4x8192xf32, #tpu.memory_space<vmem>>, vector<1x1x16xf32>,
      %parallel_loop3A_658 = vector.shape_cast %parallel_loop3A_657 : vector<1x1x16xf32> to vector<16xf32>
      %parallel_loop3A_659 = vector.shape_cast %parallel_loop3A_651 : vector<16xf32> to vector<1x1x16xf32>
      tpu.vector_store %arg5[%parallel_loop3A_654, %parallel_loop3A_655, %parallel_loop3A_656], %parallel_loop3A_659 {strides = array<i32>} : memref<2x4x8192xf32, #tpu.memory_space<vmem>>, vector<1x1x16xf32>,
    } {sc.loop_unroll_factor = 4 : i64, sc.parallel_access}
    %mul3A_411 = arith.constant 2 : i32
    %mul3A_412 = arith.muli %add3A, %mul3A_411 : i32
    %add3A_413 = arith.constant 1 : i32
    %add3A_414 = arith.addi %mul3A_412, %add3A_413 : i32
    %dma_start3A_415 = arith.constant 1 : i32
    %dma_start3A_416 = arith.constant 0 : i32
    %dma_start3A_417 = arith.constant 0 : i32
    %dma_start3A_418 = tpu.memref_slice %arg5[%dma_start3A_415, %dma_start3A_416, %dma_start3A_417] : memref<2x4x8192xf32, #tpu.memory_space<vmem>> -> memref<1x4x8192xf32, #tpu.memory_space<vmem>>
    %dma_start3A_419 = tpu.memref_squeeze %dma_start3A_418 : memref<1x4x8192xf32, #tpu.memory_space<vmem>> -> memref<4x8192xf32, #tpu.memory_space<vmem>>
    %dma_start3A_420 = arith.constant 0 : i32
    %dma_start3A_421 = arith.constant 8192 : i32
    %dma_start3A_422 = tpu.memref_slice %arg3[%add3A_414, %dma_start3A_420, %dma_start3A_421] : memref<64x4x32768xf32, #tpu.memory_space<hbm>> -> memref<1x4x8192xf32, #tpu.memory_space<hbm>>
    %dma_start3A_423 = tpu.memref_squeeze %dma_start3A_422 : memref<1x4x8192xf32, #tpu.memory_space<hbm>> -> memref<4x8192xf32, #tpu.memory_space<hbm>>
    %dma_start3A_424 = arith.constant 0 : i32
    %dma_start3A_425 = arith.constant 8192 : i32
    %dma_start3A_426 = tpu.memref_slice %arg3[%add3A_414, %dma_start3A_424, %dma_start3A_425] : memref<64x4x32768xf32, #tpu.memory_space<hbm>> -> memref<1x4x8192xf32, #tpu.memory_space<hbm>>
    %dma_start3A_427 = tpu.memref_squeeze %dma_start3A_426 : memref<1x4x8192xf32, #tpu.memory_space<hbm>> -> memref<4x8192xf32, #tpu.memory_space<hbm>>
    %dma_start3A_428 = arith.constant 0 : i32
    %dma_start3A_429 = arith.constant 0 : i32
    %dma_start3A_430 = tpu.memref_slice %arg5[%dma_start3A_415, %dma_start3A_428, %dma_start3A_429] : memref<2x4x8192xf32, #tpu.memory_space<vmem>> -> memref<1x4x8192xf32, #tpu.memory_space<vmem>>
    %dma_start3A_431 = tpu.memref_squeeze %dma_start3A_430 : memref<1x4x8192xf32, #tpu.memory_space<vmem>> -> memref<4x8192xf32, #tpu.memory_space<vmem>>
    tpu.enqueue_dma source(%dma_start3A_431 : memref<4x8192xf32, #tpu.memory_space<vmem>>) target(%dma_start3A_427 : memref<4x8192xf32, #tpu.memory_space<hbm>>) target_semaphore(%arg9 : memref<!tpu.dma_semaphore, #tpu.memory_space<semaphore_mem>>)
    %mul3A_432 = arith.constant 2 : i32
    %mul3A_433 = arith.muli %add3A, %mul3A_432 : i32
    %add3A_434 = arith.constant 1 : i32
    %add3A_435 = arith.addi %mul3A_433, %add3A_434 : i32
    %dma_start3A_436 = arith.constant 1 : i32
    %dma_start3A_437 = arith.constant 0 : i32
    %dma_start3A_438 = tpu.memref_slice %arg4[%dma_start3A_436, %dma_start3A_437] : memref<2x8192xf32, #tpu.memory_space<vmem>> -> memref<1x8192xf32, #tpu.memory_space<vmem>>
    %dma_start3A_439 = tpu.memref_squeeze %dma_start3A_438 : memref<1x8192xf32, #tpu.memory_space<vmem>> -> memref<8192xf32, #tpu.memory_space<vmem>>
    %dma_start3A_440 = arith.constant 24576 : i32
    %dma_start3A_441 = tpu.memref_slice %arg2[%add3A_435, %dma_start3A_440] : memref<64x32768xf32, #tpu.memory_space<hbm>> -> memref<1x8192xf32, #tpu.memory_space<hbm>>
    %dma_start3A_442 = tpu.memref_squeeze %dma_start3A_441 : memref<1x8192xf32, #tpu.memory_space<hbm>> -> memref<8192xf32, #tpu.memory_space<hbm>>
    %dma_start3A_443 = arith.constant 0 : i32
    %dma_start3A_444 = tpu.memref_slice %arg4[%dma_start3A_436, %dma_start3A_443] : memref<2x8192xf32, #tpu.memory_space<vmem>> -> memref<1x8192xf32, #tpu.memory_space<vmem>>
    %dma_start3A_445 = tpu.memref_squeeze %dma_start3A_444 : memref<1x8192xf32, #tpu.memory_space<vmem>> -> memref<8192xf32, #tpu.memory_space<vmem>>
    %dma_start3A_446 = arith.constant 24576 : i32
    %dma_start3A_447 = tpu.memref_slice %arg2[%add3A_435, %dma_start3A_446] : memref<64x32768xf32, #tpu.memory_space<hbm>> -> memref<1x8192xf32, #tpu.memory_space<hbm>>
    %dma_start3A_448 = tpu.memref_squeeze %dma_start3A_447 : memref<1x8192xf32, #tpu.memory_space<hbm>> -> memref<8192xf32, #tpu.memory_space<hbm>>
    tpu.enqueue_dma source(%dma_start3A_448 : memref<8192xf32, #tpu.memory_space<hbm>>) target(%dma_start3A_445 : memref<8192xf32, #tpu.memory_space<vmem>>) target_semaphore(%arg7 : memref<!tpu.dma_semaphore, #tpu.memory_space<semaphore_mem>>)
    %dma_wait3A_449 = arith.constant 0 : i32
    %dma_wait3A_450 = arith.constant 0 : i32
    %dma_wait3A_451 = tpu.memref_slice %arg4[%dma_wait3A_449, %dma_wait3A_450] : memref<2x8192xf32, #tpu.memory_space<vmem>> -> memref<1x8192xf32, #tpu.memory_space<vmem>>
    %dma_wait3A_452 = tpu.memref_squeeze %dma_wait3A_451 : memref<1x8192xf32, #tpu.memory_space<vmem>> -> memref<8192xf32, #tpu.memory_space<vmem>>
    %dma_wait3A_453 = arith.constant 16384 : i32
    %dma_wait3A_454 = tpu.memref_slice %arg2[%add3A_364, %dma_wait3A_453] : memref<64x32768xf32, #tpu.memory_space<hbm>> -> memref<1x8192xf32, #tpu.memory_space<hbm>>
    %dma_wait3A_455 = tpu.memref_squeeze %dma_wait3A_454 : memref<1x8192xf32, #tpu.memory_space<hbm>> -> memref<8192xf32, #tpu.memory_space<hbm>>
    %dma_wait3A_456 = arith.constant 0 : i32
    %dma_wait3A_457 = tpu.memref_slice %arg4[%dma_wait3A_449, %dma_wait3A_456] : memref<2x8192xf32, #tpu.memory_space<vmem>> -> memref<1x8192xf32, #tpu.memory_space<vmem>>
    %dma_wait3A_458 = tpu.memref_squeeze %dma_wait3A_457 : memref<1x8192xf32, #tpu.memory_space<vmem>> -> memref<8192xf32, #tpu.memory_space<vmem>>
    %dma_wait3A_459 = arith.constant 16384 : i32
    %dma_wait3A_460 = tpu.memref_slice %arg2[%add3A_364, %dma_wait3A_459] : memref<64x32768xf32, #tpu.memory_space<hbm>> -> memref<1x8192xf32, #tpu.memory_space<hbm>>
    %dma_wait3A_461 = tpu.memref_squeeze %dma_wait3A_460 : memref<1x8192xf32, #tpu.memory_space<hbm>> -> memref<8192xf32, #tpu.memory_space<hbm>>
    tpu.wait_dma2 semaphore(%arg6 : memref<!tpu.dma_semaphore, #tpu.memory_space<semaphore_mem>>) src(%dma_wait3A_461 : memref<8192xf32, #tpu.memory_space<hbm>>) dst(%dma_wait3A_458 : memref<8192xf32, #tpu.memory_space<vmem>>)
    %dma_wait3A_462 = arith.constant 0 : i32
    %dma_wait3A_463 = arith.constant 0 : i32
    %dma_wait3A_464 = arith.constant 0 : i32
    %dma_wait3A_465 = tpu.memref_slice %arg5[%dma_wait3A_462, %dma_wait3A_463, %dma_wait3A_464] : memref<2x4x8192xf32, #tpu.memory_space<vmem>> -> memref<1x4x8192xf32, #tpu.memory_space<vmem>>
    %dma_wait3A_466 = tpu.memref_squeeze %dma_wait3A_465 : memref<1x4x8192xf32, #tpu.memory_space<vmem>> -> memref<4x8192xf32, #tpu.memory_space<vmem>>
    %dma_wait3A_467 = arith.constant 0 : i32
    %dma_wait3A_468 = arith.constant 0 : i32
    %dma_wait3A_469 = tpu.memref_slice %arg3[%add3A_343, %dma_wait3A_467, %dma_wait3A_468] : memref<64x4x32768xf32, #tpu.memory_space<hbm>> -> memref<1x4x8192xf32, #tpu.memory_space<hbm>>
    %dma_wait3A_470 = tpu.memref_squeeze %dma_wait3A_469 : memref<1x4x8192xf32, #tpu.memory_space<hbm>> -> memref<4x8192xf32, #tpu.memory_space<hbm>>
    %dma_wait3A_471 = arith.constant 0 : i32
    %dma_wait3A_472 = arith.constant 0 : i32
    %dma_wait3A_473 = tpu.memref_slice %arg3[%add3A_343, %dma_wait3A_471, %dma_wait3A_472] : memref<64x4x32768xf32, #tpu.memory_space<hbm>> -> memref<1x4x8192xf32, #tpu.memory_space<hbm>>
    %dma_wait3A_474 = tpu.memref_squeeze %dma_wait3A_473 : memref<1x4x8192xf32, #tpu.memory_space<hbm>> -> memref<4x8192xf32, #tpu.memory_space<hbm>>
    %dma_wait3A_475 = arith.constant 0 : i32
    %dma_wait3A_476 = arith.constant 0 : i32
    %dma_wait3A_477 = tpu.memref_slice %arg5[%dma_wait3A_462, %dma_wait3A_475, %dma_wait3A_476] : memref<2x4x8192xf32, #tpu.memory_space<vmem>> -> memref<1x4x8192xf32, #tpu.memory_space<vmem>>
    %dma_wait3A_478 = tpu.memref_squeeze %dma_wait3A_477 : memref<1x4x8192xf32, #tpu.memory_space<vmem>> -> memref<4x8192xf32, #tpu.memory_space<vmem>>
    tpu.wait_dma2 semaphore(%arg8 : memref<!tpu.dma_semaphore, #tpu.memory_space<semaphore_mem>>) src(%dma_wait3A_478 : memref<4x8192xf32, #tpu.memory_space<vmem>>) dst(%dma_wait3A_474 : memref<4x8192xf32, #tpu.memory_space<hbm>>)
    %parallel_loop3A_479 = arith.constant 0 : i32
    %parallel_loop3A_480 = arith.constant 8192 : i32
    %parallel_loop3A_481 = arith.constant 16 : i32
    scf.for %parallel_loop3A_591 = %parallel_loop3A_479 to %parallel_loop3A_480 step %parallel_loop3A_481  : i32 {
      %parallel_loop3A_592 = arith.constant 0 : i32
      %parallel_loop3A_593 = arith.index_cast %parallel_loop3A_592 : i32 to index
      %parallel_loop3A_594 = arith.index_cast %parallel_loop3A_591 : i32 to index
      %parallel_loop3A_595 = tpu.vector_load %arg4[%parallel_loop3A_593, %parallel_loop3A_594] {strides = array<i32>} : memref<2x8192xf32, #tpu.memory_space<vmem>>, vector<1x16xf32>,
      %parallel_loop3A_596 = vector.shape_cast %parallel_loop3A_595 : vector<1x16xf32> to vector<16xf32>
      %parallel_loop3A_597 = arith.constant -4.000000e+00 : f32
      %parallel_loop3A_598 = vector.broadcast %parallel_loop3A_597 : f32 to vector<16xf32>
      %parallel_loop3A_599 = arith.subf %parallel_loop3A_596, %parallel_loop3A_598 : vector<16xf32>
      %parallel_loop3A_600 = arith.constant 2.000000e+00 : f32
      %parallel_loop3A_601 = vector.broadcast %parallel_loop3A_600 : f32 to vector<16xf32>
      %parallel_loop3A_602 = arith.mulf %parallel_loop3A_599, %parallel_loop3A_601 : vector<16xf32>
      %parallel_loop3A_603 = arith.constant 0.000000e+00 : f32
      %parallel_loop3A_604 = vector.broadcast %parallel_loop3A_603 : f32 to vector<16xf32>
      %parallel_loop3A_605 = arith.maximumf %parallel_loop3A_602, %parallel_loop3A_604 : vector<16xf32>
      %parallel_loop3A_606 = arith.constant 1.500000e+01 : f32
      %parallel_loop3A_607 = vector.broadcast %parallel_loop3A_606 : f32 to vector<16xf32>
      %parallel_loop3A_608 = arith.minimumf %parallel_loop3A_605, %parallel_loop3A_607 : vector<16xf32>
      %parallel_loop3A_609 = arith.fptosi %parallel_loop3A_608 : vector<16xf32> to vector<16xi32>
      %parallel_loop3A_610 = arith.sitofp %parallel_loop3A_609 : vector<16xi32> to vector<16xf32>
      %parallel_loop3A_611 = arith.cmpf one, %parallel_loop3A_610, %parallel_loop3A_608 : vector<16xf32>
      %parallel_loop3A_612 = arith.constant 1 : i32
      %parallel_loop3A_613 = vector.broadcast %parallel_loop3A_612 : i32 to vector<16xi32>
      %parallel_loop3A_614 = arith.addi %parallel_loop3A_609, %parallel_loop3A_613 : vector<16xi32>
      %parallel_loop3A_615 = arith.select %parallel_loop3A_611, %parallel_loop3A_614, %parallel_loop3A_609 : vector<16xi1>, vector<16xi32>
      %parallel_loop3A_616 = vector.shape_cast %parallel_loop3A_615 : vector<16xi32> to vector<16x1xi32>
      %parallel_loop3A_617 = vector.shape_cast %parallel_loop3A_616 : vector<16x1xi32> to vector<16xi32>
      %parallel_loop3A_618 = tpu.dynamic_gather %convert_element_type3A[%parallel_loop3A_617] in [0] : vector<16xf32>, vector<16xi32> -> vector<16xf32>
      %parallel_loop3A_619 = arith.constant 0 : i32
      %parallel_loop3A_620 = arith.constant 0 : i32
      %parallel_loop3A_621 = arith.index_cast %parallel_loop3A_619 : i32 to index
      %parallel_loop3A_622 = arith.index_cast %parallel_loop3A_620 : i32 to index
      %parallel_loop3A_623 = arith.index_cast %parallel_loop3A_591 : i32 to index
      %parallel_loop3A_624 = tpu.vector_load %arg5[%parallel_loop3A_621, %parallel_loop3A_622, %parallel_loop3A_623] {strides = array<i32>} : memref<2x4x8192xf32, #tpu.memory_space<vmem>>, vector<1x1x16xf32>,
      %parallel_loop3A_625 = vector.shape_cast %parallel_loop3A_624 : vector<1x1x16xf32> to vector<16xf32>
      %parallel_loop3A_626 = vector.shape_cast %parallel_loop3A_618 : vector<16xf32> to vector<1x1x16xf32>
      tpu.vector_store %arg5[%parallel_loop3A_621, %parallel_loop3A_622, %parallel_loop3A_623], %parallel_loop3A_626 {strides = array<i32>} : memref<2x4x8192xf32, #tpu.memory_space<vmem>>, vector<1x1x16xf32>,
      %parallel_loop3A_627 = vector.shape_cast %parallel_loop3A_615 : vector<16xi32> to vector<16x1xi32>
      %parallel_loop3A_628 = vector.shape_cast %parallel_loop3A_627 : vector<16x1xi32> to vector<16xi32>
      %parallel_loop3A_629 = tpu.dynamic_gather %convert_element_type3A_11[%parallel_loop3A_628] in [0] : vector<16xf32>, vector<16xi32> -> vector<16xf32>
      %parallel_loop3A_630 = arith.constant 0 : i32
      %parallel_loop3A_631 = arith.constant 1 : i32
      %parallel_loop3A_632 = arith.index_cast %parallel_loop3A_630 : i32 to index
      %parallel_loop3A_633 = arith.index_cast %parallel_loop3A_631 : i32 to index
      %parallel_loop3A_634 = arith.index_cast %parallel_loop3A_591 : i32 to index
      %parallel_loop3A_635 = tpu.vector_load %arg5[%parallel_loop3A_632, %parallel_loop3A_633, %parallel_loop3A_634] {strides = array<i32>} : memref<2x4x8192xf32, #tpu.memory_space<vmem>>, vector<1x1x16xf32>,
      %parallel_loop3A_636 = vector.shape_cast %parallel_loop3A_635 : vector<1x1x16xf32> to vector<16xf32>
      %parallel_loop3A_637 = vector.shape_cast %parallel_loop3A_629 : vector<16xf32> to vector<1x1x16xf32>
      tpu.vector_store %arg5[%parallel_loop3A_632, %parallel_loop3A_633, %parallel_loop3A_634], %parallel_loop3A_637 {strides = array<i32>} : memref<2x4x8192xf32, #tpu.memory_space<vmem>>, vector<1x1x16xf32>,
      %parallel_loop3A_638 = vector.shape_cast %parallel_loop3A_615 : vector<16xi32> to vector<16x1xi32>
      %parallel_loop3A_639 = vector.shape_cast %parallel_loop3A_638 : vector<16x1xi32> to vector<16xi32>
      %parallel_loop3A_640 = tpu.dynamic_gather %convert_element_type3A_18[%parallel_loop3A_639] in [0] : vector<16xf32>, vector<16xi32> -> vector<16xf32>
      %parallel_loop3A_641 = arith.constant 0 : i32
      %parallel_loop3A_642 = arith.constant 2 : i32
      %parallel_loop3A_643 = arith.index_cast %parallel_loop3A_641 : i32 to index
      %parallel_loop3A_644 = arith.index_cast %parallel_loop3A_642 : i32 to index
      %parallel_loop3A_645 = arith.index_cast %parallel_loop3A_591 : i32 to index
      %parallel_loop3A_646 = tpu.vector_load %arg5[%parallel_loop3A_643, %parallel_loop3A_644, %parallel_loop3A_645] {strides = array<i32>} : memref<2x4x8192xf32, #tpu.memory_space<vmem>>, vector<1x1x16xf32>,
      %parallel_loop3A_647 = vector.shape_cast %parallel_loop3A_646 : vector<1x1x16xf32> to vector<16xf32>
      %parallel_loop3A_648 = vector.shape_cast %parallel_loop3A_640 : vector<16xf32> to vector<1x1x16xf32>
      tpu.vector_store %arg5[%parallel_loop3A_643, %parallel_loop3A_644, %parallel_loop3A_645], %parallel_loop3A_648 {strides = array<i32>} : memref<2x4x8192xf32, #tpu.memory_space<vmem>>, vector<1x1x16xf32>,
      %parallel_loop3A_649 = vector.shape_cast %parallel_loop3A_615 : vector<16xi32> to vector<16x1xi32>
      %parallel_loop3A_650 = vector.shape_cast %parallel_loop3A_649 : vector<16x1xi32> to vector<16xi32>
      %parallel_loop3A_651 = tpu.dynamic_gather %convert_element_type3A_25[%parallel_loop3A_650] in [0] : vector<16xf32>, vector<16xi32> -> vector<16xf32>
      %parallel_loop3A_652 = arith.constant 0 : i32
      %parallel_loop3A_653 = arith.constant 3 : i32
      %parallel_loop3A_654 = arith.index_cast %parallel_loop3A_652 : i32 to index
      %parallel_loop3A_655 = arith.index_cast %parallel_loop3A_653 : i32 to index
      %parallel_loop3A_656 = arith.index_cast %parallel_loop3A_591 : i32 to index
      %parallel_loop3A_657 = tpu.vector_load %arg5[%parallel_loop3A_654, %parallel_loop3A_655, %parallel_loop3A_656] {strides = array<i32>} : memref<2x4x8192xf32, #tpu.memory_space<vmem>>, vector<1x1x16xf32>,
      %parallel_loop3A_658 = vector.shape_cast %parallel_loop3A_657 : vector<1x1x16xf32> to vector<16xf32>
      %parallel_loop3A_659 = vector.shape_cast %parallel_loop3A_651 : vector<16xf32> to vector<1x1x16xf32>
      tpu.vector_store %arg5[%parallel_loop3A_654, %parallel_loop3A_655, %parallel_loop3A_656], %parallel_loop3A_659 {strides = array<i32>} : memref<2x4x8192xf32, #tpu.memory_space<vmem>>, vector<1x1x16xf32>,
    } {sc.loop_unroll_factor = 4 : i64, sc.parallel_access}
    %mul3A_482 = arith.constant 2 : i32
    %mul3A_483 = arith.muli %add3A, %mul3A_482 : i32
    %add3A_484 = arith.constant 1 : i32
    %add3A_485 = arith.addi %mul3A_483, %add3A_484 : i32
    %dma_start3A_486 = arith.constant 0 : i32
    %dma_start3A_487 = arith.constant 0 : i32
    %dma_start3A_488 = arith.constant 0 : i32
    %dma_start3A_489 = tpu.memref_slice %arg5[%dma_start3A_486, %dma_start3A_487, %dma_start3A_488] : memref<2x4x8192xf32, #tpu.memory_space<vmem>> -> memref<1x4x8192xf32, #tpu.memory_space<vmem>>
    %dma_start3A_490 = tpu.memref_squeeze %dma_start3A_489 : memref<1x4x8192xf32, #tpu.memory_space<vmem>> -> memref<4x8192xf32, #tpu.memory_space<vmem>>
    %dma_start3A_491 = arith.constant 0 : i32
    %dma_start3A_492 = arith.constant 16384 : i32
    %dma_start3A_493 = tpu.memref_slice %arg3[%add3A_485, %dma_start3A_491, %dma_start3A_492] : memref<64x4x32768xf32, #tpu.memory_space<hbm>> -> memref<1x4x8192xf32, #tpu.memory_space<hbm>>
    %dma_start3A_494 = tpu.memref_squeeze %dma_start3A_493 : memref<1x4x8192xf32, #tpu.memory_space<hbm>> -> memref<4x8192xf32, #tpu.memory_space<hbm>>
    %dma_start3A_495 = arith.constant 0 : i32
    %dma_start3A_496 = arith.constant 16384 : i32
    %dma_start3A_497 = tpu.memref_slice %arg3[%add3A_485, %dma_start3A_495, %dma_start3A_496] : memref<64x4x32768xf32, #tpu.memory_space<hbm>> -> memref<1x4x8192xf32, #tpu.memory_space<hbm>>
    %dma_start3A_498 = tpu.memref_squeeze %dma_start3A_497 : memref<1x4x8192xf32, #tpu.memory_space<hbm>> -> memref<4x8192xf32, #tpu.memory_space<hbm>>
    %dma_start3A_499 = arith.constant 0 : i32
    %dma_start3A_500 = arith.constant 0 : i32
    %dma_start3A_501 = tpu.memref_slice %arg5[%dma_start3A_486, %dma_start3A_499, %dma_start3A_500] : memref<2x4x8192xf32, #tpu.memory_space<vmem>> -> memref<1x4x8192xf32, #tpu.memory_space<vmem>>
    %dma_start3A_502 = tpu.memref_squeeze %dma_start3A_501 : memref<1x4x8192xf32, #tpu.memory_space<vmem>> -> memref<4x8192xf32, #tpu.memory_space<vmem>>
    tpu.enqueue_dma source(%dma_start3A_502 : memref<4x8192xf32, #tpu.memory_space<vmem>>) target(%dma_start3A_498 : memref<4x8192xf32, #tpu.memory_space<hbm>>) target_semaphore(%arg8 : memref<!tpu.dma_semaphore, #tpu.memory_space<semaphore_mem>>)
    %dma_wait3A_503 = arith.constant 1 : i32
    %dma_wait3A_504 = arith.constant 0 : i32
    %dma_wait3A_505 = tpu.memref_slice %arg4[%dma_wait3A_503, %dma_wait3A_504] : memref<2x8192xf32, #tpu.memory_space<vmem>> -> memref<1x8192xf32, #tpu.memory_space<vmem>>
    %dma_wait3A_506 = tpu.memref_squeeze %dma_wait3A_505 : memref<1x8192xf32, #tpu.memory_space<vmem>> -> memref<8192xf32, #tpu.memory_space<vmem>>
    %dma_wait3A_507 = arith.constant 24576 : i32
    %dma_wait3A_508 = tpu.memref_slice %arg2[%add3A_435, %dma_wait3A_507] : memref<64x32768xf32, #tpu.memory_space<hbm>> -> memref<1x8192xf32, #tpu.memory_space<hbm>>
    %dma_wait3A_509 = tpu.memref_squeeze %dma_wait3A_508 : memref<1x8192xf32, #tpu.memory_space<hbm>> -> memref<8192xf32, #tpu.memory_space<hbm>>
    %dma_wait3A_510 = arith.constant 0 : i32
    %dma_wait3A_511 = tpu.memref_slice %arg4[%dma_wait3A_503, %dma_wait3A_510] : memref<2x8192xf32, #tpu.memory_space<vmem>> -> memref<1x8192xf32, #tpu.memory_space<vmem>>
    %dma_wait3A_512 = tpu.memref_squeeze %dma_wait3A_511 : memref<1x8192xf32, #tpu.memory_space<vmem>> -> memref<8192xf32, #tpu.memory_space<vmem>>
    %dma_wait3A_513 = arith.constant 24576 : i32
    %dma_wait3A_514 = tpu.memref_slice %arg2[%add3A_435, %dma_wait3A_513] : memref<64x32768xf32, #tpu.memory_space<hbm>> -> memref<1x8192xf32, #tpu.memory_space<hbm>>
    %dma_wait3A_515 = tpu.memref_squeeze %dma_wait3A_514 : memref<1x8192xf32, #tpu.memory_space<hbm>> -> memref<8192xf32, #tpu.memory_space<hbm>>
    tpu.wait_dma2 semaphore(%arg7 : memref<!tpu.dma_semaphore, #tpu.memory_space<semaphore_mem>>) src(%dma_wait3A_515 : memref<8192xf32, #tpu.memory_space<hbm>>) dst(%dma_wait3A_512 : memref<8192xf32, #tpu.memory_space<vmem>>)
    %dma_wait3A_516 = arith.constant 1 : i32
    %dma_wait3A_517 = arith.constant 0 : i32
    %dma_wait3A_518 = arith.constant 0 : i32
    %dma_wait3A_519 = tpu.memref_slice %arg5[%dma_wait3A_516, %dma_wait3A_517, %dma_wait3A_518] : memref<2x4x8192xf32, #tpu.memory_space<vmem>> -> memref<1x4x8192xf32, #tpu.memory_space<vmem>>
    %dma_wait3A_520 = tpu.memref_squeeze %dma_wait3A_519 : memref<1x4x8192xf32, #tpu.memory_space<vmem>> -> memref<4x8192xf32, #tpu.memory_space<vmem>>
    %dma_wait3A_521 = arith.constant 0 : i32
    %dma_wait3A_522 = arith.constant 8192 : i32
    %dma_wait3A_523 = tpu.memref_slice %arg3[%add3A_414, %dma_wait3A_521, %dma_wait3A_522] : memref<64x4x32768xf32, #tpu.memory_space<hbm>> -> memref<1x4x8192xf32, #tpu.memory_space<hbm>>
    %dma_wait3A_524 = tpu.memref_squeeze %dma_wait3A_523 : memref<1x4x8192xf32, #tpu.memory_space<hbm>> -> memref<4x8192xf32, #tpu.memory_space<hbm>>
    %dma_wait3A_525 = arith.constant 0 : i32
    %dma_wait3A_526 = arith.constant 8192 : i32
    %dma_wait3A_527 = tpu.memref_slice %arg3[%add3A_414, %dma_wait3A_525, %dma_wait3A_526] : memref<64x4x32768xf32, #tpu.memory_space<hbm>> -> memref<1x4x8192xf32, #tpu.memory_space<hbm>>
    %dma_wait3A_528 = tpu.memref_squeeze %dma_wait3A_527 : memref<1x4x8192xf32, #tpu.memory_space<hbm>> -> memref<4x8192xf32, #tpu.memory_space<hbm>>
    %dma_wait3A_529 = arith.constant 0 : i32
    %dma_wait3A_530 = arith.constant 0 : i32
    %dma_wait3A_531 = tpu.memref_slice %arg5[%dma_wait3A_516, %dma_wait3A_529, %dma_wait3A_530] : memref<2x4x8192xf32, #tpu.memory_space<vmem>> -> memref<1x4x8192xf32, #tpu.memory_space<vmem>>
    %dma_wait3A_532 = tpu.memref_squeeze %dma_wait3A_531 : memref<1x4x8192xf32, #tpu.memory_space<vmem>> -> memref<4x8192xf32, #tpu.memory_space<vmem>>
    tpu.wait_dma2 semaphore(%arg9 : memref<!tpu.dma_semaphore, #tpu.memory_space<semaphore_mem>>) src(%dma_wait3A_532 : memref<4x8192xf32, #tpu.memory_space<vmem>>) dst(%dma_wait3A_528 : memref<4x8192xf32, #tpu.memory_space<hbm>>)
    %parallel_loop3A_533 = arith.constant 0 : i32
    %parallel_loop3A_534 = arith.constant 8192 : i32
    %parallel_loop3A_535 = arith.constant 16 : i32
    scf.for %parallel_loop3A_591 = %parallel_loop3A_533 to %parallel_loop3A_534 step %parallel_loop3A_535  : i32 {
      %parallel_loop3A_592 = arith.constant 1 : i32
      %parallel_loop3A_593 = arith.index_cast %parallel_loop3A_592 : i32 to index
      %parallel_loop3A_594 = arith.index_cast %parallel_loop3A_591 : i32 to index
      %parallel_loop3A_595 = tpu.vector_load %arg4[%parallel_loop3A_593, %parallel_loop3A_594] {strides = array<i32>} : memref<2x8192xf32, #tpu.memory_space<vmem>>, vector<1x16xf32>,
      %parallel_loop3A_596 = vector.shape_cast %parallel_loop3A_595 : vector<1x16xf32> to vector<16xf32>
      %parallel_loop3A_597 = arith.constant -4.000000e+00 : f32
      %parallel_loop3A_598 = vector.broadcast %parallel_loop3A_597 : f32 to vector<16xf32>
      %parallel_loop3A_599 = arith.subf %parallel_loop3A_596, %parallel_loop3A_598 : vector<16xf32>
      %parallel_loop3A_600 = arith.constant 2.000000e+00 : f32
      %parallel_loop3A_601 = vector.broadcast %parallel_loop3A_600 : f32 to vector<16xf32>
      %parallel_loop3A_602 = arith.mulf %parallel_loop3A_599, %parallel_loop3A_601 : vector<16xf32>
      %parallel_loop3A_603 = arith.constant 0.000000e+00 : f32
      %parallel_loop3A_604 = vector.broadcast %parallel_loop3A_603 : f32 to vector<16xf32>
      %parallel_loop3A_605 = arith.maximumf %parallel_loop3A_602, %parallel_loop3A_604 : vector<16xf32>
      %parallel_loop3A_606 = arith.constant 1.500000e+01 : f32
      %parallel_loop3A_607 = vector.broadcast %parallel_loop3A_606 : f32 to vector<16xf32>
      %parallel_loop3A_608 = arith.minimumf %parallel_loop3A_605, %parallel_loop3A_607 : vector<16xf32>
      %parallel_loop3A_609 = arith.fptosi %parallel_loop3A_608 : vector<16xf32> to vector<16xi32>
      %parallel_loop3A_610 = arith.sitofp %parallel_loop3A_609 : vector<16xi32> to vector<16xf32>
      %parallel_loop3A_611 = arith.cmpf one, %parallel_loop3A_610, %parallel_loop3A_608 : vector<16xf32>
      %parallel_loop3A_612 = arith.constant 1 : i32
      %parallel_loop3A_613 = vector.broadcast %parallel_loop3A_612 : i32 to vector<16xi32>
      %parallel_loop3A_614 = arith.addi %parallel_loop3A_609, %parallel_loop3A_613 : vector<16xi32>
      %parallel_loop3A_615 = arith.select %parallel_loop3A_611, %parallel_loop3A_614, %parallel_loop3A_609 : vector<16xi1>, vector<16xi32>
      %parallel_loop3A_616 = vector.shape_cast %parallel_loop3A_615 : vector<16xi32> to vector<16x1xi32>
      %parallel_loop3A_617 = vector.shape_cast %parallel_loop3A_616 : vector<16x1xi32> to vector<16xi32>
      %parallel_loop3A_618 = tpu.dynamic_gather %convert_element_type3A[%parallel_loop3A_617] in [0] : vector<16xf32>, vector<16xi32> -> vector<16xf32>
      %parallel_loop3A_619 = arith.constant 1 : i32
      %parallel_loop3A_620 = arith.constant 0 : i32
      %parallel_loop3A_621 = arith.index_cast %parallel_loop3A_619 : i32 to index
      %parallel_loop3A_622 = arith.index_cast %parallel_loop3A_620 : i32 to index
      %parallel_loop3A_623 = arith.index_cast %parallel_loop3A_591 : i32 to index
      %parallel_loop3A_624 = tpu.vector_load %arg5[%parallel_loop3A_621, %parallel_loop3A_622, %parallel_loop3A_623] {strides = array<i32>} : memref<2x4x8192xf32, #tpu.memory_space<vmem>>, vector<1x1x16xf32>,
      %parallel_loop3A_625 = vector.shape_cast %parallel_loop3A_624 : vector<1x1x16xf32> to vector<16xf32>
      %parallel_loop3A_626 = vector.shape_cast %parallel_loop3A_618 : vector<16xf32> to vector<1x1x16xf32>
      tpu.vector_store %arg5[%parallel_loop3A_621, %parallel_loop3A_622, %parallel_loop3A_623], %parallel_loop3A_626 {strides = array<i32>} : memref<2x4x8192xf32, #tpu.memory_space<vmem>>, vector<1x1x16xf32>,
      %parallel_loop3A_627 = vector.shape_cast %parallel_loop3A_615 : vector<16xi32> to vector<16x1xi32>
      %parallel_loop3A_628 = vector.shape_cast %parallel_loop3A_627 : vector<16x1xi32> to vector<16xi32>
      %parallel_loop3A_629 = tpu.dynamic_gather %convert_element_type3A_11[%parallel_loop3A_628] in [0] : vector<16xf32>, vector<16xi32> -> vector<16xf32>
      %parallel_loop3A_630 = arith.constant 1 : i32
      %parallel_loop3A_631 = arith.constant 1 : i32
      %parallel_loop3A_632 = arith.index_cast %parallel_loop3A_630 : i32 to index
      %parallel_loop3A_633 = arith.index_cast %parallel_loop3A_631 : i32 to index
      %parallel_loop3A_634 = arith.index_cast %parallel_loop3A_591 : i32 to index
      %parallel_loop3A_635 = tpu.vector_load %arg5[%parallel_loop3A_632, %parallel_loop3A_633, %parallel_loop3A_634] {strides = array<i32>} : memref<2x4x8192xf32, #tpu.memory_space<vmem>>, vector<1x1x16xf32>,
      %parallel_loop3A_636 = vector.shape_cast %parallel_loop3A_635 : vector<1x1x16xf32> to vector<16xf32>
      %parallel_loop3A_637 = vector.shape_cast %parallel_loop3A_629 : vector<16xf32> to vector<1x1x16xf32>
      tpu.vector_store %arg5[%parallel_loop3A_632, %parallel_loop3A_633, %parallel_loop3A_634], %parallel_loop3A_637 {strides = array<i32>} : memref<2x4x8192xf32, #tpu.memory_space<vmem>>, vector<1x1x16xf32>,
      %parallel_loop3A_638 = vector.shape_cast %parallel_loop3A_615 : vector<16xi32> to vector<16x1xi32>
      %parallel_loop3A_639 = vector.shape_cast %parallel_loop3A_638 : vector<16x1xi32> to vector<16xi32>
      %parallel_loop3A_640 = tpu.dynamic_gather %convert_element_type3A_18[%parallel_loop3A_639] in [0] : vector<16xf32>, vector<16xi32> -> vector<16xf32>
      %parallel_loop3A_641 = arith.constant 1 : i32
      %parallel_loop3A_642 = arith.constant 2 : i32
      %parallel_loop3A_643 = arith.index_cast %parallel_loop3A_641 : i32 to index
      %parallel_loop3A_644 = arith.index_cast %parallel_loop3A_642 : i32 to index
      %parallel_loop3A_645 = arith.index_cast %parallel_loop3A_591 : i32 to index
      %parallel_loop3A_646 = tpu.vector_load %arg5[%parallel_loop3A_643, %parallel_loop3A_644, %parallel_loop3A_645] {strides = array<i32>} : memref<2x4x8192xf32, #tpu.memory_space<vmem>>, vector<1x1x16xf32>,
      %parallel_loop3A_647 = vector.shape_cast %parallel_loop3A_646 : vector<1x1x16xf32> to vector<16xf32>
      %parallel_loop3A_648 = vector.shape_cast %parallel_loop3A_640 : vector<16xf32> to vector<1x1x16xf32>
      tpu.vector_store %arg5[%parallel_loop3A_643, %parallel_loop3A_644, %parallel_loop3A_645], %parallel_loop3A_648 {strides = array<i32>} : memref<2x4x8192xf32, #tpu.memory_space<vmem>>, vector<1x1x16xf32>,
      %parallel_loop3A_649 = vector.shape_cast %parallel_loop3A_615 : vector<16xi32> to vector<16x1xi32>
      %parallel_loop3A_650 = vector.shape_cast %parallel_loop3A_649 : vector<16x1xi32> to vector<16xi32>
      %parallel_loop3A_651 = tpu.dynamic_gather %convert_element_type3A_25[%parallel_loop3A_650] in [0] : vector<16xf32>, vector<16xi32> -> vector<16xf32>
      %parallel_loop3A_652 = arith.constant 1 : i32
      %parallel_loop3A_653 = arith.constant 3 : i32
      %parallel_loop3A_654 = arith.index_cast %parallel_loop3A_652 : i32 to index
      %parallel_loop3A_655 = arith.index_cast %parallel_loop3A_653 : i32 to index
      %parallel_loop3A_656 = arith.index_cast %parallel_loop3A_591 : i32 to index
      %parallel_loop3A_657 = tpu.vector_load %arg5[%parallel_loop3A_654, %parallel_loop3A_655, %parallel_loop3A_656] {strides = array<i32>} : memref<2x4x8192xf32, #tpu.memory_space<vmem>>, vector<1x1x16xf32>,
      %parallel_loop3A_658 = vector.shape_cast %parallel_loop3A_657 : vector<1x1x16xf32> to vector<16xf32>
      %parallel_loop3A_659 = vector.shape_cast %parallel_loop3A_651 : vector<16xf32> to vector<1x1x16xf32>
      tpu.vector_store %arg5[%parallel_loop3A_654, %parallel_loop3A_655, %parallel_loop3A_656], %parallel_loop3A_659 {strides = array<i32>} : memref<2x4x8192xf32, #tpu.memory_space<vmem>>, vector<1x1x16xf32>,
    } {sc.loop_unroll_factor = 4 : i64, sc.parallel_access}
    %mul3A_536 = arith.constant 2 : i32
    %mul3A_537 = arith.muli %add3A, %mul3A_536 : i32
    %add3A_538 = arith.constant 1 : i32
    %add3A_539 = arith.addi %mul3A_537, %add3A_538 : i32
    %dma_start3A_540 = arith.constant 1 : i32
    %dma_start3A_541 = arith.constant 0 : i32
    %dma_start3A_542 = arith.constant 0 : i32
    %dma_start3A_543 = tpu.memref_slice %arg5[%dma_start3A_540, %dma_start3A_541, %dma_start3A_542] : memref<2x4x8192xf32, #tpu.memory_space<vmem>> -> memref<1x4x8192xf32, #tpu.memory_space<vmem>>
    %dma_start3A_544 = tpu.memref_squeeze %dma_start3A_543 : memref<1x4x8192xf32, #tpu.memory_space<vmem>> -> memref<4x8192xf32, #tpu.memory_space<vmem>>
    %dma_start3A_545 = arith.constant 0 : i32
    %dma_start3A_546 = arith.constant 24576 : i32
    %dma_start3A_547 = tpu.memref_slice %arg3[%add3A_539, %dma_start3A_545, %dma_start3A_546] : memref<64x4x32768xf32, #tpu.memory_space<hbm>> -> memref<1x4x8192xf32, #tpu.memory_space<hbm>>
    %dma_start3A_548 = tpu.memref_squeeze %dma_start3A_547 : memref<1x4x8192xf32, #tpu.memory_space<hbm>> -> memref<4x8192xf32, #tpu.memory_space<hbm>>
    %dma_start3A_549 = arith.constant 0 : i32
    %dma_start3A_550 = arith.constant 24576 : i32
    %dma_start3A_551 = tpu.memref_slice %arg3[%add3A_539, %dma_start3A_549, %dma_start3A_550] : memref<64x4x32768xf32, #tpu.memory_space<hbm>> -> memref<1x4x8192xf32, #tpu.memory_space<hbm>>
    %dma_start3A_552 = tpu.memref_squeeze %dma_start3A_551 : memref<1x4x8192xf32, #tpu.memory_space<hbm>> -> memref<4x8192xf32, #tpu.memory_space<hbm>>
    %dma_start3A_553 = arith.constant 0 : i32
    %dma_start3A_554 = arith.constant 0 : i32
    %dma_start3A_555 = tpu.memref_slice %arg5[%dma_start3A_540, %dma_start3A_553, %dma_start3A_554] : memref<2x4x8192xf32, #tpu.memory_space<vmem>> -> memref<1x4x8192xf32, #tpu.memory_space<vmem>>
    %dma_start3A_556 = tpu.memref_squeeze %dma_start3A_555 : memref<1x4x8192xf32, #tpu.memory_space<vmem>> -> memref<4x8192xf32, #tpu.memory_space<vmem>>
    tpu.enqueue_dma source(%dma_start3A_556 : memref<4x8192xf32, #tpu.memory_space<vmem>>) target(%dma_start3A_552 : memref<4x8192xf32, #tpu.memory_space<hbm>>) target_semaphore(%arg9 : memref<!tpu.dma_semaphore, #tpu.memory_space<semaphore_mem>>)
    %dma_wait3A_557 = arith.constant 0 : i32
    %dma_wait3A_558 = arith.constant 0 : i32
    %dma_wait3A_559 = arith.constant 0 : i32
    %dma_wait3A_560 = tpu.memref_slice %arg5[%dma_wait3A_557, %dma_wait3A_558, %dma_wait3A_559] : memref<2x4x8192xf32, #tpu.memory_space<vmem>> -> memref<1x4x8192xf32, #tpu.memory_space<vmem>>
    %dma_wait3A_561 = tpu.memref_squeeze %dma_wait3A_560 : memref<1x4x8192xf32, #tpu.memory_space<vmem>> -> memref<4x8192xf32, #tpu.memory_space<vmem>>
    %dma_wait3A_562 = arith.constant 0 : i32
    %dma_wait3A_563 = arith.constant 16384 : i32
    %dma_wait3A_564 = tpu.memref_slice %arg3[%add3A_485, %dma_wait3A_562, %dma_wait3A_563] : memref<64x4x32768xf32, #tpu.memory_space<hbm>> -> memref<1x4x8192xf32, #tpu.memory_space<hbm>>
    %dma_wait3A_565 = tpu.memref_squeeze %dma_wait3A_564 : memref<1x4x8192xf32, #tpu.memory_space<hbm>> -> memref<4x8192xf32, #tpu.memory_space<hbm>>
    %dma_wait3A_566 = arith.constant 0 : i32
    %dma_wait3A_567 = arith.constant 16384 : i32
    %dma_wait3A_568 = tpu.memref_slice %arg3[%add3A_485, %dma_wait3A_566, %dma_wait3A_567] : memref<64x4x32768xf32, #tpu.memory_space<hbm>> -> memref<1x4x8192xf32, #tpu.memory_space<hbm>>
    %dma_wait3A_569 = tpu.memref_squeeze %dma_wait3A_568 : memref<1x4x8192xf32, #tpu.memory_space<hbm>> -> memref<4x8192xf32, #tpu.memory_space<hbm>>
    %dma_wait3A_570 = arith.constant 0 : i32
    %dma_wait3A_571 = arith.constant 0 : i32
    %dma_wait3A_572 = tpu.memref_slice %arg5[%dma_wait3A_557, %dma_wait3A_570, %dma_wait3A_571] : memref<2x4x8192xf32, #tpu.memory_space<vmem>> -> memref<1x4x8192xf32, #tpu.memory_space<vmem>>
    %dma_wait3A_573 = tpu.memref_squeeze %dma_wait3A_572 : memref<1x4x8192xf32, #tpu.memory_space<vmem>> -> memref<4x8192xf32, #tpu.memory_space<vmem>>
    tpu.wait_dma2 semaphore(%arg8 : memref<!tpu.dma_semaphore, #tpu.memory_space<semaphore_mem>>) src(%dma_wait3A_573 : memref<4x8192xf32, #tpu.memory_space<vmem>>) dst(%dma_wait3A_569 : memref<4x8192xf32, #tpu.memory_space<hbm>>)
    %dma_wait3A_574 = arith.constant 1 : i32
    %dma_wait3A_575 = arith.constant 0 : i32
    %dma_wait3A_576 = arith.constant 0 : i32
    %dma_wait3A_577 = tpu.memref_slice %arg5[%dma_wait3A_574, %dma_wait3A_575, %dma_wait3A_576] : memref<2x4x8192xf32, #tpu.memory_space<vmem>> -> memref<1x4x8192xf32, #tpu.memory_space<vmem>>
    %dma_wait3A_578 = tpu.memref_squeeze %dma_wait3A_577 : memref<1x4x8192xf32, #tpu.memory_space<vmem>> -> memref<4x8192xf32, #tpu.memory_space<vmem>>
    %dma_wait3A_579 = arith.constant 0 : i32
    %dma_wait3A_580 = arith.constant 24576 : i32
    %dma_wait3A_581 = tpu.memref_slice %arg3[%add3A_539, %dma_wait3A_579, %dma_wait3A_580] : memref<64x4x32768xf32, #tpu.memory_space<hbm>> -> memref<1x4x8192xf32, #tpu.memory_space<hbm>>
    %dma_wait3A_582 = tpu.memref_squeeze %dma_wait3A_581 : memref<1x4x8192xf32, #tpu.memory_space<hbm>> -> memref<4x8192xf32, #tpu.memory_space<hbm>>
    %dma_wait3A_583 = arith.constant 0 : i32
    %dma_wait3A_584 = arith.constant 24576 : i32
    %dma_wait3A_585 = tpu.memref_slice %arg3[%add3A_539, %dma_wait3A_583, %dma_wait3A_584] : memref<64x4x32768xf32, #tpu.memory_space<hbm>> -> memref<1x4x8192xf32, #tpu.memory_space<hbm>>
    %dma_wait3A_586 = tpu.memref_squeeze %dma_wait3A_585 : memref<1x4x8192xf32, #tpu.memory_space<hbm>> -> memref<4x8192xf32, #tpu.memory_space<hbm>>
    %dma_wait3A_587 = arith.constant 0 : i32
    %dma_wait3A_588 = arith.constant 0 : i32
    %dma_wait3A_589 = tpu.memref_slice %arg5[%dma_wait3A_574, %dma_wait3A_587, %dma_wait3A_588] : memref<2x4x8192xf32, #tpu.memory_space<vmem>> -> memref<1x4x8192xf32, #tpu.memory_space<vmem>>
    %dma_wait3A_590 = tpu.memref_squeeze %dma_wait3A_589 : memref<1x4x8192xf32, #tpu.memory_space<vmem>> -> memref<4x8192xf32, #tpu.memory_space<vmem>>
    tpu.wait_dma2 semaphore(%arg9 : memref<!tpu.dma_semaphore, #tpu.memory_space<semaphore_mem>>) src(%dma_wait3A_590 : memref<4x8192xf32, #tpu.memory_space<vmem>>) dst(%dma_wait3A_586 : memref<4x8192xf32, #tpu.memory_space<hbm>>)
    return
  }
}

</mosaic_0001>

<sc_bundles>
// kernel: _disperse.3.cloned.1.call-start
scs
__scs_entry_jumppad:
0x0: {  	(pc) =	sbr.rel $0x88, $3  }
0x1: {  	(tag) =	ssettag $0x0;
	lr =	simm.s32 $0x1  }
0x2: {  	[smem:$0x3FA0] =	sst lr;
	_ =	strace $0xD0000000  }
0x3: {  	_ = 	snop  }
0x4: {  	_ = 	snop  }
0x5: {  	_ = 	snop  }
0x6: {  	_ = 	snop  }
0x7: {  	_ = 	snop  }
__scs_overlays_trampoline_lowered:
0x8: {  	[smem:$0x3FAF] =	sst s0  }
0x9: {  	[smem:$0x3FB0] =	sst s1  }
0xa: {  	[smem:$0x3FB1] =	sst s2  }
0xb: {  	[smem:$0x3FB2] =	sst s3  }
0xc: {  	[smem:$0x3FB3] =	sst s4  }
0xd: {  	[smem:$0x3FB4] =	sst s5  }
0xe: {  	[smem:$0x3FB5] =	sst s6  }
0xf: {  	[smem:$0x3FB6] =	sst s7  }
0x10: {  	[smem:$0x3FB7] =	sst s8  }
0x11: {  	[smem:$0x3FB8] =	sst s9;
	s0 =	simm.s32 @!p0 $0x0  }
0x12: {  	s1 =	sld [smem:$0x3F9E];
	s0 =	simm.s32 @p0 $0x1  }
0x13: {  	[smem:$0x3FB9] =	sst s0;
	s0 =	simm.s32 @!p1 $0x0  }
0x14: {  	s2 =	sld [smem:$0x3F9D];
	s0 =	simm.s32 @p1 $0x1  }
0x15: {  	[smem:$0x3FBA] =	sst s0;
	s0 =	simm.s32 @!p2 $0x0  }
0x16: {  	s3 =	sld [smem:$0x3FDB];
	s0 =	simm.s32 @p2 $0x1  }
0x17: {  	s4 =	simm.s32 $0x1BF5;
	[smem:$0x3FBC] =	sst s0  }
0x18: {  	s0 =	sld [smem:$0x3F9F];
	_ =	swait.ge [sflag:s4], $0x0  }
0x19: {  	s7 =	sld [smem:$0x3FA0]  }
0x1a: {  	s8 =	sadd.s32 $0xFFFFE003, lr  }
0x1b: {  	s9 =	sadd.s32 $0xFFFFFEF7, lr;
	s5 =	simm.s32 $0xFFFFFFFF;
	p2 =	slt.u32 s8, $0xFFFFF086  }
0x1c: {  	p1 =	slt.u32 s9, $0xF7A;
	s5 =	simm.s32 @!p2 $0x0  }
0x1d: {  	s5 =	simm.s32 @p1 $0x1;
	p0 =	seq.s32 s7, s2  }
0x1e: {  	s7 =	smul.u32 @!p0 $0xF7A, s2;
	p2 =	seq.s32 @!p0 s5, $0x0  }
0x1f: {  	s9 =	smul.u32 $0xF7A, s1;
	s8 =	simm.s32 @!p0 $0x1BF5;
	p2 =	por !p2, p0  }
0x20: {  	[sflag:s8] =	ssyncset.s32 @!p0 $0xFFFFF086;
	s6 =	sadd.s32 @!p0 s3, s7;
	s7 =	simm.s32 @!p0 $0x108  }
0x21: {  	s3 =	sadd.s32 s3, s9;
	s6 =	sadd.s32 @!p0 $0x88, s6;
	s7 =	simm.s32 @p2 $0x1082  }
0x22: {  	[simem:s7], [sflag:s8] =	dma.local @!p0 [hbm:s6], $0xF7A  }
0x23: {  	s9 =	sor.u32 $0xD0000000, s2;
	s6 =	simm.s32 $0x108;
	_ =	swait.ge @!p0 [sflag:s8], $0x0  }
0x24: {  	s3 =	sadd.s32 $0x88, s3;
	s6 =	simm.s32 @!p1 $0x1082;
	[sflag:s4] =	ssyncset.s32 $0xFFFFF086  }
0x25: {  	[simem:s6], [sflag:s4] =	dma.local [hbm:s3], $0xF7A  }
0x26: {  	[smem:$0x3FA0] =	sst s1;
	(tag) =	ssettag s2;
	_ =	strace s9  }
0x27: {  	s1 =	sld [smem:$0x3FB0]  }
0x28: {  	s2 =	sld [smem:$0x3FB1]  }
0x29: {  	s4 =	sld [smem:$0x3FB3]  }
0x2a: {  	p0 =	seq.s32 s5, $0x0;
	s5 =	sld [smem:$0x3FB4]  }
0x2b: {  	s6 =	sld [smem:$0x3FB5]  }
0x2c: {  	s7 =	sld [smem:$0x3FB6]  }
0x2d: {  	s3 =	simm.s32 $0x108;
	s8 =	sld [smem:$0x3FB7]  }
0x2e: {  	s3 =	simm.s32 @!p0 $0x1082;
	s9 =	sld [smem:$0x3FB8]  }
0x2f: {  	lr =	sadd.s32 s0, s3;
	s0 =	sld [smem:$0x3FAF]  }
0x30: {  	s3 =	sld [smem:$0x3FB2]  }
0x31: {  	[smem:$0x3FBB] =	sst s10  }
0x32: {  	s10 =	sld [smem:$0x3FB9];
	_ =	sdelay $0x3  }
0x33: {  	p0 =	seq.s32 s10, $0x1;
	s10 =	sld [smem:$0x3FBB];
	_ =	sdelay $0x3  }
0x34: {  	[smem:$0x3FBB] =	sst s10  }
0x35: {  	s10 =	sld [smem:$0x3FBA];
	_ =	sdelay $0x3  }
0x36: {  	p1 =	seq.s32 s10, $0x1;
	s10 =	sld [smem:$0x3FBB];
	_ =	sdelay $0x3  }
0x37: {  	[smem:$0x3FBB] =	sst s10  }
0x38: {  	s10 =	sld [smem:$0x3FBC]  }
0x39: {  	_ = 	snop;
	(pc) =	sbr.ind lr, $3  }
0x3a: {  	_ = 	snop  }
0x3b: {  	_ = 	snop  }
0x3c: {  	p2 =	seq.s32 s10, $0x1;
	s10 =	sld [smem:$0x3FBB]  }
0x3d: {  	_ =	shalt  }
0x3e: {  	_ =	shalt  }
0x3f: {  	_ =	shalt  }
0x40: {  	_ =	shalt  }
0x41: {  	_ =	shalt  }
0x42: {  	_ =	shalt  }
0x43: {  	_ =	shalt  }
0x44: {  	_ =	shalt  }
0x45: {  	_ =	shalt  }
0x46: {  	_ =	shalt  }
0x47: {  	_ =	shalt  }
0x48: {  	_ =	shalt  }
0x49: {  	_ =	shalt  }
0x4a: {  	_ =	shalt  }
0x4b: {  	_ =	shalt  }
0x4c: {  	_ =	shalt  }
0x4d: {  	_ =	shalt  }
0x4e: {  	_ =	shalt  }
0x4f: {  	_ =	shalt  }
0x50: {  	_ =	shalt  }
0x51: {  	_ =	shalt  }
0x52: {  	_ =	shalt  }
0x53: {  	_ =	shalt  }
0x54: {  	_ =	shalt  }
0x55: {  	_ =	shalt  }
0x56: {  	_ =	shalt  }
0x57: {  	_ =	shalt  }
0x58: {  	_ =	shalt  }
0x59: {  	_ =	shalt  }
0x5a: {  	_ =	shalt  }
0x5b: {  	_ =	shalt  }
0x5c: {  	_ =	shalt  }
0x5d: {  	_ =	shalt  }
0x5e: {  	_ =	shalt  }
0x5f: {  	_ =	shalt  }
0x60: {  	_ =	shalt  }
0x61: {  	_ =	shalt  }
0x62: {  	_ =	shalt  }
0x63: {  	_ =	shalt  }
0x64: {  	_ =	shalt  }
0x65: {  	_ =	shalt  }
0x66: {  	_ =	shalt  }
0x67: {  	_ =	shalt  }
0x68: {  	_ =	shalt  }
0x69: {  	_ =	shalt  }
0x6a: {  	_ =	shalt  }
0x6b: {  	_ =	shalt  }
0x6c: {  	_ =	shalt  }
0x6d: {  	_ =	shalt  }
0x6e: {  	_ =	shalt  }
0x6f: {  	_ =	shalt  }
0x70: {  	_ =	shalt  }
0x71: {  	_ =	shalt  }
0x72: {  	_ =	shalt  }
0x73: {  	_ =	shalt  }
0x74: {  	_ =	shalt  }
0x75: {  	_ =	shalt  }
0x76: {  	_ =	shalt  }
0x77: {  	_ =	shalt  }
0x78: {  	_ =	shalt  }
0x79: {  	_ =	shalt  }
0x7a: {  	_ =	shalt  }
0x7b: {  	_ =	shalt  }
0x7c: {  	_ =	shalt  }
0x7d: {  	_ =	shalt  }
0x7e: {  	_ =	shalt  }
0x7f: {  	_ =	shalt  }
0x80: {  	_ =	shalt  }
0x81: {  	_ =	shalt  }
0x82: {  	_ =	shalt  }
0x83: {  	_ =	shalt  }
0x84: {  	_ =	shalt  }
0x85: {  	_ =	shalt  }
0x86: {  	_ =	shalt  }
0x87: {  	_ =	shalt  }
.Lfunc_end0:
.L_simem_size_0:
called_computation_lowered:
.L_overlay_start_0:
0x88: {  	s2 =	sld [smem:$0x3FD9]  }
0x89: {  	s3 =	sld [smem:$0x3FFE];
	_ =	sdelay $0x1  }
0x8a: {  	s1 =	srdreg.scid  }
0x8b: {  	s0 =	sand.u32 $0x1, s1  }
0x8c: {  	s18 =	sshll.u32 s0, $0xA;
	s2 =	sadd.s32 s3, s2  }
0x8d: {  	s2 =	sadd.s32 s2, s18  }
0x8e: {  	[smem:$0x3FC7] =	sst s2  }
0x8f: {  	_ = 	snop  }
0x90: {  	s2 =	sld [smem:$0x3FC9]  }
0x91: {  	s19 =	sld [smem:$0x3FD0];
	(tm) =	ssettm $0x1  }
0x92: {  	s4 =	sld [smem:$0x3FFB];
	_ =	sdelay $0x3  }
0x93: {  	_ =	strace s4  }
0x94: {  	s4 =	sld [smem:$0x3FFC];
	_ =	sdelay $0x3  }
0x95: {  	_ =	strace s4  }
0x96: {  	s4 =	sld [smem:$0x3FFD];
	_ =	sdelay $0x3  }
0x97: {  	_ =	strace s4  }
0x98: {  	_ =	strace $0x8FFFFFFF  }
0x99: {  	s20 =	sld [smem:$0x3FDB];
	_ =	sdelay $0x1  }
0x9a: {  	s5 =	simm.s32 $_scs_section_size  }
0x9b: {  	s6 =	simm.s32 $_size__tile_overlayer_lowered;
	s7 =	simm.s32 $_tile_overlayer_lowered  }
0x9c: {  	s23 =	simm.s32 $0x1BFF;
	s22 =	sshll.u32 s7, $0x1;
	s4 =	sadd.s32 s5, s20  }
0x9d: {  	s8 =	simm.s32 $0x0;
	s21 =	sshll.u32 s6, $0x1;
	s6 =	sadd.s32 s22, s4  }
0x9e: {  	[timem:s8], [sflag:s23] =	dma.local [hbm:s6], s21  }
0x9f: {  	_ =	swait.ge [sflag:s23], s21  }
0xa0: {  	s5 =	ssub.s32 $0x0, s21;
	[sflag:s23] =	ssyncset.done $0x0  }
0xa1: {  	[sflag:s23] =	ssyncadd.s32 s5;
	_ =	sdelay $0x1  }
0xa2: {  	s24 =	simm.s32 $0x1B8B  }
0xa3: {  	_ =	swait.ge [sflag:s24], $0x1  }
0xa4: {  	[sflag:s24] =	ssyncset.done $0x0  }
0xa5: {  	s25 =	simm.s32 $0x1B8E;
	[sflag:s24] =	ssyncadd.s32 $0xFFFFFFFF  }
0xa6: {  	s26 =	simm.s32 $execute0_lowered;
	[smem:$0x3FD2] =	sst s25  }
0xa7: {  	s5 =	sshll.u32 s26, $0x1;
	_ =	strace $0x80000046;
	[dreg:$0x1] =	wrdreg $0xFFFFFFFF  }
0xa8: {  	s28 =	simm.s32 $_size_execute0_lowered;
	s4 =	sadd.s32 s4, s5;
	[dreg:$0x0] =	wrdreg $0x0  }
0xa9: {  	s5 =	sshll.u32 s28, $0x1;
	[dreg:$0x2] =	wrdreg s4  }
0xaa: {  	[dreg:$0x3] =	wrdreg s5  }
0xab: {  	[dreg:$0x4] =	wrdreg $0xC0  }
0xac: {  	_ =	task [dreg:s8], $0x5FFFF  }
0xad: {  	[dreg:$0x1] =	wrdreg $0xFFFFFFFF  }
0xae: {  	[dreg:$0x0] =	wrdreg $0x60  }
0xaf: {  	[dreg:$0x2] =	wrdreg s2  }
0xb0: {  	[dreg:$0x3] =	wrdreg s19  }
0xb1: {  	[dreg:$0x4] =	wrdreg $0x9  }
0xb2: {  	_ =	task.clear_ibuf [dreg:s8], $0x5FFFF;
	_ =	strace $0x90000046  }
0xb3: {  	s29 =	simm.s32 $0x9;
	_ =	strace $0x80000048  }
0xb4: {  	_ =	swait.ge [sflag:s29], $0x1  }
0xb5: {  	[sflag:s29] =	ssyncadd.s32 $0xFFFFFFFF  }
0xb6: {  	_ =	strace $0x90000048  }
0xb7: {  	_ =	sfence  }
0xb8: {  	s30 =	sld [smem:$0x0];
	_ =	sdelay $0x2  }
0xb9: {  	s31 =	sshll.u32 s1, $0xD;
	s1 =	sshrl.u32 s1, $0x2  }
0xba: {  	s3 =	sand.u32 $0x4000, s31;
	s1 =	sadd.s32 s1, s30  }
0xbb: {  	s0 =	sor.u32 s3, s0;
	s1 =	sshll.u32 s1, $0x11  }
0xbc: {  	s0 =	sor.u32 s1, s0  }
0xbd: {  	s0 =	sadd.s32 $0x8F2B, s0  }
0xbe: {  	[sflag:s0] =	ssyncadd.remote.s32 $0x1  }
0xbf: {  	_ =	sfence.sel $0xFFFF  }
0xc0: {  	[dreg:$0x0] =	wrdreg $0xFFFFFFFF;
	(pc) =	sbr.abs _section_cstart, $3  }
0xc1: {  	[dreg:$0x1] =	wrdreg $0xFFFFFFFF  }
0xc2: {  	_ =	task.clear_ibuf [dreg:s8], $0x2FFFF;
	_ =	strace $0x9FFFFFFF  }
0xc3: {  	(tm) =	ssettm $0x7FFFFFFF  }
tec
execute0_lowered:
.L_overlay_start_1:
0x0: {  	(tag) =	ssettag $0x1  }
0x1: {  	s1 =	srdreg.scid;
	s0 =	rddreg [dreg:$0x0]  }
0x2: {  	s2 =	stileid.u32;
	s5 =	rddreg [dreg:$0x1];
	s1 =	sand.u32 $0x1, s1  }
0x3: {  	s2 =	sshll.u32 s2, $0x2;
	s12 =	sadd.s32 $0x2000, s0;
	s14 =	sadd.s32 $0x4000, s0  }
0x4: {  	s15 =	sadd.s32 $0x1000, s5;
	s17 =	sadd.s32 $0x2000, s5;
	s3 =	sshll.u32 s1, $0x1  }
0x5: {  	s18 =	sadd.s32 $0x3000, s5;
	s1 =	ssub.s32 $0x2, s1;
	s7 =	sor.u32 s3, s2  }
0x6: {  	s2 =	simm.s32 $0x0;
	s22 =	sshrl.u32 s1, $0x1;
	s9 =	sshll.u32 s7, $0xF  }
0x7: {  	s3 =	sshll.u32 s7, $0x7;
	[smem:$0x7FF] =	sst s2;
	s1 =	ssub.s32 s1, s22  }
0x8: {  	s11 =	sshll.u32 s7, $0xE;
	s7 =	sor.u32 $0x1, s7;
	s10 =	sand.u32 $0x1C0000, s9  }
0x9: {  	s8 =	sand.u32 $0x300, s3;
	_ =	strace $0x80000047;
	s13 =	sadd.s32 s5, s11  }
0xa: {  	s23 =	sshll.u32 s7, $0x7;
	s16 =	sadd.s32 s11, s15;
	[dreg:$0x3] =	wrdreg s13  }
0xb: {  	s24 =	sadd.s32 s11, s17;
	s11 =	sadd.s32 s11, s18;
	[dreg:$0x4] =	wrdreg s16  }
0xc: {  	v2 =	vimm.f32 $1.000000000e+00;
	vm0 =	vcmask $0xF00;
	s7 =	sshll.u32 s7, $0xE;
	s31 =	smax.u32 s1, $0x1;
	[dreg:$0x5] =	wrdreg s24  }
0xd: {  	vm1 =	vcmask $0x1F00;
	vm15 =	vcmask $0x2F20;
	vm4 =	vcmask $0x300;
	s4 =	sor.u32 s8, s10;
	s8 =	sor.u32 s9, s8;
	[dreg:$0x6] =	wrdreg s11  }
0xe: {  	vm5 =	vcmask $0x700;
	vm6 =	vcmask $0xB08;
	vm7 =	vcmask $0x1310;
	s13 =	sand.u32 $0x380, s23;
	s5 =	sadd.s32 s5, s7;
	[dreg:$0xb] =	wrdreg s31  }
0xf: {  	vm8 =	vcmask $0x1710;
	vm9 =	vcmask $0x1B18;
	v3 =	vsel vm4, $0x0, v2;
	s28 =	sadd.s32 s7, s15;
	s29 =	sadd.s32 s7, s17;
	[dreg:$0x7] =	wrdreg s5  }
0x10: {  	vm10 =	vcmask $0x2320;
	vm11 =	vcmask $0x2720;
	v3 =	vsel vm6, $0x0, v3;
	s30 =	sadd.s32 s7, s18;
	s6 =	sshrl.u32 s4, $0x3;
	[dreg:$0x8] =	wrdreg s28  }
0x11: {  	vm12 =	vcmask $0x2B28;
	vm13 =	vcmask $0x3330;
	v3 =	vsel vm7, $0x0, v3;
	s8 =	sshrl.u32 s8, $0x3;
	s10 =	sor.u32 s10, s13;
	[dreg:$0x9] =	wrdreg s29  }
0x12: {  	vm14 =	vcmask $0x3730;
	v1 =	vsel vm0, $0x0, v2;
	v3 =	vsel vm9, $0x0, v3;
	s9 =	sor.u32 s9, s13;
	[dreg:$0xa] =	wrdreg s30;
	s3 =	sadd.s32 s0, s6  }
0x13: {  	v0 =	vsel vm1, $0x0, v2;
	v2 =	vsel vm5, $0x0, v2;
	v3 =	vsel vm10, $0x0, v3;
	s4 =	sadd.s32 s6, s12;
	s6 =	sadd.s32 s6, s14;
	s8 =	sor.u32 $0x6000, s8  }
0x14: {  	v1 =	vsel vm15, $0x0, v1;
	v2 =	vsel vm8, $0x0, v2;
	v3 =	vsel vm12, $0x0, v3;
	s25 =	sshrl.u32 s10, $0x3;
	s9 =	sshrl.u32 s9, $0x3;
	s8 =	sadd.s32 s0, s8  }
0x15: {  	vm15 =	vcmask $0x3B38;
	v2 =	vsel vm11, $0x0, v2;
	v4 =	vsel vm13, $0x0, v3;
	s10 =	sadd.s32 s0, s25;
	s12 =	sadd.s32 s25, s12;
	s26 =	sor.u32 $0x6000, s9  }
0x16: {  	v2 =	vsel vm14, $0x0, v2;
	v3 =	vimm.s32 $0x0;
	v4 =	vsel vm15, $0x0, v4;
	s14 =	sadd.s32 s25, s14;
	s16 =	sadd.s32 s0, s26;
	s26 =	simm.s32 $0x0  }
.LBB2_1:
0x17: {  	s0 =	simm.s32 $0x80  }
0x18: {  	s7 =	sadd.s32 $0x0, s3;
	s1 =	simm.s32 $0x100;
	s5 =	simm.s32 $0x0  }
.LBB2_2:
0x19: {  	[tilespmem:s5], [sflag:$0x1] =	stream.linear.gather [hbm4b:s7+s2], $0x80, $0x38;
	[tilespmem:$0x14000] =	vst v63  }
0x1a: {  	s7 =	smov.u32 s0;
	s5 =	smov.u32 s1;
	p0 =	sne.s32 s0, $0x1F80  }
.Ltmp0:
0x1b: {  	s0 =	sadd.s32 $0x80, s0;
	(pc) =	sbr.rel @p0 .LBB2_2-.Ltmp0, $2  }
0x1c: {  	_ =	sdelay $0x2  }
0x1d: {  	s1 =	sadd.s32 $0x100, s1;
	s7 =	sadd.s32 s7, s3  }
0x1e: {  	[tilespmem:s5], [sflag:$0x1] =	stream.linear.gather [hbm4b:s7+s2], $0x80, $0x38;
	[tilespmem:$0x14000] =	vst v63  }
0x1f: {  	s0 =	simm.s32 $0x80  }
0x20: {  	s1 =	simm.s32 $0x80;
	s7 =	sadd.s32 $0x0, s4;
	s5 =	simm.s32 $0x180  }
.LBB2_4:
0x21: {  	[tilespmem:s0], [sflag:$0x2] =	stream.linear.gather [hbm4b:s7+s2], $0x80, $0x38;
	[tilespmem:$0x14000] =	vst v63  }
0x22: {  	s7 =	smov.u32 s1;
	s0 =	smov.u32 s5;
	p0 =	sne.s32 s1, $0x1F80  }
.Ltmp1:
0x23: {  	s1 =	sadd.s32 $0x80, s1;
	(pc) =	sbr.rel @p0 .LBB2_4-.Ltmp1, $2  }
0x24: {  	_ =	sdelay $0x2  }
0x25: {  	s5 =	sadd.s32 $0x100, s5;
	s7 =	sadd.s32 s7, s4  }
0x26: {  	[tilespmem:s0], [sflag:$0x2] =	stream.linear.gather [hbm4b:s7+s2], $0x80, $0x38;
	[tilespmem:$0x14000] =	vst v63  }
0x27: {  	s15 =	simm.s32 $0x0;
	s17 =	simm.s32 $0x1  }
0x28: {  	s18 =	simm.s32 $0x0;
	_ =	swait.ge [sflag:s17], $0x2000;
	s9 =	sand.u32 $0x40, s15  }
0x29: {  	s1 =	sand.u32 $0x3FFFFF00, s18;
	[sflag:s17] =	ssyncset.done $0x0;
	s5 =	sor.u32 $0x30, s9  }
0x2a: {  	[sflag:s17] =	ssyncadd.s32 $0xFFFFE000;
	s0 =	sor.u32 s5, s1  }
0x2b: {  	s19 =	sor.u32 s9, s1;
	s20 =	sor.u32 $0x20, s9;
	v5 =	vld [tilespmem:s0+$0x0]  }
0x2c: {  	s21 =	sor.u32 $0x10, s9;
	s28 =	sor.u32 s20, s1;
	v6 =	vld [tilespmem:s19+$0x0]  }
0x2d: {  	s1 =	sor.u32 s21, s1;
	v7 =	vld [tilespmem:s28+$0x0]  }
0x2e: {  	v8 =	vld [tilespmem:s1+$0x0]  }
0x2f: {  	s1 =	simm.s32 $0x40  }
0x30: {  	s28 =	simm.s32 $0x80;
	s30 =	sand.u32 $0x40, s1  }
0x31: {  	s11 =	sand.u32 $0x3FFFFF00, s28;
	s29 =	sor.u32 $0x20, s30  }
0x32: {  	s22 =	sor.u32 s29, s11;
	v5 =	vadd.f32 $4.000000000e+00, v5;
	v6 =	vadd.f32 $4.000000000e+00, v6  }
0x33: {  	v14 =	vld [tilespmem:s22+$0x0];
	v7 =	vadd.f32 $4.000000000e+00, v7;
	v8 =	vadd.f32 $4.000000000e+00, v8  }
0x34: {  	v5 =	vadd.f32 v5, v5;
	v6 =	vadd.f32 v6, v6  }
0x35: {  	v8 =	vadd.f32 v8, v8  }
0x36: {  	v7 =	vadd.f32 v7, v7;
	v5 =	vmax.f32 v5, $0.0e+00;
	v6 =	vmax.f32 v6, $0.0e+00  }
0x37: {  	v8 =	vmax.f32 v8, $0.0e+00;
	v5 =	vmin.f32 v5, $1.500000000e+01;
	v6 =	vmin.f32 v6, $1.500000000e+01  }
0x38: {  	v14 =	vadd.f32 $4.000000000e+00, v14;
	v9 =	vtrunc.f32 v5;
	v10 =	vtrunc.f32 v6  }
0x39: {  	vm0 =	vlt.f32 v5, v9;
	vm1 =	vgt.f32 v5, v9;
	v5 =	vmax.f32 v7, $0.0e+00  }
0x3a: {  	v7 =	vcvt.f32.s32 v9;
	vm0 =	vmor vm1, vm0;
	vm1 =	vlt.f32 v6, v10  }
0x3b: {  	v5 =	vmin.f32 v5, $1.500000000e+01;
	v9 =	vsel vm0, $0x1, v3;
	vm0 =	vgt.f32 v6, v10  }
0x3c: {  	v6 =	vmin.f32 v8, $1.500000000e+01;
	v8 =	vtrunc.f32 v5;
	v9 =	vadd.s32 v7, v9  }
0x3d: {  	v7 =	vcvt.f32.s32 v10;
	vm0 =	vmor vm0, vm1;
	v10 =	vtrunc.f32 v6  }
0x3e: {  	vm2 =	vlt.f32 v5, v8;
	v11 =	vsel vm0, $0x1, v3;
	v12 =	vcvt.f32.s32 v10  }
0x3f: {  	s28 =	sor.u32 $0x30, s30;
	s13 =	sor.u32 s30, s11;
	vm0 =	vlt.f32 v6, v10;
	vm1 =	vgt.f32 v6, v10;
	v9 =	vand.u32 $0xF, v9  }
0x40: {  	s31 =	sor.u32 s28, s11;
	v7 =	vadd.s32 v7, v11;
	vm0 =	vmor vm1, vm0;
	vm1 =	vgt.f32 v5, v8;
	v5 =	vld [tilespmem:s13+$0x0]  }
0x41: {  	s15 =	simm.s32 $0x0;
	v6 =	vld [tilespmem:s31+$0x0];
	s31 =	sor.u32 $0x10, s30;
	v8 =	vcvt.f32.s32 v8;
	v7 =	vand.u32 $0xF, v7;
	v13 =	vsel vm0, $0x1, v3  }
0x42: {  	s23 =	sand.u32 $0x3FFFFE00, s15;
	s11 =	sor.u32 s31, s11;
	vm0 =	vmor vm1, vm2;
	v10 =	vperm.xlane v0, v7;
	v11 =	vperm.xlane v1, v7  }
0x43: {  	s13 =	sadd.s32 $0x4000, s23;
	v15 =	vperm.xlane v2, v7;
	v12 =	vadd.s32 v12, v13;
	v13 =	vld [tilespmem:s11+$0x0];
	v16 =	vsel vm0, $0x1, v3  }
0x44: {  	s9 =	sor.u32 s9, s13;
	v7 =	vperm.xlane v4, v7;
	v12 =	vand.u32 $0xF, v12;
	v8 =	vadd.s32 v8, v16  }
0x45: {  	v17 =	vperm.xlane v0, v12;
	v62 =	vperm.xlane v1, v12;
	[tilespmem:s9+$0x0] =	vst v10;
	v5 =	vadd.f32 $4.000000000e+00, v5  }
0x46: {  	v10 =	vperm.xlane v2, v12;
	v12 =	vperm.xlane v4, v12;
	[tilespmem:s9+$0x100] =	vst v15;
	v6 =	vadd.f32 $4.000000000e+00, v6  }
0x47: {  	v8 =	vand.u32 $0xF, v8;
	[tilespmem:s9+$0x80] =	vst v11;
	v11 =	vperm.xlane v1, v9;
	v5 =	vadd.f32 v5, v5  }
0x48: {  	s7 =	sor.u32 s21, s13;
	[tilespmem:s9+$0x180] =	vst v7;
	v15 =	vperm.xlane v0, v8;
	v6 =	vadd.f32 v6, v6;
	v13 =	vadd.f32 $4.000000000e+00, v13  }
0x49: {  	v18 =	vperm.xlane v1, v8;
	[tilespmem:s7+$0x100] =	vst v10;
	v10 =	vadd.f32 v14, v14;
	v5 =	vmax.f32 v5, $0.0e+00  }
0x4a: {  	[tilespmem:s7+$0x0] =	vst v17;
	v6 =	vmax.f32 v6, $0.0e+00;
	v7 =	vmin.f32 v5, $1.500000000e+01;
	v5 =	vadd.f32 v13, v13  }
0x4b: {  	v63 =	vperm.xlane v2, v8;
	v14 =	vperm.xlane v4, v8;
	[tilespmem:s7+$0x180] =	vst v12;
	v12 =	vmin.f32 v6, $1.500000000e+01  }
0x4c: {  	s0 =	sor.u32 s20, s13;
	[tilespmem:s7+$0x80] =	vst v62;
	v6 =	vmax.f32 v10, $0.0e+00;
	v10 =	vmax.f32 v5, $0.0e+00;
	v5 =	vtrunc.f32 v12  }
0x4d: {  	[tilespmem:s0+$0x0] =	vst v15;
	v6 =	vmin.f32 v6, $1.500000000e+01;
	vm1 =	vlt.f32 v12, v5;
	vm2 =	vgt.f32 v12, v5  }
0x4e: {  	s24 =	simm.s32 $0x100;
	[tilespmem:s0+$0x100] =	vst v63;
	v8 =	vtrunc.f32 v7;
	v5 =	vcvt.f32.s32 v5;
	vm1 =	vmor vm2, vm1  }
0x4f: {  	s25 =	sand.u32 $0x3FFFFE00, s24;
	[tilespmem:s0+$0x180] =	vst v14;
	v13 =	vperm.xlane v0, v9;
	vm0 =	vlt.f32 v7, v8;
	v14 =	vsel vm1, $0x1, v3  }
0x50: {  	s9 =	sor.u32 s5, s13;
	[tilespmem:s0+$0x80] =	vst v18;
	s0 =	sadd.s32 $0x4000, s25;
	v12 =	vperm.xlane v4, v9;
	v9 =	vperm.xlane v2, v9;
	v5 =	vadd.s32 v5, v14  }
.LBB2_6:
0x51: {  	s1 =	sadd.s32 $0x40, s1;
	vm1 =	vgt.f32 v7, v8;
	v7 =	vmin.f32 v10, $1.500000000e+01;
	v10 =	vtrunc.f32 v6;
	[tilespmem:s9+$0x0] =	vst v13  }
0x52: {  	v8 =	vcvt.f32.s32 v8;
	s11 =	sand.u32 $0x40, s1;
	s5 =	sshll.u32 s1, $0x1;
	s7 =	sshll.u32 s1, $0x2;
	vm0 =	vmor vm1, vm0;
	v13 =	vtrunc.f32 v7;
	[tilespmem:s9+$0x180] =	vst v12  }
0x53: {  	s13 =	sand.u32 $0x3FFFFF00, s5;
	s15 =	sor.u32 $0x10, s11;
	s5 =	sor.u32 $0x30, s11;
	v12 =	vsel vm0, $0x1, v3;
	v14 =	vcvt.f32.s32 v13;
	vm0 =	vlt.f32 v7, v13;
	[tilespmem:s9+$0x80] =	vst v11  }
0x54: {  	vm2 =	vlt.f32 v6, v10;
	vm1 =	vgt.f32 v7, v13;
	s17 =	sor.u32 s11, s13;
	s18 =	sor.u32 s15, s13;
	s19 =	sor.u32 s5, s13;
	v8 =	vadd.s32 v8, v12;
	[tilespmem:s9+$0x100] =	vst v9  }
0x55: {  	p0 =	slt.u32 s1, $0x1FC0;
	s7 =	sand.u32 $0x3FFFFE00, s7;
	s21 =	sor.u32 $0x20, s11;
	vm0 =	vmor vm1, vm0;
	vm1 =	vgt.f32 v6, v10;
	v7 =	vld [tilespmem:s19+$0x0];
	v8 =	vand.u32 $0xF, v8  }
0x56: {  	s7 =	sadd.s32 $0x4000, s7;
	s9 =	sor.u32 s21, s13;
	v12 =	vsel vm0, $0x1, v3;
	v6 =	vld [tilespmem:s17+$0x0];
	v9 =	vperm.xlane v0, v8;
	v11 =	vperm.xlane v1, v8  }
0x57: {  	v15 =	vperm.xlane v2, v8;
	v8 =	vperm.xlane v4, v8;
	v12 =	vadd.s32 v14, v12;
	v13 =	vld [tilespmem:s9+$0x0];
	s9 =	sor.u32 s30, s0;
	s30 =	smov.u32 s11  }
0x58: {  	v10 =	vcvt.f32.s32 v10;
	vm0 =	vmor vm1, vm2;
	v14 =	vld [tilespmem:s18+$0x0];
	[tilespmem:s9+$0x0] =	vst v9;
	v9 =	vand.u32 $0xF, v12  }
0x59: {  	v16 =	vsel vm0, $0x1, v3;
	[tilespmem:s9+$0x100] =	vst v15;
	v12 =	vperm.xlane v0, v9;
	v15 =	vperm.xlane v1, v9  }
0x5a: {  	s11 =	sor.u32 s31, s0;
	v10 =	vadd.s32 v10, v16;
	s31 =	smov.u32 s15;
	[tilespmem:s9+$0x180] =	vst v8;
	v8 =	vperm.xlane v2, v9;
	v9 =	vperm.xlane v4, v9  }
0x5b: {  	v10 =	vand.u32 $0xF, v10;
	v7 =	vadd.f32 $4.000000000e+00, v7;
	v6 =	vadd.f32 $4.000000000e+00, v6;
	[tilespmem:s11+$0x0] =	vst v12  }
0x5c: {  	v12 =	vadd.f32 $4.000000000e+00, v13;
	[tilespmem:s11+$0x100] =	vst v8;
	v8 =	vperm.xlane v0, v10;
	v13 =	vperm.xlane v1, v10  }
0x5d: {  	s13 =	sor.u32 s29, s0;
	s29 =	smov.u32 s21;
	v7 =	vadd.f32 v7, v7;
	v6 =	vadd.f32 v6, v6;
	[tilespmem:s11+$0x180] =	vst v9;
	v9 =	vperm.xlane v2, v10  }
0x5e: {  	v14 =	vadd.f32 $4.000000000e+00, v14;
	v12 =	vadd.f32 v12, v12;
	[tilespmem:s13+$0x0] =	vst v8;
	v8 =	vperm.xlane v4, v10  }
0x5f: {  	v10 =	vmax.f32 v7, $0.0e+00;
	v6 =	vmax.f32 v6, $0.0e+00;
	[tilespmem:s13+$0x100] =	vst v9  }
0x60: {  	v9 =	vmin.f32 v10, $1.500000000e+01;
	v7 =	vmin.f32 v6, $1.500000000e+01;
	v6 =	vadd.f32 v14, v14;
	[tilespmem:s13+$0x180] =	vst v8  }
0x61: {  	v12 =	vmax.f32 v12, $0.0e+00;
	v8 =	vtrunc.f32 v7;
	[tilespmem:s13+$0x80] =	vst v13  }
.Ltmp2:
0x62: {  	v13 =	vtrunc.f32 v9;
	vm0 =	vlt.f32 v7, v8;
	v10 =	vmax.f32 v6, $0.0e+00;
	[tilespmem:s11+$0x80] =	vst v15;
	(pc) =	sbr.rel @p0 .LBB2_6-.Ltmp2, $4  }
0x63: {  	v6 =	vmin.f32 v12, $1.500000000e+01;
	vm1 =	vlt.f32 v9, v13;
	vm2 =	vgt.f32 v9, v13;
	[tilespmem:s9+$0x80] =	vst v11  }
0x64: {  	v14 =	vand.u32 $0xF, v5;
	v9 =	vcvt.f32.s32 v13;
	vm1 =	vmor vm2, vm1  }
0x65: {  	v13 =	vperm.xlane v0, v14;
	v12 =	vperm.xlane v4, v14;
	v5 =	vsel vm1, $0x1, v3  }
0x66: {  	s9 =	sor.u32 s28, s0;
	v11 =	vperm.xlane v1, v14;
	s28 =	smov.u32 s5;
	s0 =	smov.u32 s7;
	v5 =	vadd.s32 v9, v5;
	v9 =	vperm.xlane v2, v14  }
0x67: {  	vm1 =	vgt.f32 v7, v8  }
0x68: {  	v7 =	vcvt.f32.s32 v8;
	v48 =	vmin.f32 v10, $1.500000000e+01;
	vm0 =	vmor vm1, vm0  }
0x69: {  	v14 =	vtrunc.f32 v6;
	[tilespmem:s9+$0x0] =	vst v13;
	v5 =	vand.u32 $0xF, v5;
	v49 =	vsel vm0, $0x1, v3  }
0x6a: {  	[tilespmem:s9+$0x180] =	vst v12;
	v50 =	vtrunc.f32 v48;
	vm2 =	vlt.f32 v6, v14;
	v7 =	vadd.s32 v7, v49  }
0x6b: {  	[tilespmem:s9+$0x80] =	vst v11;
	vm14 =	vgt.f32 v6, v14;
	v63 =	vperm.xlane v1, v5;
	v7 =	vand.u32 $0xF, v7  }
0x6c: {  	s1 =	sor.u32 s30, s0;
	s30 =	sor.u32 s28, s0;
	[tilespmem:s9+$0x100] =	vst v9;
	vm12 =	vlt.f32 v48, v50;
	vm13 =	vgt.f32 v48, v50;
	v6 =	vperm.xlane v0, v7  }
0x6d: {  	v51 =	vcvt.f32.s32 v50;
	vm0 =	vmor vm13, vm12;
	[tilespmem:s30+$0x80] =	vst v63;
	v53 =	vperm.xlane v2, v7  }
0x6e: {  	v52 =	vsel vm0, $0x1, v3;
	v54 =	vperm.xlane v4, v7;
	v7 =	vperm.xlane v1, v7;
	[tilespmem:s1+$0x0] =	vst v6  }
0x6f: {  	v8 =	vadd.s32 v51, v52;
	[tilespmem:s1+$0x100] =	vst v53  }
0x70: {  	v6 =	vand.u32 $0xF, v8;
	[tilespmem:s1+$0x80] =	vst v7;
	v7 =	vperm.xlane v4, v5  }
0x71: {  	v55 =	vcvt.f32.s32 v14;
	vm15 =	vmor vm14, vm2;
	[tilespmem:s1+$0x180] =	vst v54;
	v56 =	vperm.xlane v0, v6  }
0x72: {  	s5 =	sor.u32 s31, s0;
	v57 =	vsel vm15, $0x1, v3;
	v58 =	vperm.xlane v2, v6;
	[tilespmem:s30+$0x180] =	vst v7  }
0x73: {  	v8 =	vadd.s32 v55, v57;
	v59 =	vperm.xlane v4, v6;
	[tilespmem:s5+$0x0] =	vst v56  }
0x74: {  	v8 =	vand.u32 $0xF, v8;
	v6 =	vperm.xlane v1, v6;
	[tilespmem:s5+$0x100] =	vst v58  }
0x75: {  	v60 =	vperm.xlane v0, v8;
	[tilespmem:s5+$0x180] =	vst v59  }
0x76: {  	s7 =	sor.u32 s29, s0;
	v61 =	vperm.xlane v2, v8;
	[tilespmem:s5+$0x80] =	vst v6  }
0x77: {  	v62 =	vperm.xlane v4, v8;
	[tilespmem:s7+$0x0] =	vst v60  }
0x78: {  	v8 =	vperm.xlane v1, v8;
	[tilespmem:s7+$0x100] =	vst v61  }
0x79: {  	v6 =	vperm.xlane v0, v5;
	[tilespmem:s7+$0x180] =	vst v62  }
0x7a: {  	v5 =	vperm.xlane v2, v5;
	[tilespmem:s7+$0x80] =	vst v8  }
0x7b: {  	[tilespmem:s30+$0x0] =	vst v6  }
0x7c: {  	[tilespmem:s30+$0x100] =	vst v5  }
0x7d: {  	s0 =	simm.s32 $0x0;
	s31 =	simm.s32 $0x4000;
	s1 =	rddreg [dreg:$0x3]  }
0x7e: {  	[hbm4b:s1+s0] =	stream.linear.scatter [tilespmem:s31], [sflag:$0x3], $0x8000, $0x38;
	[tilespmem:$0x14000] =	vst v63  }
0x7f: {  	s5 =	simm.s32 $0x100;
	s7 =	sadd.s32 $0x0, s6;
	s1 =	simm.s32 $0x80  }
.LBB2_8:
0x80: {  	[tilespmem:s0], [sflag:$0x1] =	stream.linear.gather [hbm4b:s7+s2], $0x80, $0x38;
	[tilespmem:$0x14000] =	vst v63  }
0x81: {  	s7 =	smov.u32 s1;
	s0 =	smov.u32 s5;
	p0 =	sne.s32 s1, $0x1F80  }
.Ltmp3:
0x82: {  	s1 =	sadd.s32 $0x80, s1;
	(pc) =	sbr.rel @p0 .LBB2_8-.Ltmp3, $2  }
0x83: {  	_ =	sdelay $0x2  }
0x84: {  	s5 =	sadd.s32 $0x100, s5;
	s7 =	sadd.s32 s7, s6  }
0x85: {  	[tilespmem:s0], [sflag:$0x1] =	stream.linear.gather [hbm4b:s7+s2], $0x80, $0x38;
	[tilespmem:$0x14000] =	vst v63  }
0x86: {  	s0 =	simm.s32 $0x0;
	s24 =	simm.s32 $0x2  }
0x87: {  	s1 =	simm.s32 $0x0;
	_ =	swait.ge [sflag:s24], $0x2000;
	s29 =	sand.u32 $0x40, s0  }
0x88: {  	s5 =	sand.u32 $0x3FFFFF00, s1;
	[sflag:s24] =	ssyncset.done $0x0;
	s30 =	sor.u32 $0x30, s29  }
0x89: {  	[sflag:s24] =	ssyncadd.s32 $0xFFFFE000;
	s25 =	sor.u32 s30, s5  }
0x8a: {  	s1 =	sor.u32 $0x10, s29;
	s9 =	sor.u32 s29, s5;
	v5 =	vld [tilespmem:s25+$0x80]  }
0x8b: {  	s28 =	sor.u32 $0x20, s29;
	s31 =	sor.u32 s1, s5;
	v6 =	vld [tilespmem:s9+$0x80]  }
0x8c: {  	s5 =	sor.u32 s28, s5;
	v7 =	vld [tilespmem:s31+$0x80]  }
0x8d: {  	v8 =	vld [tilespmem:s5+$0x80];
	_ =	sdelay $0x1  }
0x8e: {  	v5 =	vadd.f32 $4.000000000e+00, v5  }
0x8f: {  	v6 =	vadd.f32 $4.000000000e+00, v6  }
0x90: {  	v7 =	vadd.f32 $4.000000000e+00, v7;
	v5 =	vadd.f32 v5, v5  }
0x91: {  	v8 =	vadd.f32 $4.000000000e+00, v8;
	v6 =	vadd.f32 v6, v6  }
0x92: {  	v7 =	vadd.f32 v7, v7;
	v5 =	vmax.f32 v5, $0.0e+00  }
0x93: {  	v8 =	vadd.f32 v8, v8;
	v6 =	vmax.f32 v6, $0.0e+00;
	v5 =	vmin.f32 v5, $1.500000000e+01  }
0x94: {  	v10 =	vmin.f32 v6, $1.500000000e+01;
	v6 =	vmax.f32 v7, $0.0e+00;
	v7 =	vtrunc.f32 v5  }
0x95: {  	v11 =	vmax.f32 v8, $0.0e+00;
	vm0 =	vlt.f32 v5, v7;
	vm1 =	vgt.f32 v5, v7  }
0x96: {  	v9 =	vmin.f32 v6, $1.500000000e+01;
	v12 =	vcvt.f32.s32 v7;
	vm0 =	vmor vm1, vm0  }
0x97: {  	v8 =	vtrunc.f32 v10;
	v7 =	vmin.f32 v11, $1.500000000e+01;
	v11 =	vsel vm0, $0x1, v3  }
0x98: {  	s5 =	simm.s32 $0x0;
	v6 =	vtrunc.f32 v9;
	v5 =	vtrunc.f32 v7;
	v11 =	vadd.s32 v12, v11  }
.LBB2_10:
0x99: {  	s0 =	sadd.s32 $0x40, s0;
	vm0 =	vlt.f32 v10, v8;
	vm1 =	vgt.f32 v10, v8;
	s11 =	sand.u32 $0x3FFFFE00, s5;
	v10 =	vand.u32 $0xF, v11  }
0x9a: {  	vm2 =	vlt.f32 v9, v6;
	vm3 =	vgt.f32 v9, v6;
	s5 =	sand.u32 $0x40, s0;
	s7 =	sadd.s32 $0xC000, s11;
	v9 =	vperm.xlane v0, v10  }
0x9b: {  	vm4 =	vlt.f32 v7, v5;
	vm5 =	vgt.f32 v7, v5;
	s9 =	sshll.u32 s0, $0x1;
	s31 =	sadd.s32 $0xC080, s11;
	v7 =	vperm.xlane v1, v10;
	s13 =	sor.u32 s30, s7  }
0x9c: {  	vm0 =	vmor vm1, vm0;
	s17 =	sadd.s32 $0xC100, s11;
	vm1 =	vmor vm3, vm2;
	s15 =	sand.u32 $0x3FFFFF00, s9;
	[tilespmem:s13+$0x0] =	vst v9;
	s13 =	sor.u32 s30, s31;
	v9 =	vperm.xlane v2, v10  }
0x9d: {  	v8 =	vcvt.f32.s32 v8;
	s11 =	sadd.s32 $0xC180, s11;
	vm2 =	vmor vm5, vm4;
	s9 =	sor.u32 $0x30, s5;
	[tilespmem:s13+$0x0] =	vst v7;
	s13 =	sor.u32 s30, s17;
	v7 =	vperm.xlane v4, v10  }
0x9e: {  	v6 =	vcvt.f32.s32 v6;
	v5 =	vcvt.f32.s32 v5;
	s18 =	sor.u32 $0x10, s5;
	s19 =	sor.u32 s9, s15;
	v10 =	vsel vm0, $0x1, v3;
	[tilespmem:s13+$0x0] =	vst v9;
	s13 =	sor.u32 s30, s11  }
0x9f: {  	s23 =	sor.u32 $0x20, s5;
	v11 =	vsel vm2, $0x1, v3;
	s21 =	sor.u32 s5, s15;
	s30 =	sor.u32 s18, s15;
	v8 =	vadd.s32 v8, v10;
	v10 =	vsel vm1, $0x1, v3;
	v9 =	vld [tilespmem:s19+$0x80];
	[tilespmem:s13+$0x0] =	vst v7  }
0xa0: {  	v5 =	vadd.s32 v5, v11;
	s13 =	sor.u32 s23, s15;
	v8 =	vand.u32 $0xF, v8;
	s15 =	sor.u32 s29, s7;
	s19 =	sor.u32 s29, s31;
	v6 =	vadd.s32 v6, v10;
	v7 =	vld [tilespmem:s21+$0x80]  }
0xa1: {  	s20 =	sor.u32 s29, s11;
	s22 =	sor.u32 s1, s7;
	v5 =	vand.u32 $0xF, v5;
	v11 =	vperm.xlane v0, v8;
	s21 =	sor.u32 s29, s17;
	v6 =	vand.u32 $0xF, v6;
	v10 =	vld [tilespmem:s30+$0x80]  }
0xa2: {  	s24 =	sor.u32 s1, s17;
	s25 =	sor.u32 s1, s11;
	v13 =	vperm.xlane v1, v8;
	v14 =	vperm.xlane v2, v8;
	v12 =	vld [tilespmem:s13+$0x80];
	s13 =	sor.u32 s1, s31  }
0xa3: {  	s7 =	sor.u32 s28, s7;
	v8 =	vperm.xlane v4, v8;
	s17 =	sor.u32 s28, s17;
	[tilespmem:s15+$0x0] =	vst v11;
	v11 =	vperm.xlane v0, v6;
	s15 =	sor.u32 s28, s31  }
0xa4: {  	p0 =	slt.u32 s0, $0x1FC0;
	s11 =	sor.u32 s28, s11;
	s29 =	smov.u32 s5;
	v15 =	vperm.xlane v2, v6;
	v9 =	vadd.f32 $4.000000000e+00, v9;
	[tilespmem:s19+$0x0] =	vst v13;
	v13 =	vperm.xlane v1, v6  }
0xa5: {  	s30 =	smov.u32 s9;
	s1 =	smov.u32 s18;
	s28 =	smov.u32 s23;
	v6 =	vperm.xlane v4, v6;
	v7 =	vadd.f32 $4.000000000e+00, v7;
	[tilespmem:s21+$0x0] =	vst v14;
	v14 =	vperm.xlane v0, v5  }
0xa6: {  	v10 =	vadd.f32 $4.000000000e+00, v10;
	v9 =	vadd.f32 v9, v9;
	[tilespmem:s20+$0x0] =	vst v8;
	v8 =	vperm.xlane v1, v5  }
0xa7: {  	v7 =	vadd.f32 v7, v7;
	v12 =	vadd.f32 $4.000000000e+00, v12;
	[tilespmem:s22+$0x0] =	vst v11;
	v11 =	vperm.xlane v2, v5  }
0xa8: {  	v16 =	vadd.f32 v10, v10;
	v9 =	vmax.f32 v9, $0.0e+00;
	[tilespmem:s13+$0x0] =	vst v13;
	v13 =	vperm.xlane v4, v5  }
0xa9: {  	v5 =	vmax.f32 v7, $0.0e+00;
	v7 =	vadd.f32 v12, v12;
	v9 =	vmin.f32 v9, $1.500000000e+01;
	[tilespmem:s24+$0x0] =	vst v15  }
.Ltmp4:
0xaa: {  	v10 =	vmin.f32 v5, $1.500000000e+01;
	v5 =	vmax.f32 v16, $0.0e+00;
	v12 =	vtrunc.f32 v9;
	[tilespmem:s25+$0x0] =	vst v6;
	(pc) =	sbr.rel @p0 .LBB2_10-.Ltmp4, $4  }
0xab: {  	v6 =	vmax.f32 v7, $0.0e+00;
	vm0 =	vlt.f32 v9, v12;
	vm1 =	vgt.f32 v9, v12;
	[tilespmem:s7+$0x0] =	vst v14  }
0xac: {  	v9 =	vmin.f32 v5, $1.500000000e+01;
	v12 =	vcvt.f32.s32 v12;
	vm0 =	vmor vm1, vm0;
	[tilespmem:s15+$0x0] =	vst v8  }
0xad: {  	v8 =	vtrunc.f32 v10;
	v7 =	vmin.f32 v6, $1.500000000e+01;
	v14 =	vsel vm0, $0x1, v3;
	[tilespmem:s17+$0x0] =	vst v11  }
0xae: {  	s5 =	sshll.u32 s0, $0x2;
	v6 =	vtrunc.f32 v9;
	v5 =	vtrunc.f32 v7;
	v11 =	vadd.s32 v12, v14;
	[tilespmem:s11+$0x0] =	vst v13  }
0xaf: {  	vm0 =	vlt.f32 v10, v8;
	vm1 =	vgt.f32 v10, v8  }
0xb0: {  	s0 =	sand.u32 $0x3FFFFE00, s5;
	v52 =	vand.u32 $0xF, v11;
	v53 =	vcvt.f32.s32 v8;
	vm12 =	vlt.f32 v9, v6  }
0xb1: {  	vm13 =	vgt.f32 v9, v6;
	s5 =	sadd.s32 $0xC000, s0;
	v11 =	vperm.xlane v0, v52;
	vm0 =	vmor vm1, vm0  }
0xb2: {  	v6 =	vcvt.f32.s32 v6;
	s7 =	sadd.s32 $0xC080, s0;
	v12 =	vperm.xlane v1, v52;
	s9 =	sor.u32 s30, s5;
	v13 =	vsel vm0, $0x1, v3  }
0xb3: {  	s31 =	sadd.s32 $0xC100, s0;
	v54 =	vperm.xlane v2, v52;
	s11 =	sor.u32 s30, s7;
	vm0 =	vmor vm13, vm12;
	[tilespmem:s9+$0x0] =	vst v11;
	v8 =	vadd.s32 v53, v13  }
0xb4: {  	s0 =	sadd.s32 $0xC180, s0;
	v55 =	vperm.xlane v4, v52;
	s15 =	sor.u32 s30, s31;
	v57 =	vsel vm0, $0x1, v3;
	[tilespmem:s11+$0x0] =	vst v12;
	v8 =	vand.u32 $0xF, v8  }
0xb5: {  	vm14 =	vlt.f32 v7, v5;
	s17 =	sor.u32 s30, s0;
	v6 =	vadd.s32 v6, v57;
	[tilespmem:s15+$0x0] =	vst v54;
	v56 =	vperm.xlane v0, v8  }
0xb6: {  	vm15 =	vgt.f32 v7, v5;
	s18 =	sor.u32 s29, s5;
	v58 =	vperm.xlane v1, v8;
	v6 =	vand.u32 $0xF, v6;
	[tilespmem:s17+$0x0] =	vst v55  }
0xb7: {  	v5 =	vcvt.f32.s32 v5;
	s13 =	sor.u32 s29, s7;
	vm0 =	vmor vm15, vm14;
	v60 =	vperm.xlane v0, v6;
	[tilespmem:s18+$0x0] =	vst v56  }
0xb8: {  	s21 =	sor.u32 s1, s5;
	v61 =	vsel vm0, $0x1, v3;
	v59 =	vperm.xlane v2, v8;
	[tilespmem:s13+$0x0] =	vst v58  }
0xb9: {  	s19 =	sor.u32 s29, s31;
	v5 =	vadd.s32 v5, v61;
	v62 =	vperm.xlane v1, v6;
	[tilespmem:s21+$0x0] =	vst v60  }
0xba: {  	s22 =	sor.u32 s1, s7;
	v7 =	vperm.xlane v4, v8;
	v5 =	vand.u32 $0xF, v5;
	[tilespmem:s19+$0x0] =	vst v59  }
0xbb: {  	s20 =	sor.u32 s29, s0;
	v63 =	vperm.xlane v0, v5;
	[tilespmem:s22+$0x0] =	vst v62  }
0xbc: {  	s5 =	sor.u32 s28, s5;
	[tilespmem:s20+$0x0] =	vst v7;
	v7 =	vperm.xlane v2, v6  }
0xbd: {  	s23 =	sor.u32 s1, s31;
	[tilespmem:s5+$0x0] =	vst v63;
	v6 =	vperm.xlane v4, v6  }
0xbe: {  	s24 =	sor.u32 s1, s0;
	[tilespmem:s23+$0x0] =	vst v7;
	v7 =	vperm.xlane v1, v5  }
0xbf: {  	s25 =	sor.u32 s28, s7;
	[tilespmem:s24+$0x0] =	vst v6;
	v6 =	vperm.xlane v2, v5  }
0xc0: {  	s29 =	sor.u32 s28, s31;
	v5 =	vperm.xlane v4, v5;
	[tilespmem:s25+$0x0] =	vst v7  }
0xc1: {  	s0 =	sor.u32 s28, s0;
	[tilespmem:s29+$0x0] =	vst v6  }
0xc2: {  	s30 =	simm.s32 $0x0;
	[tilespmem:s0+$0x0] =	vst v5  }
0xc3: {  	s31 =	simm.s32 $0xC000;
	s7 =	sadd.s32 $0x0, s8;
	s1 =	rddreg [dreg:$0x4]  }
0xc4: {  	[hbm4b:s1+s30] =	stream.linear.scatter [tilespmem:s31], [sflag:$0x4], $0x8000, $0x38;
	[tilespmem:$0x14000] =	vst v63  }
0xc5: {  	s5 =	simm.s32 $0x180;
	s0 =	simm.s32 $0x80;
	s1 =	simm.s32 $0x80  }
.LBB2_12:
0xc6: {  	[tilespmem:s0], [sflag:$0x2] =	stream.linear.gather [hbm4b:s7+s2], $0x80, $0x38;
	[tilespmem:$0x14000] =	vst v63  }
0xc7: {  	s7 =	smov.u32 s1;
	s0 =	smov.u32 s5;
	p0 =	sne.s32 s1, $0x1F80  }
.Ltmp5:
0xc8: {  	s1 =	sadd.s32 $0x80, s1;
	(pc) =	sbr.rel @p0 .LBB2_12-.Ltmp5, $2  }
0xc9: {  	_ =	sdelay $0x2  }
0xca: {  	s5 =	sadd.s32 $0x100, s5;
	s7 =	sadd.s32 s7, s8  }
0xcb: {  	[tilespmem:s0], [sflag:$0x2] =	stream.linear.gather [hbm4b:s7+s2], $0x80, $0x38;
	[tilespmem:$0x14000] =	vst v63  }
0xcc: {  	s9 =	simm.s32 $0x1  }
0xcd: {  	_ =	swait.ge [sflag:s9], $0x2000  }
0xce: {  	[sflag:s9] =	ssyncset.done $0x0  }
0xcf: {  	s11 =	simm.s32 $0x0;
	s13 =	simm.s32 $0x3;
	[sflag:s9] =	ssyncadd.s32 $0xFFFFE000  }
0xd0: {  	s15 =	simm.s32 $0x0;
	s9 =	sand.u32 $0x40, s11;
	_ =	swait.ge [sflag:s13], $0x8000  }
0xd1: {  	s1 =	sand.u32 $0x3FFFFF00, s15;
	s5 =	sor.u32 $0x30, s9;
	[sflag:s13] =	ssyncset.done $0x0  }
0xd2: {  	s0 =	sor.u32 s5, s1;
	[sflag:s13] =	ssyncadd.s32 $0xFFFF8000  }
0xd3: {  	s17 =	sor.u32 s9, s1;
	s18 =	sor.u32 $0x20, s9;
	v5 =	vld [tilespmem:s0+$0x0]  }
0xd4: {  	s19 =	sor.u32 $0x10, s9;
	s11 =	sor.u32 s18, s1;
	v6 =	vld [tilespmem:s17+$0x0]  }
0xd5: {  	s1 =	sor.u32 s19, s1;
	v7 =	vld [tilespmem:s11+$0x0]  }
0xd6: {  	v8 =	vld [tilespmem:s1+$0x0]  }
0xd7: {  	s1 =	simm.s32 $0x40  }
0xd8: {  	s20 =	simm.s32 $0x80;
	s30 =	sand.u32 $0x40, s1  }
0xd9: {  	s11 =	sand.u32 $0x3FFFFF00, s20;
	s29 =	sor.u32 $0x20, s30  }
0xda: {  	s21 =	sor.u32 s29, s11;
	v5 =	vadd.f32 $4.000000000e+00, v5;
	v6 =	vadd.f32 $4.000000000e+00, v6  }
0xdb: {  	v14 =	vld [tilespmem:s21+$0x0];
	v7 =	vadd.f32 $4.000000000e+00, v7;
	v8 =	vadd.f32 $4.000000000e+00, v8  }
0xdc: {  	v5 =	vadd.f32 v5, v5;
	v6 =	vadd.f32 v6, v6  }
0xdd: {  	v8 =	vadd.f32 v8, v8  }
0xde: {  	v7 =	vadd.f32 v7, v7;
	v5 =	vmax.f32 v5, $0.0e+00;
	v6 =	vmax.f32 v6, $0.0e+00  }
0xdf: {  	v8 =	vmax.f32 v8, $0.0e+00;
	v5 =	vmin.f32 v5, $1.500000000e+01;
	v6 =	vmin.f32 v6, $1.500000000e+01  }
0xe0: {  	v14 =	vadd.f32 $4.000000000e+00, v14;
	v9 =	vtrunc.f32 v5;
	v10 =	vtrunc.f32 v6  }
0xe1: {  	vm0 =	vlt.f32 v5, v9;
	vm1 =	vgt.f32 v5, v9;
	v5 =	vmax.f32 v7, $0.0e+00  }
0xe2: {  	v7 =	vcvt.f32.s32 v9;
	vm0 =	vmor vm1, vm0;
	vm1 =	vlt.f32 v6, v10  }
0xe3: {  	v5 =	vmin.f32 v5, $1.500000000e+01;
	v9 =	vsel vm0, $0x1, v3;
	vm0 =	vgt.f32 v6, v10  }
0xe4: {  	v6 =	vmin.f32 v8, $1.500000000e+01;
	v8 =	vtrunc.f32 v5;
	v9 =	vadd.s32 v7, v9  }
0xe5: {  	v7 =	vcvt.f32.s32 v10;
	vm0 =	vmor vm0, vm1;
	v10 =	vtrunc.f32 v6  }
0xe6: {  	vm2 =	vlt.f32 v5, v8;
	v11 =	vsel vm0, $0x1, v3;
	v12 =	vcvt.f32.s32 v10  }
0xe7: {  	s28 =	sor.u32 $0x30, s30;
	s15 =	sor.u32 s30, s11;
	vm0 =	vlt.f32 v6, v10;
	vm1 =	vgt.f32 v6, v10;
	v9 =	vand.u32 $0xF, v9  }
0xe8: {  	s13 =	sor.u32 s28, s11;
	v7 =	vadd.s32 v7, v11;
	vm0 =	vmor vm1, vm0;
	vm1 =	vgt.f32 v5, v8;
	v5 =	vld [tilespmem:s15+$0x0]  }
0xe9: {  	s22 =	simm.s32 $0x0;
	s31 =	sor.u32 $0x10, s30;
	v6 =	vld [tilespmem:s13+$0x0];
	v8 =	vcvt.f32.s32 v8;
	v7 =	vand.u32 $0xF, v7;
	v13 =	vsel vm0, $0x1, v3  }
0xea: {  	s23 =	sand.u32 $0x3FFFFE00, s22;
	s11 =	sor.u32 s31, s11;
	vm0 =	vmor vm1, vm2;
	v10 =	vperm.xlane v0, v7;
	v11 =	vperm.xlane v1, v7  }
0xeb: {  	s13 =	sadd.s32 $0x4000, s23;
	v15 =	vperm.xlane v2, v7;
	v12 =	vadd.s32 v12, v13;
	v13 =	vld [tilespmem:s11+$0x0];
	v16 =	vsel vm0, $0x1, v3  }
0xec: {  	s9 =	sor.u32 s9, s13;
	v7 =	vperm.xlane v4, v7;
	v12 =	vand.u32 $0xF, v12;
	v8 =	vadd.s32 v8, v16  }
0xed: {  	v17 =	vperm.xlane v0, v12;
	v62 =	vperm.xlane v1, v12;
	[tilespmem:s9+$0x0] =	vst v10;
	v5 =	vadd.f32 $4.000000000e+00, v5  }
0xee: {  	v10 =	vperm.xlane v2, v12;
	v12 =	vperm.xlane v4, v12;
	[tilespmem:s9+$0x100] =	vst v15;
	v6 =	vadd.f32 $4.000000000e+00, v6  }
0xef: {  	v8 =	vand.u32 $0xF, v8;
	[tilespmem:s9+$0x80] =	vst v11;
	v11 =	vperm.xlane v1, v9;
	v5 =	vadd.f32 v5, v5  }
0xf0: {  	s7 =	sor.u32 s19, s13;
	[tilespmem:s9+$0x180] =	vst v7;
	v15 =	vperm.xlane v0, v8;
	v6 =	vadd.f32 v6, v6;
	v13 =	vadd.f32 $4.000000000e+00, v13  }
0xf1: {  	v18 =	vperm.xlane v1, v8;
	[tilespmem:s7+$0x100] =	vst v10;
	v10 =	vadd.f32 v14, v14;
	v5 =	vmax.f32 v5, $0.0e+00  }
0xf2: {  	[tilespmem:s7+$0x0] =	vst v17;
	v6 =	vmax.f32 v6, $0.0e+00;
	v7 =	vmin.f32 v5, $1.500000000e+01;
	v5 =	vadd.f32 v13, v13  }
0xf3: {  	v63 =	vperm.xlane v2, v8;
	v14 =	vperm.xlane v4, v8;
	[tilespmem:s7+$0x180] =	vst v12;
	v12 =	vmin.f32 v6, $1.500000000e+01  }
0xf4: {  	s0 =	sor.u32 s18, s13;
	[tilespmem:s7+$0x80] =	vst v62;
	v6 =	vmax.f32 v10, $0.0e+00;
	v10 =	vmax.f32 v5, $0.0e+00;
	v5 =	vtrunc.f32 v12  }
0xf5: {  	[tilespmem:s0+$0x0] =	vst v15;
	v6 =	vmin.f32 v6, $1.500000000e+01;
	vm1 =	vlt.f32 v12, v5;
	vm2 =	vgt.f32 v12, v5  }
0xf6: {  	s24 =	simm.s32 $0x100;
	[tilespmem:s0+$0x100] =	vst v63;
	v8 =	vtrunc.f32 v7;
	v5 =	vcvt.f32.s32 v5;
	vm1 =	vmor vm2, vm1  }
0xf7: {  	s25 =	sand.u32 $0x3FFFFE00, s24;
	[tilespmem:s0+$0x180] =	vst v14;
	v13 =	vperm.xlane v0, v9;
	vm0 =	vlt.f32 v7, v8;
	v14 =	vsel vm1, $0x1, v3  }
0xf8: {  	s9 =	sor.u32 s5, s13;
	[tilespmem:s0+$0x80] =	vst v18;
	s0 =	sadd.s32 $0x4000, s25;
	v12 =	vperm.xlane v4, v9;
	v9 =	vperm.xlane v2, v9;
	v5 =	vadd.s32 v5, v14  }
.LBB2_14:
0xf9: {  	s1 =	sadd.s32 $0x40, s1;
	vm1 =	vgt.f32 v7, v8;
	v7 =	vmin.f32 v10, $1.500000000e+01;
	v10 =	vtrunc.f32 v6;
	[tilespmem:s9+$0x0] =	vst v13  }
0xfa: {  	v8 =	vcvt.f32.s32 v8;
	s11 =	sand.u32 $0x40, s1;
	s5 =	sshll.u32 s1, $0x1;
	s7 =	sshll.u32 s1, $0x2;
	vm0 =	vmor vm1, vm0;
	v13 =	vtrunc.f32 v7;
	[tilespmem:s9+$0x180] =	vst v12  }
0xfb: {  	s13 =	sand.u32 $0x3FFFFF00, s5;
	s15 =	sor.u32 $0x10, s11;
	s5 =	sor.u32 $0x30, s11;
	v12 =	vsel vm0, $0x1, v3;
	v14 =	vcvt.f32.s32 v13;
	vm0 =	vlt.f32 v7, v13;
	[tilespmem:s9+$0x80] =	vst v11  }
0xfc: {  	vm2 =	vlt.f32 v6, v10;
	vm1 =	vgt.f32 v7, v13;
	s17 =	sor.u32 s11, s13;
	s18 =	sor.u32 s15, s13;
	s19 =	sor.u32 s5, s13;
	v8 =	vadd.s32 v8, v12;
	[tilespmem:s9+$0x100] =	vst v9  }
0xfd: {  	p0 =	slt.u32 s1, $0x1FC0;
	s7 =	sand.u32 $0x3FFFFE00, s7;
	s20 =	sor.u32 $0x20, s11;
	vm0 =	vmor vm1, vm0;
	vm1 =	vgt.f32 v6, v10;
	v7 =	vld [tilespmem:s19+$0x0];
	v8 =	vand.u32 $0xF, v8  }
0xfe: {  	s7 =	sadd.s32 $0x4000, s7;
	s9 =	sor.u32 s20, s13;
	v12 =	vsel vm0, $0x1, v3;
	v6 =	vld [tilespmem:s17+$0x0];
	v9 =	vperm.xlane v0, v8;
	v11 =	vperm.xlane v1, v8  }
0xff: {  	v15 =	vperm.xlane v2, v8;
	v8 =	vperm.xlane v4, v8;
	v12 =	vadd.s32 v14, v12;
	v13 =	vld [tilespmem:s9+$0x0];
	s9 =	sor.u32 s30, s0;
	s30 =	smov.u32 s11  }
0x100: {  	v10 =	vcvt.f32.s32 v10;
	vm0 =	vmor vm1, vm2;
	v14 =	vld [tilespmem:s18+$0x0];
	[tilespmem:s9+$0x0] =	vst v9;
	v9 =	vand.u32 $0xF, v12  }
0x101: {  	v16 =	vsel vm0, $0x1, v3;
	[tilespmem:s9+$0x100] =	vst v15;
	v12 =	vperm.xlane v0, v9;
	v15 =	vperm.xlane v1, v9  }
0x102: {  	s11 =	sor.u32 s31, s0;
	v10 =	vadd.s32 v10, v16;
	s31 =	smov.u32 s15;
	[tilespmem:s9+$0x180] =	vst v8;
	v8 =	vperm.xlane v2, v9;
	v9 =	vperm.xlane v4, v9  }
0x103: {  	v10 =	vand.u32 $0xF, v10;
	v7 =	vadd.f32 $4.000000000e+00, v7;
	v6 =	vadd.f32 $4.000000000e+00, v6;
	[tilespmem:s11+$0x0] =	vst v12  }
0x104: {  	v12 =	vadd.f32 $4.000000000e+00, v13;
	[tilespmem:s11+$0x100] =	vst v8;
	v8 =	vperm.xlane v0, v10;
	v13 =	vperm.xlane v1, v10  }
0x105: {  	s13 =	sor.u32 s29, s0;
	s29 =	smov.u32 s20;
	v7 =	vadd.f32 v7, v7;
	v6 =	vadd.f32 v6, v6;
	[tilespmem:s11+$0x180] =	vst v9;
	v9 =	vperm.xlane v2, v10  }
0x106: {  	v14 =	vadd.f32 $4.000000000e+00, v14;
	v12 =	vadd.f32 v12, v12;
	[tilespmem:s13+$0x0] =	vst v8;
	v8 =	vperm.xlane v4, v10  }
0x107: {  	v10 =	vmax.f32 v7, $0.0e+00;
	v6 =	vmax.f32 v6, $0.0e+00;
	[tilespmem:s13+$0x100] =	vst v9  }
0x108: {  	v9 =	vmin.f32 v10, $1.500000000e+01;
	v7 =	vmin.f32 v6, $1.500000000e+01;
	v6 =	vadd.f32 v14, v14;
	[tilespmem:s13+$0x180] =	vst v8  }
0x109: {  	v12 =	vmax.f32 v12, $0.0e+00;
	v8 =	vtrunc.f32 v7;
	[tilespmem:s13+$0x80] =	vst v13  }
.Ltmp6:
0x10a: {  	v13 =	vtrunc.f32 v9;
	vm0 =	vlt.f32 v7, v8;
	v10 =	vmax.f32 v6, $0.0e+00;
	[tilespmem:s11+$0x80] =	vst v15;
	(pc) =	sbr.rel @p0 .LBB2_14-.Ltmp6, $4  }
0x10b: {  	v6 =	vmin.f32 v12, $1.500000000e+01;
	vm1 =	vlt.f32 v9, v13;
	vm2 =	vgt.f32 v9, v13;
	[tilespmem:s9+$0x80] =	vst v11  }
0x10c: {  	v14 =	vand.u32 $0xF, v5;
	v9 =	vcvt.f32.s32 v13;
	vm1 =	vmor vm2, vm1  }
0x10d: {  	v13 =	vperm.xlane v0, v14;
	v12 =	vperm.xlane v4, v14;
	v5 =	vsel vm1, $0x1, v3  }
0x10e: {  	s9 =	sor.u32 s28, s0;
	v11 =	vperm.xlane v1, v14;
	s28 =	smov.u32 s5;
	s0 =	smov.u32 s7;
	v5 =	vadd.s32 v9, v5;
	v9 =	vperm.xlane v2, v14  }
0x10f: {  	vm1 =	vgt.f32 v7, v8  }
0x110: {  	v7 =	vcvt.f32.s32 v8;
	v48 =	vmin.f32 v10, $1.500000000e+01;
	vm0 =	vmor vm1, vm0  }
0x111: {  	v14 =	vtrunc.f32 v6;
	[tilespmem:s9+$0x0] =	vst v13;
	v5 =	vand.u32 $0xF, v5;
	v49 =	vsel vm0, $0x1, v3  }
0x112: {  	[tilespmem:s9+$0x180] =	vst v12;
	v50 =	vtrunc.f32 v48;
	vm2 =	vlt.f32 v6, v14;
	v7 =	vadd.s32 v7, v49  }
0x113: {  	[tilespmem:s9+$0x80] =	vst v11;
	vm14 =	vgt.f32 v6, v14;
	v63 =	vperm.xlane v1, v5;
	v7 =	vand.u32 $0xF, v7  }
0x114: {  	s1 =	sor.u32 s30, s0;
	s30 =	sor.u32 s28, s0;
	[tilespmem:s9+$0x100] =	vst v9;
	vm12 =	vlt.f32 v48, v50;
	vm13 =	vgt.f32 v48, v50;
	v6 =	vperm.xlane v0, v7  }
0x115: {  	v51 =	vcvt.f32.s32 v50;
	vm0 =	vmor vm13, vm12;
	[tilespmem:s30+$0x80] =	vst v63;
	v53 =	vperm.xlane v2, v7  }
0x116: {  	v52 =	vsel vm0, $0x1, v3;
	v54 =	vperm.xlane v4, v7;
	v7 =	vperm.xlane v1, v7;
	[tilespmem:s1+$0x0] =	vst v6  }
0x117: {  	v8 =	vadd.s32 v51, v52;
	[tilespmem:s1+$0x100] =	vst v53  }
0x118: {  	v6 =	vand.u32 $0xF, v8;
	[tilespmem:s1+$0x80] =	vst v7;
	v7 =	vperm.xlane v4, v5  }
0x119: {  	v55 =	vcvt.f32.s32 v14;
	vm15 =	vmor vm14, vm2;
	[tilespmem:s1+$0x180] =	vst v54;
	v56 =	vperm.xlane v0, v6  }
0x11a: {  	s5 =	sor.u32 s31, s0;
	v57 =	vsel vm15, $0x1, v3;
	v58 =	vperm.xlane v2, v6;
	[tilespmem:s30+$0x180] =	vst v7  }
0x11b: {  	v8 =	vadd.s32 v55, v57;
	v59 =	vperm.xlane v4, v6;
	[tilespmem:s5+$0x0] =	vst v56  }
0x11c: {  	v8 =	vand.u32 $0xF, v8;
	v6 =	vperm.xlane v1, v6;
	[tilespmem:s5+$0x100] =	vst v58  }
0x11d: {  	v60 =	vperm.xlane v0, v8;
	[tilespmem:s5+$0x180] =	vst v59  }
0x11e: {  	s7 =	sor.u32 s29, s0;
	v61 =	vperm.xlane v2, v8;
	[tilespmem:s5+$0x80] =	vst v6  }
0x11f: {  	v62 =	vperm.xlane v4, v8;
	[tilespmem:s7+$0x0] =	vst v60  }
0x120: {  	v8 =	vperm.xlane v1, v8;
	[tilespmem:s7+$0x100] =	vst v61  }
0x121: {  	v6 =	vperm.xlane v0, v5;
	[tilespmem:s7+$0x180] =	vst v62  }
0x122: {  	v5 =	vperm.xlane v2, v5;
	[tilespmem:s7+$0x80] =	vst v8  }
0x123: {  	[tilespmem:s30+$0x0] =	vst v6  }
0x124: {  	[tilespmem:s30+$0x100] =	vst v5  }
0x125: {  	s0 =	simm.s32 $0x0;
	s31 =	simm.s32 $0x4000;
	s1 =	rddreg [dreg:$0x5]  }
0x126: {  	[hbm4b:s1+s0] =	stream.linear.scatter [tilespmem:s31], [sflag:$0x3], $0x8000, $0x38;
	[tilespmem:$0x14000] =	vst v63  }
0x127: {  	s5 =	simm.s32 $0x100;
	s7 =	sadd.s32 $0x0, s10;
	s1 =	simm.s32 $0x80  }
.LBB2_16:
0x128: {  	[tilespmem:s0], [sflag:$0x1] =	stream.linear.gather [hbm4b:s7+s2], $0x80, $0x38;
	[tilespmem:$0x14000] =	vst v63  }
0x129: {  	s7 =	smov.u32 s1;
	s0 =	smov.u32 s5;
	p0 =	sne.s32 s1, $0x1F80  }
.Ltmp7:
0x12a: {  	s1 =	sadd.s32 $0x80, s1;
	(pc) =	sbr.rel @p0 .LBB2_16-.Ltmp7, $2  }
0x12b: {  	_ =	sdelay $0x2  }
0x12c: {  	s5 =	sadd.s32 $0x100, s5;
	s7 =	sadd.s32 s7, s10  }
0x12d: {  	[tilespmem:s0], [sflag:$0x1] =	stream.linear.gather [hbm4b:s7+s2], $0x80, $0x38;
	[tilespmem:$0x14000] =	vst v63  }
0x12e: {  	s23 =	simm.s32 $0x2  }
0x12f: {  	_ =	swait.ge [sflag:s23], $0x2000  }
0x130: {  	[sflag:s23] =	ssyncset.done $0x0  }
0x131: {  	s0 =	simm.s32 $0x0;
	s24 =	simm.s32 $0x4;
	[sflag:s23] =	ssyncadd.s32 $0xFFFFE000  }
0x132: {  	s1 =	simm.s32 $0x0;
	s29 =	sand.u32 $0x40, s0;
	_ =	swait.ge [sflag:s24], $0x8000  }
0x133: {  	s5 =	sand.u32 $0x3FFFFF00, s1;
	s30 =	sor.u32 $0x30, s29;
	[sflag:s24] =	ssyncset.done $0x0  }
0x134: {  	s25 =	sor.u32 s30, s5;
	[sflag:s24] =	ssyncadd.s32 $0xFFFF8000  }
0x135: {  	s1 =	sor.u32 $0x10, s29;
	s9 =	sor.u32 s29, s5;
	v5 =	vld [tilespmem:s25+$0x80]  }
0x136: {  	s28 =	sor.u32 $0x20, s29;
	s31 =	sor.u32 s1, s5;
	v6 =	vld [tilespmem:s9+$0x80]  }
0x137: {  	s5 =	sor.u32 s28, s5;
	v7 =	vld [tilespmem:s31+$0x80]  }
0x138: {  	v8 =	vld [tilespmem:s5+$0x80];
	_ =	sdelay $0x1  }
0x139: {  	v5 =	vadd.f32 $4.000000000e+00, v5  }
0x13a: {  	v6 =	vadd.f32 $4.000000000e+00, v6  }
0x13b: {  	v7 =	vadd.f32 $4.000000000e+00, v7;
	v5 =	vadd.f32 v5, v5  }
0x13c: {  	v8 =	vadd.f32 $4.000000000e+00, v8;
	v6 =	vadd.f32 v6, v6  }
0x13d: {  	v7 =	vadd.f32 v7, v7;
	v5 =	vmax.f32 v5, $0.0e+00  }
0x13e: {  	v8 =	vadd.f32 v8, v8;
	v6 =	vmax.f32 v6, $0.0e+00;
	v5 =	vmin.f32 v5, $1.500000000e+01  }
0x13f: {  	v10 =	vmin.f32 v6, $1.500000000e+01;
	v6 =	vmax.f32 v7, $0.0e+00;
	v7 =	vtrunc.f32 v5  }
0x140: {  	v11 =	vmax.f32 v8, $0.0e+00;
	vm0 =	vlt.f32 v5, v7;
	vm1 =	vgt.f32 v5, v7  }
0x141: {  	v9 =	vmin.f32 v6, $1.500000000e+01;
	v12 =	vcvt.f32.s32 v7;
	vm0 =	vmor vm1, vm0  }
0x142: {  	v8 =	vtrunc.f32 v10;
	v7 =	vmin.f32 v11, $1.500000000e+01;
	v11 =	vsel vm0, $0x1, v3  }
0x143: {  	s5 =	simm.s32 $0x0;
	v6 =	vtrunc.f32 v9;
	v5 =	vtrunc.f32 v7;
	v11 =	vadd.s32 v12, v11  }
.LBB2_18:
0x144: {  	s0 =	sadd.s32 $0x40, s0;
	vm0 =	vlt.f32 v10, v8;
	vm1 =	vgt.f32 v10, v8;
	s11 =	sand.u32 $0x3FFFFE00, s5;
	v10 =	vand.u32 $0xF, v11  }
0x145: {  	vm2 =	vlt.f32 v9, v6;
	vm3 =	vgt.f32 v9, v6;
	s5 =	sand.u32 $0x40, s0;
	s7 =	sadd.s32 $0xC000, s11;
	v9 =	vperm.xlane v0, v10  }
0x146: {  	vm4 =	vlt.f32 v7, v5;
	vm5 =	vgt.f32 v7, v5;
	s9 =	sshll.u32 s0, $0x1;
	s31 =	sadd.s32 $0xC080, s11;
	v7 =	vperm.xlane v1, v10;
	s13 =	sor.u32 s30, s7  }
0x147: {  	vm0 =	vmor vm1, vm0;
	s17 =	sadd.s32 $0xC100, s11;
	vm1 =	vmor vm3, vm2;
	s15 =	sand.u32 $0x3FFFFF00, s9;
	[tilespmem:s13+$0x0] =	vst v9;
	s13 =	sor.u32 s30, s31;
	v9 =	vperm.xlane v2, v10  }
0x148: {  	v8 =	vcvt.f32.s32 v8;
	s11 =	sadd.s32 $0xC180, s11;
	vm2 =	vmor vm5, vm4;
	s9 =	sor.u32 $0x30, s5;
	[tilespmem:s13+$0x0] =	vst v7;
	s13 =	sor.u32 s30, s17;
	v7 =	vperm.xlane v4, v10  }
0x149: {  	v6 =	vcvt.f32.s32 v6;
	v5 =	vcvt.f32.s32 v5;
	s18 =	sor.u32 $0x10, s5;
	s19 =	sor.u32 s9, s15;
	v10 =	vsel vm0, $0x1, v3;
	[tilespmem:s13+$0x0] =	vst v9;
	s13 =	sor.u32 s30, s11  }
0x14a: {  	s22 =	sor.u32 $0x20, s5;
	v11 =	vsel vm2, $0x1, v3;
	s20 =	sor.u32 s5, s15;
	s21 =	sor.u32 s18, s15;
	v8 =	vadd.s32 v8, v10;
	v10 =	vsel vm1, $0x1, v3;
	v9 =	vld [tilespmem:s19+$0x80];
	[tilespmem:s13+$0x0] =	vst v7  }
0x14b: {  	v5 =	vadd.s32 v5, v11;
	s13 =	sor.u32 s22, s15;
	v8 =	vand.u32 $0xF, v8;
	s15 =	sor.u32 s29, s7;
	s19 =	sor.u32 s29, s31;
	v6 =	vadd.s32 v6, v10;
	v7 =	vld [tilespmem:s20+$0x80]  }
0x14c: {  	s23 =	sor.u32 s1, s7;
	v5 =	vand.u32 $0xF, v5;
	v11 =	vperm.xlane v0, v8;
	s20 =	sor.u32 s29, s17;
	v6 =	vand.u32 $0xF, v6;
	v10 =	vld [tilespmem:s21+$0x80];
	s21 =	sor.u32 s29, s11  }
0x14d: {  	s24 =	sor.u32 s1, s17;
	s25 =	sor.u32 s1, s11;
	v13 =	vperm.xlane v1, v8;
	v14 =	vperm.xlane v2, v8;
	v12 =	vld [tilespmem:s13+$0x80];
	s13 =	sor.u32 s1, s31  }
0x14e: {  	s7 =	sor.u32 s28, s7;
	v8 =	vperm.xlane v4, v8;
	s17 =	sor.u32 s28, s17;
	[tilespmem:s15+$0x0] =	vst v11;
	v11 =	vperm.xlane v0, v6;
	s15 =	sor.u32 s28, s31  }
0x14f: {  	p0 =	slt.u32 s0, $0x1FC0;
	v15 =	vperm.xlane v2, v6;
	s11 =	sor.u32 s28, s11;
	s29 =	smov.u32 s5;
	v9 =	vadd.f32 $4.000000000e+00, v9;
	[tilespmem:s19+$0x0] =	vst v13;
	v13 =	vperm.xlane v1, v6  }
0x150: {  	s30 =	smov.u32 s9;
	s1 =	smov.u32 s18;
	s28 =	smov.u32 s22;
	v6 =	vperm.xlane v4, v6;
	v7 =	vadd.f32 $4.000000000e+00, v7;
	[tilespmem:s20+$0x0] =	vst v14;
	v14 =	vperm.xlane v0, v5  }
0x151: {  	v10 =	vadd.f32 $4.000000000e+00, v10;
	v9 =	vadd.f32 v9, v9;
	[tilespmem:s21+$0x0] =	vst v8;
	v8 =	vperm.xlane v1, v5  }
0x152: {  	v7 =	vadd.f32 v7, v7;
	v12 =	vadd.f32 $4.000000000e+00, v12;
	[tilespmem:s23+$0x0] =	vst v11;
	v11 =	vperm.xlane v2, v5  }
0x153: {  	v16 =	vadd.f32 v10, v10;
	v9 =	vmax.f32 v9, $0.0e+00;
	[tilespmem:s13+$0x0] =	vst v13;
	v13 =	vperm.xlane v4, v5  }
0x154: {  	v5 =	vmax.f32 v7, $0.0e+00;
	v7 =	vadd.f32 v12, v12;
	v9 =	vmin.f32 v9, $1.500000000e+01;
	[tilespmem:s24+$0x0] =	vst v15  }
.Ltmp8:
0x155: {  	v10 =	vmin.f32 v5, $1.500000000e+01;
	v5 =	vmax.f32 v16, $0.0e+00;
	v12 =	vtrunc.f32 v9;
	[tilespmem:s25+$0x0] =	vst v6;
	(pc) =	sbr.rel @p0 .LBB2_18-.Ltmp8, $4  }
0x156: {  	v6 =	vmax.f32 v7, $0.0e+00;
	vm0 =	vlt.f32 v9, v12;
	vm1 =	vgt.f32 v9, v12;
	[tilespmem:s7+$0x0] =	vst v14  }
0x157: {  	v9 =	vmin.f32 v5, $1.500000000e+01;
	v12 =	vcvt.f32.s32 v12;
	vm0 =	vmor vm1, vm0;
	[tilespmem:s15+$0x0] =	vst v8  }
0x158: {  	v8 =	vtrunc.f32 v10;
	v7 =	vmin.f32 v6, $1.500000000e+01;
	v14 =	vsel vm0, $0x1, v3;
	[tilespmem:s17+$0x0] =	vst v11  }
0x159: {  	s5 =	sshll.u32 s0, $0x2;
	v6 =	vtrunc.f32 v9;
	v5 =	vtrunc.f32 v7;
	v11 =	vadd.s32 v12, v14;
	[tilespmem:s11+$0x0] =	vst v13  }
0x15a: {  	vm0 =	vlt.f32 v10, v8;
	vm1 =	vgt.f32 v10, v8  }
0x15b: {  	s0 =	sand.u32 $0x3FFFFE00, s5;
	v52 =	vand.u32 $0xF, v11;
	v53 =	vcvt.f32.s32 v8;
	vm12 =	vlt.f32 v9, v6  }
0x15c: {  	vm13 =	vgt.f32 v9, v6;
	s5 =	sadd.s32 $0xC000, s0;
	v11 =	vperm.xlane v0, v52;
	vm0 =	vmor vm1, vm0  }
0x15d: {  	v6 =	vcvt.f32.s32 v6;
	s7 =	sadd.s32 $0xC080, s0;
	v12 =	vperm.xlane v1, v52;
	s9 =	sor.u32 s30, s5;
	v13 =	vsel vm0, $0x1, v3  }
0x15e: {  	s31 =	sadd.s32 $0xC100, s0;
	v54 =	vperm.xlane v2, v52;
	s11 =	sor.u32 s30, s7;
	vm0 =	vmor vm13, vm12;
	[tilespmem:s9+$0x0] =	vst v11;
	v8 =	vadd.s32 v53, v13  }
0x15f: {  	s0 =	sadd.s32 $0xC180, s0;
	v55 =	vperm.xlane v4, v52;
	s15 =	sor.u32 s30, s31;
	v57 =	vsel vm0, $0x1, v3;
	[tilespmem:s11+$0x0] =	vst v12;
	v8 =	vand.u32 $0xF, v8  }
0x160: {  	vm14 =	vlt.f32 v7, v5;
	s17 =	sor.u32 s30, s0;
	v6 =	vadd.s32 v6, v57;
	[tilespmem:s15+$0x0] =	vst v54;
	v56 =	vperm.xlane v0, v8  }
0x161: {  	vm15 =	vgt.f32 v7, v5;
	s18 =	sor.u32 s29, s5;
	v58 =	vperm.xlane v1, v8;
	v6 =	vand.u32 $0xF, v6;
	[tilespmem:s17+$0x0] =	vst v55  }
0x162: {  	v5 =	vcvt.f32.s32 v5;
	s13 =	sor.u32 s29, s7;
	vm0 =	vmor vm15, vm14;
	v60 =	vperm.xlane v0, v6;
	[tilespmem:s18+$0x0] =	vst v56  }
0x163: {  	s21 =	sor.u32 s1, s5;
	v61 =	vsel vm0, $0x1, v3;
	v59 =	vperm.xlane v2, v8;
	[tilespmem:s13+$0x0] =	vst v58  }
0x164: {  	s19 =	sor.u32 s29, s31;
	v5 =	vadd.s32 v5, v61;
	v62 =	vperm.xlane v1, v6;
	[tilespmem:s21+$0x0] =	vst v60  }
0x165: {  	s22 =	sor.u32 s1, s7;
	v7 =	vperm.xlane v4, v8;
	v5 =	vand.u32 $0xF, v5;
	[tilespmem:s19+$0x0] =	vst v59  }
0x166: {  	s20 =	sor.u32 s29, s0;
	v63 =	vperm.xlane v0, v5;
	[tilespmem:s22+$0x0] =	vst v62  }
0x167: {  	s5 =	sor.u32 s28, s5;
	[tilespmem:s20+$0x0] =	vst v7;
	v7 =	vperm.xlane v2, v6  }
0x168: {  	s23 =	sor.u32 s1, s31;
	[tilespmem:s5+$0x0] =	vst v63;
	v6 =	vperm.xlane v4, v6  }
0x169: {  	s24 =	sor.u32 s1, s0;
	[tilespmem:s23+$0x0] =	vst v7;
	v7 =	vperm.xlane v1, v5  }
0x16a: {  	s25 =	sor.u32 s28, s7;
	[tilespmem:s24+$0x0] =	vst v6;
	v6 =	vperm.xlane v2, v5  }
0x16b: {  	s29 =	sor.u32 s28, s31;
	v5 =	vperm.xlane v4, v5;
	[tilespmem:s25+$0x0] =	vst v7  }
0x16c: {  	s0 =	sor.u32 s28, s0;
	[tilespmem:s29+$0x0] =	vst v6  }
0x16d: {  	s30 =	simm.s32 $0x0;
	[tilespmem:s0+$0x0] =	vst v5  }
0x16e: {  	s31 =	simm.s32 $0xC000;
	s7 =	sadd.s32 $0x0, s12;
	s1 =	rddreg [dreg:$0x6]  }
0x16f: {  	[hbm4b:s1+s30] =	stream.linear.scatter [tilespmem:s31], [sflag:$0x4], $0x8000, $0x38;
	[tilespmem:$0x14000] =	vst v63  }
0x170: {  	s5 =	simm.s32 $0x180;
	s0 =	simm.s32 $0x80;
	s1 =	simm.s32 $0x80  }
.LBB2_20:
0x171: {  	[tilespmem:s0], [sflag:$0x2] =	stream.linear.gather [hbm4b:s7+s2], $0x80, $0x38;
	[tilespmem:$0x14000] =	vst v63  }
0x172: {  	s7 =	smov.u32 s1;
	s0 =	smov.u32 s5;
	p0 =	sne.s32 s1, $0x1F80  }
.Ltmp9:
0x173: {  	s1 =	sadd.s32 $0x80, s1;
	(pc) =	sbr.rel @p0 .LBB2_20-.Ltmp9, $2  }
0x174: {  	_ =	sdelay $0x2  }
0x175: {  	s5 =	sadd.s32 $0x100, s5;
	s7 =	sadd.s32 s7, s12  }
0x176: {  	[tilespmem:s0], [sflag:$0x2] =	stream.linear.gather [hbm4b:s7+s2], $0x80, $0x38;
	[tilespmem:$0x14000] =	vst v63  }
0x177: {  	s9 =	simm.s32 $0x1  }
0x178: {  	_ =	swait.ge [sflag:s9], $0x2000  }
0x179: {  	[sflag:s9] =	ssyncset.done $0x0  }
0x17a: {  	s11 =	simm.s32 $0x0;
	s13 =	simm.s32 $0x3;
	[sflag:s9] =	ssyncadd.s32 $0xFFFFE000  }
0x17b: {  	s15 =	simm.s32 $0x0;
	s9 =	sand.u32 $0x40, s11;
	_ =	swait.ge [sflag:s13], $0x8000  }
0x17c: {  	s1 =	sand.u32 $0x3FFFFF00, s15;
	s5 =	sor.u32 $0x30, s9;
	[sflag:s13] =	ssyncset.done $0x0  }
0x17d: {  	s0 =	sor.u32 s5, s1;
	[sflag:s13] =	ssyncadd.s32 $0xFFFF8000  }
0x17e: {  	s17 =	sor.u32 s9, s1;
	s18 =	sor.u32 $0x20, s9;
	v5 =	vld [tilespmem:s0+$0x0]  }
0x17f: {  	s19 =	sor.u32 $0x10, s9;
	s11 =	sor.u32 s18, s1;
	v6 =	vld [tilespmem:s17+$0x0]  }
0x180: {  	s1 =	sor.u32 s19, s1;
	v7 =	vld [tilespmem:s11+$0x0]  }
0x181: {  	v8 =	vld [tilespmem:s1+$0x0]  }
0x182: {  	s1 =	simm.s32 $0x40  }
0x183: {  	s20 =	simm.s32 $0x80;
	s30 =	sand.u32 $0x40, s1  }
0x184: {  	s11 =	sand.u32 $0x3FFFFF00, s20;
	s29 =	sor.u32 $0x20, s30  }
0x185: {  	s21 =	sor.u32 s29, s11;
	v5 =	vadd.f32 $4.000000000e+00, v5;
	v6 =	vadd.f32 $4.000000000e+00, v6  }
0x186: {  	v14 =	vld [tilespmem:s21+$0x0];
	v7 =	vadd.f32 $4.000000000e+00, v7;
	v8 =	vadd.f32 $4.000000000e+00, v8  }
0x187: {  	v5 =	vadd.f32 v5, v5;
	v6 =	vadd.f32 v6, v6  }
0x188: {  	v8 =	vadd.f32 v8, v8  }
0x189: {  	v7 =	vadd.f32 v7, v7;
	v5 =	vmax.f32 v5, $0.0e+00;
	v6 =	vmax.f32 v6, $0.0e+00  }
0x18a: {  	v8 =	vmax.f32 v8, $0.0e+00;
	v5 =	vmin.f32 v5, $1.500000000e+01;
	v6 =	vmin.f32 v6, $1.500000000e+01  }
0x18b: {  	v14 =	vadd.f32 $4.000000000e+00, v14;
	v9 =	vtrunc.f32 v5;
	v10 =	vtrunc.f32 v6  }
0x18c: {  	vm0 =	vlt.f32 v5, v9;
	vm1 =	vgt.f32 v5, v9;
	v5 =	vmax.f32 v7, $0.0e+00  }
0x18d: {  	v7 =	vcvt.f32.s32 v9;
	vm0 =	vmor vm1, vm0;
	vm1 =	vlt.f32 v6, v10  }
0x18e: {  	v5 =	vmin.f32 v5, $1.500000000e+01;
	v9 =	vsel vm0, $0x1, v3;
	vm0 =	vgt.f32 v6, v10  }
0x18f: {  	v6 =	vmin.f32 v8, $1.500000000e+01;
	v8 =	vtrunc.f32 v5;
	v9 =	vadd.s32 v7, v9  }
0x190: {  	v7 =	vcvt.f32.s32 v10;
	vm0 =	vmor vm0, vm1;
	v10 =	vtrunc.f32 v6  }
0x191: {  	vm2 =	vlt.f32 v5, v8;
	v11 =	vsel vm0, $0x1, v3;
	v12 =	vcvt.f32.s32 v10  }
0x192: {  	s28 =	sor.u32 $0x30, s30;
	s15 =	sor.u32 s30, s11;
	vm0 =	vlt.f32 v6, v10;
	vm1 =	vgt.f32 v6, v10;
	v9 =	vand.u32 $0xF, v9  }
0x193: {  	s13 =	sor.u32 s28, s11;
	v7 =	vadd.s32 v7, v11;
	vm0 =	vmor vm1, vm0;
	vm1 =	vgt.f32 v5, v8;
	v5 =	vld [tilespmem:s15+$0x0]  }
0x194: {  	s22 =	simm.s32 $0x0;
	s31 =	sor.u32 $0x10, s30;
	v6 =	vld [tilespmem:s13+$0x0];
	v8 =	vcvt.f32.s32 v8;
	v7 =	vand.u32 $0xF, v7;
	v13 =	vsel vm0, $0x1, v3  }
0x195: {  	s23 =	sand.u32 $0x3FFFFE00, s22;
	s11 =	sor.u32 s31, s11;
	vm0 =	vmor vm1, vm2;
	v10 =	vperm.xlane v0, v7;
	v11 =	vperm.xlane v1, v7  }
0x196: {  	s13 =	sadd.s32 $0x4000, s23;
	v15 =	vperm.xlane v2, v7;
	v12 =	vadd.s32 v12, v13;
	v13 =	vld [tilespmem:s11+$0x0];
	v16 =	vsel vm0, $0x1, v3  }
0x197: {  	s9 =	sor.u32 s9, s13;
	v7 =	vperm.xlane v4, v7;
	v12 =	vand.u32 $0xF, v12;
	v8 =	vadd.s32 v8, v16  }
0x198: {  	v17 =	vperm.xlane v0, v12;
	v62 =	vperm.xlane v1, v12;
	[tilespmem:s9+$0x0] =	vst v10;
	v5 =	vadd.f32 $4.000000000e+00, v5  }
0x199: {  	v10 =	vperm.xlane v2, v12;
	v12 =	vperm.xlane v4, v12;
	[tilespmem:s9+$0x100] =	vst v15;
	v6 =	vadd.f32 $4.000000000e+00, v6  }
0x19a: {  	v8 =	vand.u32 $0xF, v8;
	[tilespmem:s9+$0x80] =	vst v11;
	v11 =	vperm.xlane v1, v9;
	v5 =	vadd.f32 v5, v5  }
0x19b: {  	s7 =	sor.u32 s19, s13;
	[tilespmem:s9+$0x180] =	vst v7;
	v15 =	vperm.xlane v0, v8;
	v6 =	vadd.f32 v6, v6;
	v13 =	vadd.f32 $4.000000000e+00, v13  }
0x19c: {  	v18 =	vperm.xlane v1, v8;
	[tilespmem:s7+$0x100] =	vst v10;
	v10 =	vadd.f32 v14, v14;
	v5 =	vmax.f32 v5, $0.0e+00  }
0x19d: {  	[tilespmem:s7+$0x0] =	vst v17;
	v6 =	vmax.f32 v6, $0.0e+00;
	v7 =	vmin.f32 v5, $1.500000000e+01;
	v5 =	vadd.f32 v13, v13  }
0x19e: {  	v63 =	vperm.xlane v2, v8;
	v14 =	vperm.xlane v4, v8;
	[tilespmem:s7+$0x180] =	vst v12;
	v12 =	vmin.f32 v6, $1.500000000e+01  }
0x19f: {  	s0 =	sor.u32 s18, s13;
	[tilespmem:s7+$0x80] =	vst v62;
	v6 =	vmax.f32 v10, $0.0e+00;
	v10 =	vmax.f32 v5, $0.0e+00;
	v5 =	vtrunc.f32 v12  }
0x1a0: {  	[tilespmem:s0+$0x0] =	vst v15;
	v6 =	vmin.f32 v6, $1.500000000e+01;
	vm1 =	vlt.f32 v12, v5;
	vm2 =	vgt.f32 v12, v5  }
0x1a1: {  	s24 =	simm.s32 $0x100;
	[tilespmem:s0+$0x100] =	vst v63;
	v8 =	vtrunc.f32 v7;
	v5 =	vcvt.f32.s32 v5;
	vm1 =	vmor vm2, vm1  }
0x1a2: {  	s25 =	sand.u32 $0x3FFFFE00, s24;
	[tilespmem:s0+$0x180] =	vst v14;
	v13 =	vperm.xlane v0, v9;
	vm0 =	vlt.f32 v7, v8;
	v14 =	vsel vm1, $0x1, v3  }
0x1a3: {  	s9 =	sor.u32 s5, s13;
	[tilespmem:s0+$0x80] =	vst v18;
	s0 =	sadd.s32 $0x4000, s25;
	v12 =	vperm.xlane v4, v9;
	v9 =	vperm.xlane v2, v9;
	v5 =	vadd.s32 v5, v14  }
.LBB2_22:
0x1a4: {  	s1 =	sadd.s32 $0x40, s1;
	vm1 =	vgt.f32 v7, v8;
	v7 =	vmin.f32 v10, $1.500000000e+01;
	v10 =	vtrunc.f32 v6;
	[tilespmem:s9+$0x0] =	vst v13  }
0x1a5: {  	v8 =	vcvt.f32.s32 v8;
	s11 =	sand.u32 $0x40, s1;
	s5 =	sshll.u32 s1, $0x1;
	s7 =	sshll.u32 s1, $0x2;
	vm0 =	vmor vm1, vm0;
	v13 =	vtrunc.f32 v7;
	[tilespmem:s9+$0x180] =	vst v12  }
0x1a6: {  	s13 =	sand.u32 $0x3FFFFF00, s5;
	s15 =	sor.u32 $0x10, s11;
	s5 =	sor.u32 $0x30, s11;
	v12 =	vsel vm0, $0x1, v3;
	v14 =	vcvt.f32.s32 v13;
	vm0 =	vlt.f32 v7, v13;
	[tilespmem:s9+$0x80] =	vst v11  }
0x1a7: {  	vm2 =	vlt.f32 v6, v10;
	vm1 =	vgt.f32 v7, v13;
	s17 =	sor.u32 s11, s13;
	s18 =	sor.u32 s15, s13;
	s19 =	sor.u32 s5, s13;
	v8 =	vadd.s32 v8, v12;
	[tilespmem:s9+$0x100] =	vst v9  }
0x1a8: {  	p0 =	slt.u32 s1, $0x1FC0;
	s7 =	sand.u32 $0x3FFFFE00, s7;
	s20 =	sor.u32 $0x20, s11;
	vm0 =	vmor vm1, vm0;
	vm1 =	vgt.f32 v6, v10;
	v7 =	vld [tilespmem:s19+$0x0];
	v8 =	vand.u32 $0xF, v8  }
0x1a9: {  	s7 =	sadd.s32 $0x4000, s7;
	s9 =	sor.u32 s20, s13;
	v12 =	vsel vm0, $0x1, v3;
	v6 =	vld [tilespmem:s17+$0x0];
	v9 =	vperm.xlane v0, v8;
	v11 =	vperm.xlane v1, v8  }
0x1aa: {  	v15 =	vperm.xlane v2, v8;
	v8 =	vperm.xlane v4, v8;
	v12 =	vadd.s32 v14, v12;
	v13 =	vld [tilespmem:s9+$0x0];
	s9 =	sor.u32 s30, s0;
	s30 =	smov.u32 s11  }
0x1ab: {  	v10 =	vcvt.f32.s32 v10;
	vm0 =	vmor vm1, vm2;
	v14 =	vld [tilespmem:s18+$0x0];
	[tilespmem:s9+$0x0] =	vst v9;
	v9 =	vand.u32 $0xF, v12  }
0x1ac: {  	v16 =	vsel vm0, $0x1, v3;
	[tilespmem:s9+$0x100] =	vst v15;
	v12 =	vperm.xlane v0, v9;
	v15 =	vperm.xlane v1, v9  }
0x1ad: {  	s11 =	sor.u32 s31, s0;
	v10 =	vadd.s32 v10, v16;
	s31 =	smov.u32 s15;
	[tilespmem:s9+$0x180] =	vst v8;
	v8 =	vperm.xlane v2, v9;
	v9 =	vperm.xlane v4, v9  }
0x1ae: {  	v10 =	vand.u32 $0xF, v10;
	v7 =	vadd.f32 $4.000000000e+00, v7;
	v6 =	vadd.f32 $4.000000000e+00, v6;
	[tilespmem:s11+$0x0] =	vst v12  }
0x1af: {  	v12 =	vadd.f32 $4.000000000e+00, v13;
	[tilespmem:s11+$0x100] =	vst v8;
	v8 =	vperm.xlane v0, v10;
	v13 =	vperm.xlane v1, v10  }
0x1b0: {  	s13 =	sor.u32 s29, s0;
	s29 =	smov.u32 s20;
	v7 =	vadd.f32 v7, v7;
	v6 =	vadd.f32 v6, v6;
	[tilespmem:s11+$0x180] =	vst v9;
	v9 =	vperm.xlane v2, v10  }
0x1b1: {  	v14 =	vadd.f32 $4.000000000e+00, v14;
	v12 =	vadd.f32 v12, v12;
	[tilespmem:s13+$0x0] =	vst v8;
	v8 =	vperm.xlane v4, v10  }
0x1b2: {  	v10 =	vmax.f32 v7, $0.0e+00;
	v6 =	vmax.f32 v6, $0.0e+00;
	[tilespmem:s13+$0x100] =	vst v9  }
0x1b3: {  	v9 =	vmin.f32 v10, $1.500000000e+01;
	v7 =	vmin.f32 v6, $1.500000000e+01;
	v6 =	vadd.f32 v14, v14;
	[tilespmem:s13+$0x180] =	vst v8  }
0x1b4: {  	v12 =	vmax.f32 v12, $0.0e+00;
	v8 =	vtrunc.f32 v7;
	[tilespmem:s13+$0x80] =	vst v13  }
.Ltmp10:
0x1b5: {  	v13 =	vtrunc.f32 v9;
	vm0 =	vlt.f32 v7, v8;
	v10 =	vmax.f32 v6, $0.0e+00;
	[tilespmem:s11+$0x80] =	vst v15;
	(pc) =	sbr.rel @p0 .LBB2_22-.Ltmp10, $4  }
0x1b6: {  	v6 =	vmin.f32 v12, $1.500000000e+01;
	vm1 =	vlt.f32 v9, v13;
	vm2 =	vgt.f32 v9, v13;
	[tilespmem:s9+$0x80] =	vst v11  }
0x1b7: {  	v14 =	vand.u32 $0xF, v5;
	v9 =	vcvt.f32.s32 v13;
	vm1 =	vmor vm2, vm1  }
0x1b8: {  	v13 =	vperm.xlane v0, v14;
	v12 =	vperm.xlane v4, v14;
	v5 =	vsel vm1, $0x1, v3  }
0x1b9: {  	s9 =	sor.u32 s28, s0;
	v11 =	vperm.xlane v1, v14;
	s28 =	smov.u32 s5;
	s0 =	smov.u32 s7;
	v5 =	vadd.s32 v9, v5;
	v9 =	vperm.xlane v2, v14  }
0x1ba: {  	vm1 =	vgt.f32 v7, v8  }
0x1bb: {  	v7 =	vcvt.f32.s32 v8;
	v48 =	vmin.f32 v10, $1.500000000e+01;
	vm0 =	vmor vm1, vm0  }
0x1bc: {  	v14 =	vtrunc.f32 v6;
	[tilespmem:s9+$0x0] =	vst v13;
	v5 =	vand.u32 $0xF, v5;
	v49 =	vsel vm0, $0x1, v3  }
0x1bd: {  	[tilespmem:s9+$0x180] =	vst v12;
	v50 =	vtrunc.f32 v48;
	vm2 =	vlt.f32 v6, v14;
	v7 =	vadd.s32 v7, v49  }
0x1be: {  	[tilespmem:s9+$0x80] =	vst v11;
	vm14 =	vgt.f32 v6, v14;
	v63 =	vperm.xlane v1, v5;
	v7 =	vand.u32 $0xF, v7  }
0x1bf: {  	s1 =	sor.u32 s30, s0;
	s30 =	sor.u32 s28, s0;
	[tilespmem:s9+$0x100] =	vst v9;
	vm12 =	vlt.f32 v48, v50;
	vm13 =	vgt.f32 v48, v50;
	v6 =	vperm.xlane v0, v7  }
0x1c0: {  	v51 =	vcvt.f32.s32 v50;
	vm0 =	vmor vm13, vm12;
	[tilespmem:s30+$0x80] =	vst v63;
	v53 =	vperm.xlane v2, v7  }
0x1c1: {  	v52 =	vsel vm0, $0x1, v3;
	v54 =	vperm.xlane v4, v7;
	v7 =	vperm.xlane v1, v7;
	[tilespmem:s1+$0x0] =	vst v6  }
0x1c2: {  	v8 =	vadd.s32 v51, v52;
	[tilespmem:s1+$0x100] =	vst v53  }
0x1c3: {  	v6 =	vand.u32 $0xF, v8;
	[tilespmem:s1+$0x80] =	vst v7;
	v7 =	vperm.xlane v4, v5  }
0x1c4: {  	v55 =	vcvt.f32.s32 v14;
	vm15 =	vmor vm14, vm2;
	[tilespmem:s1+$0x180] =	vst v54;
	v56 =	vperm.xlane v0, v6  }
0x1c5: {  	s5 =	sor.u32 s31, s0;
	v57 =	vsel vm15, $0x1, v3;
	v58 =	vperm.xlane v2, v6;
	[tilespmem:s30+$0x180] =	vst v7  }
0x1c6: {  	v8 =	vadd.s32 v55, v57;
	v59 =	vperm.xlane v4, v6;
	[tilespmem:s5+$0x0] =	vst v56  }
0x1c7: {  	v8 =	vand.u32 $0xF, v8;
	v6 =	vperm.xlane v1, v6;
	[tilespmem:s5+$0x100] =	vst v58  }
0x1c8: {  	v60 =	vperm.xlane v0, v8;
	[tilespmem:s5+$0x180] =	vst v59  }
0x1c9: {  	s7 =	sor.u32 s29, s0;
	v61 =	vperm.xlane v2, v8;
	[tilespmem:s5+$0x80] =	vst v6  }
0x1ca: {  	v62 =	vperm.xlane v4, v8;
	[tilespmem:s7+$0x0] =	vst v60  }
0x1cb: {  	v8 =	vperm.xlane v1, v8;
	[tilespmem:s7+$0x100] =	vst v61  }
0x1cc: {  	v6 =	vperm.xlane v0, v5;
	[tilespmem:s7+$0x180] =	vst v62  }
0x1cd: {  	v5 =	vperm.xlane v2, v5;
	[tilespmem:s7+$0x80] =	vst v8  }
0x1ce: {  	[tilespmem:s30+$0x0] =	vst v6  }
0x1cf: {  	[tilespmem:s30+$0x100] =	vst v5  }
0x1d0: {  	s0 =	simm.s32 $0x0;
	s31 =	simm.s32 $0x4000;
	s1 =	rddreg [dreg:$0x7]  }
0x1d1: {  	[hbm4b:s1+s0] =	stream.linear.scatter [tilespmem:s31], [sflag:$0x3], $0x8000, $0x38;
	[tilespmem:$0x14000] =	vst v63  }
0x1d2: {  	s5 =	simm.s32 $0x100;
	s7 =	sadd.s32 $0x0, s14;
	s1 =	simm.s32 $0x80  }
.LBB2_24:
0x1d3: {  	[tilespmem:s0], [sflag:$0x1] =	stream.linear.gather [hbm4b:s7+s2], $0x80, $0x38;
	[tilespmem:$0x14000] =	vst v63  }
0x1d4: {  	s7 =	smov.u32 s1;
	s0 =	smov.u32 s5;
	p0 =	sne.s32 s1, $0x1F80  }
.Ltmp11:
0x1d5: {  	s1 =	sadd.s32 $0x80, s1;
	(pc) =	sbr.rel @p0 .LBB2_24-.Ltmp11, $2  }
0x1d6: {  	_ =	sdelay $0x2  }
0x1d7: {  	s5 =	sadd.s32 $0x100, s5;
	s7 =	sadd.s32 s7, s14  }
0x1d8: {  	[tilespmem:s0], [sflag:$0x1] =	stream.linear.gather [hbm4b:s7+s2], $0x80, $0x38;
	[tilespmem:$0x14000] =	vst v63  }
0x1d9: {  	s23 =	simm.s32 $0x2  }
0x1da: {  	_ =	swait.ge [sflag:s23], $0x2000  }
0x1db: {  	[sflag:s23] =	ssyncset.done $0x0  }
0x1dc: {  	s0 =	simm.s32 $0x0;
	s24 =	simm.s32 $0x4;
	[sflag:s23] =	ssyncadd.s32 $0xFFFFE000  }
0x1dd: {  	s1 =	simm.s32 $0x0;
	s29 =	sand.u32 $0x40, s0;
	_ =	swait.ge [sflag:s24], $0x8000  }
0x1de: {  	s5 =	sand.u32 $0x3FFFFF00, s1;
	s30 =	sor.u32 $0x30, s29;
	[sflag:s24] =	ssyncset.done $0x0  }
0x1df: {  	s25 =	sor.u32 s30, s5;
	[sflag:s24] =	ssyncadd.s32 $0xFFFF8000  }
0x1e0: {  	s1 =	sor.u32 $0x10, s29;
	s9 =	sor.u32 s29, s5;
	v5 =	vld [tilespmem:s25+$0x80]  }
0x1e1: {  	s28 =	sor.u32 $0x20, s29;
	s31 =	sor.u32 s1, s5;
	v6 =	vld [tilespmem:s9+$0x80]  }
0x1e2: {  	s5 =	sor.u32 s28, s5;
	v7 =	vld [tilespmem:s31+$0x80]  }
0x1e3: {  	v8 =	vld [tilespmem:s5+$0x80];
	_ =	sdelay $0x1  }
0x1e4: {  	v5 =	vadd.f32 $4.000000000e+00, v5  }
0x1e5: {  	v6 =	vadd.f32 $4.000000000e+00, v6  }
0x1e6: {  	v7 =	vadd.f32 $4.000000000e+00, v7;
	v5 =	vadd.f32 v5, v5  }
0x1e7: {  	v8 =	vadd.f32 $4.000000000e+00, v8;
	v6 =	vadd.f32 v6, v6  }
0x1e8: {  	v7 =	vadd.f32 v7, v7;
	v5 =	vmax.f32 v5, $0.0e+00  }
0x1e9: {  	v8 =	vadd.f32 v8, v8;
	v6 =	vmax.f32 v6, $0.0e+00;
	v5 =	vmin.f32 v5, $1.500000000e+01  }
0x1ea: {  	v10 =	vmin.f32 v6, $1.500000000e+01;
	v6 =	vmax.f32 v7, $0.0e+00;
	v7 =	vtrunc.f32 v5  }
0x1eb: {  	v11 =	vmax.f32 v8, $0.0e+00;
	vm0 =	vlt.f32 v5, v7;
	vm1 =	vgt.f32 v5, v7  }
0x1ec: {  	v9 =	vmin.f32 v6, $1.500000000e+01;
	v12 =	vcvt.f32.s32 v7;
	vm0 =	vmor vm1, vm0  }
0x1ed: {  	v8 =	vtrunc.f32 v10;
	v7 =	vmin.f32 v11, $1.500000000e+01;
	v11 =	vsel vm0, $0x1, v3  }
0x1ee: {  	s5 =	simm.s32 $0x0;
	v6 =	vtrunc.f32 v9;
	v5 =	vtrunc.f32 v7;
	v11 =	vadd.s32 v12, v11  }
.LBB2_26:
0x1ef: {  	s0 =	sadd.s32 $0x40, s0;
	vm0 =	vlt.f32 v10, v8;
	vm1 =	vgt.f32 v10, v8;
	s11 =	sand.u32 $0x3FFFFE00, s5;
	v10 =	vand.u32 $0xF, v11  }
0x1f0: {  	vm2 =	vlt.f32 v9, v6;
	vm3 =	vgt.f32 v9, v6;
	s5 =	sand.u32 $0x40, s0;
	s7 =	sadd.s32 $0xC000, s11;
	v9 =	vperm.xlane v0, v10  }
0x1f1: {  	vm4 =	vlt.f32 v7, v5;
	vm5 =	vgt.f32 v7, v5;
	s9 =	sshll.u32 s0, $0x1;
	s31 =	sadd.s32 $0xC080, s11;
	v7 =	vperm.xlane v1, v10;
	s13 =	sor.u32 s30, s7  }
0x1f2: {  	vm0 =	vmor vm1, vm0;
	s17 =	sadd.s32 $0xC100, s11;
	vm1 =	vmor vm3, vm2;
	s15 =	sand.u32 $0x3FFFFF00, s9;
	[tilespmem:s13+$0x0] =	vst v9;
	s13 =	sor.u32 s30, s31;
	v9 =	vperm.xlane v2, v10  }
0x1f3: {  	v8 =	vcvt.f32.s32 v8;
	s11 =	sadd.s32 $0xC180, s11;
	vm2 =	vmor vm5, vm4;
	s9 =	sor.u32 $0x30, s5;
	[tilespmem:s13+$0x0] =	vst v7;
	s13 =	sor.u32 s30, s17;
	v7 =	vperm.xlane v4, v10  }
0x1f4: {  	v6 =	vcvt.f32.s32 v6;
	v5 =	vcvt.f32.s32 v5;
	s18 =	sor.u32 $0x10, s5;
	s19 =	sor.u32 s9, s15;
	v10 =	vsel vm0, $0x1, v3;
	[tilespmem:s13+$0x0] =	vst v9;
	s13 =	sor.u32 s30, s11  }
0x1f5: {  	s22 =	sor.u32 $0x20, s5;
	v11 =	vsel vm2, $0x1, v3;
	s20 =	sor.u32 s5, s15;
	s21 =	sor.u32 s18, s15;
	v8 =	vadd.s32 v8, v10;
	v10 =	vsel vm1, $0x1, v3;
	v9 =	vld [tilespmem:s19+$0x80];
	[tilespmem:s13+$0x0] =	vst v7  }
0x1f6: {  	v5 =	vadd.s32 v5, v11;
	s13 =	sor.u32 s22, s15;
	v8 =	vand.u32 $0xF, v8;
	s15 =	sor.u32 s29, s7;
	s19 =	sor.u32 s29, s31;
	v6 =	vadd.s32 v6, v10;
	v7 =	vld [tilespmem:s20+$0x80]  }
0x1f7: {  	s23 =	sor.u32 s1, s7;
	v5 =	vand.u32 $0xF, v5;
	v11 =	vperm.xlane v0, v8;
	s20 =	sor.u32 s29, s17;
	v6 =	vand.u32 $0xF, v6;
	v10 =	vld [tilespmem:s21+$0x80];
	s21 =	sor.u32 s29, s11  }
0x1f8: {  	s24 =	sor.u32 s1, s17;
	s25 =	sor.u32 s1, s11;
	v13 =	vperm.xlane v1, v8;
	v14 =	vperm.xlane v2, v8;
	v12 =	vld [tilespmem:s13+$0x80];
	s13 =	sor.u32 s1, s31  }
0x1f9: {  	s7 =	sor.u32 s28, s7;
	v8 =	vperm.xlane v4, v8;
	s17 =	sor.u32 s28, s17;
	[tilespmem:s15+$0x0] =	vst v11;
	v11 =	vperm.xlane v0, v6;
	s15 =	sor.u32 s28, s31  }
0x1fa: {  	p0 =	slt.u32 s0, $0x1FC0;
	v15 =	vperm.xlane v2, v6;
	s11 =	sor.u32 s28, s11;
	s29 =	smov.u32 s5;
	v9 =	vadd.f32 $4.000000000e+00, v9;
	[tilespmem:s19+$0x0] =	vst v13;
	v13 =	vperm.xlane v1, v6  }
0x1fb: {  	s30 =	smov.u32 s9;
	s1 =	smov.u32 s18;
	s28 =	smov.u32 s22;
	v6 =	vperm.xlane v4, v6;
	v7 =	vadd.f32 $4.000000000e+00, v7;
	[tilespmem:s20+$0x0] =	vst v14;
	v14 =	vperm.xlane v0, v5  }
0x1fc: {  	v10 =	vadd.f32 $4.000000000e+00, v10;
	v9 =	vadd.f32 v9, v9;
	[tilespmem:s21+$0x0] =	vst v8;
	v8 =	vperm.xlane v1, v5  }
0x1fd: {  	v7 =	vadd.f32 v7, v7;
	v12 =	vadd.f32 $4.000000000e+00, v12;
	[tilespmem:s23+$0x0] =	vst v11;
	v11 =	vperm.xlane v2, v5  }
0x1fe: {  	v16 =	vadd.f32 v10, v10;
	v9 =	vmax.f32 v9, $0.0e+00;
	[tilespmem:s13+$0x0] =	vst v13;
	v13 =	vperm.xlane v4, v5  }
0x1ff: {  	v5 =	vmax.f32 v7, $0.0e+00;
	v7 =	vadd.f32 v12, v12;
	v9 =	vmin.f32 v9, $1.500000000e+01;
	[tilespmem:s24+$0x0] =	vst v15  }
.Ltmp12:
0x200: {  	v10 =	vmin.f32 v5, $1.500000000e+01;
	v5 =	vmax.f32 v16, $0.0e+00;
	v12 =	vtrunc.f32 v9;
	[tilespmem:s25+$0x0] =	vst v6;
	(pc) =	sbr.rel @p0 .LBB2_26-.Ltmp12, $4  }
0x201: {  	v6 =	vmax.f32 v7, $0.0e+00;
	vm0 =	vlt.f32 v9, v12;
	vm1 =	vgt.f32 v9, v12;
	[tilespmem:s7+$0x0] =	vst v14  }
0x202: {  	v9 =	vmin.f32 v5, $1.500000000e+01;
	v12 =	vcvt.f32.s32 v12;
	vm0 =	vmor vm1, vm0;
	[tilespmem:s15+$0x0] =	vst v8  }
0x203: {  	v8 =	vtrunc.f32 v10;
	v7 =	vmin.f32 v6, $1.500000000e+01;
	v14 =	vsel vm0, $0x1, v3;
	[tilespmem:s17+$0x0] =	vst v11  }
0x204: {  	s5 =	sshll.u32 s0, $0x2;
	v6 =	vtrunc.f32 v9;
	v5 =	vtrunc.f32 v7;
	v11 =	vadd.s32 v12, v14;
	[tilespmem:s11+$0x0] =	vst v13  }
0x205: {  	vm0 =	vlt.f32 v10, v8;
	vm1 =	vgt.f32 v10, v8  }
0x206: {  	s0 =	sand.u32 $0x3FFFFE00, s5;
	v52 =	vand.u32 $0xF, v11;
	v53 =	vcvt.f32.s32 v8;
	vm12 =	vlt.f32 v9, v6  }
0x207: {  	vm13 =	vgt.f32 v9, v6;
	s5 =	sadd.s32 $0xC000, s0;
	v11 =	vperm.xlane v0, v52;
	vm0 =	vmor vm1, vm0  }
0x208: {  	v6 =	vcvt.f32.s32 v6;
	s7 =	sadd.s32 $0xC080, s0;
	v12 =	vperm.xlane v1, v52;
	s9 =	sor.u32 s30, s5;
	v13 =	vsel vm0, $0x1, v3  }
0x209: {  	s31 =	sadd.s32 $0xC100, s0;
	v54 =	vperm.xlane v2, v52;
	s11 =	sor.u32 s30, s7;
	vm0 =	vmor vm13, vm12;
	[tilespmem:s9+$0x0] =	vst v11;
	v8 =	vadd.s32 v53, v13  }
0x20a: {  	s0 =	sadd.s32 $0xC180, s0;
	v55 =	vperm.xlane v4, v52;
	s15 =	sor.u32 s30, s31;
	v57 =	vsel vm0, $0x1, v3;
	[tilespmem:s11+$0x0] =	vst v12;
	v8 =	vand.u32 $0xF, v8  }
0x20b: {  	vm14 =	vlt.f32 v7, v5;
	s17 =	sor.u32 s30, s0;
	v6 =	vadd.s32 v6, v57;
	[tilespmem:s15+$0x0] =	vst v54;
	v56 =	vperm.xlane v0, v8  }
0x20c: {  	vm15 =	vgt.f32 v7, v5;
	s18 =	sor.u32 s29, s5;
	v58 =	vperm.xlane v1, v8;
	v6 =	vand.u32 $0xF, v6;
	[tilespmem:s17+$0x0] =	vst v55  }
0x20d: {  	v5 =	vcvt.f32.s32 v5;
	s13 =	sor.u32 s29, s7;
	vm0 =	vmor vm15, vm14;
	v60 =	vperm.xlane v0, v6;
	[tilespmem:s18+$0x0] =	vst v56  }
0x20e: {  	s21 =	sor.u32 s1, s5;
	v61 =	vsel vm0, $0x1, v3;
	v59 =	vperm.xlane v2, v8;
	[tilespmem:s13+$0x0] =	vst v58  }
0x20f: {  	s19 =	sor.u32 s29, s31;
	v5 =	vadd.s32 v5, v61;
	v62 =	vperm.xlane v1, v6;
	[tilespmem:s21+$0x0] =	vst v60  }
0x210: {  	s22 =	sor.u32 s1, s7;
	v7 =	vperm.xlane v4, v8;
	v5 =	vand.u32 $0xF, v5;
	[tilespmem:s19+$0x0] =	vst v59  }
0x211: {  	s20 =	sor.u32 s29, s0;
	v63 =	vperm.xlane v0, v5;
	[tilespmem:s22+$0x0] =	vst v62  }
0x212: {  	s5 =	sor.u32 s28, s5;
	[tilespmem:s20+$0x0] =	vst v7;
	v7 =	vperm.xlane v2, v6  }
0x213: {  	s23 =	sor.u32 s1, s31;
	[tilespmem:s5+$0x0] =	vst v63;
	v6 =	vperm.xlane v4, v6  }
0x214: {  	s24 =	sor.u32 s1, s0;
	[tilespmem:s23+$0x0] =	vst v7;
	v7 =	vperm.xlane v1, v5  }
0x215: {  	s25 =	sor.u32 s28, s7;
	[tilespmem:s24+$0x0] =	vst v6;
	v6 =	vperm.xlane v2, v5  }
0x216: {  	s29 =	sor.u32 s28, s31;
	v5 =	vperm.xlane v4, v5;
	[tilespmem:s25+$0x0] =	vst v7  }
0x217: {  	s0 =	sor.u32 s28, s0;
	[tilespmem:s29+$0x0] =	vst v6  }
0x218: {  	s30 =	simm.s32 $0x0;
	[tilespmem:s0+$0x0] =	vst v5  }
0x219: {  	s31 =	simm.s32 $0xC000;
	s7 =	sadd.s32 $0x0, s16;
	s1 =	rddreg [dreg:$0x8]  }
0x21a: {  	[hbm4b:s1+s30] =	stream.linear.scatter [tilespmem:s31], [sflag:$0x4], $0x8000, $0x38;
	[tilespmem:$0x14000] =	vst v63  }
0x21b: {  	s5 =	simm.s32 $0x180;
	s0 =	simm.s32 $0x80;
	s1 =	simm.s32 $0x80  }
.LBB2_28:
0x21c: {  	[tilespmem:s0], [sflag:$0x2] =	stream.linear.gather [hbm4b:s7+s2], $0x80, $0x38;
	[tilespmem:$0x14000] =	vst v63  }
0x21d: {  	s7 =	smov.u32 s1;
	s0 =	smov.u32 s5;
	p0 =	sne.s32 s1, $0x1F80  }
.Ltmp13:
0x21e: {  	s1 =	sadd.s32 $0x80, s1;
	(pc) =	sbr.rel @p0 .LBB2_28-.Ltmp13, $2  }
0x21f: {  	_ =	sdelay $0x2  }
0x220: {  	s5 =	sadd.s32 $0x100, s5;
	s7 =	sadd.s32 s7, s16  }
0x221: {  	[tilespmem:s0], [sflag:$0x2] =	stream.linear.gather [hbm4b:s7+s2], $0x80, $0x38;
	[tilespmem:$0x14000] =	vst v63  }
0x222: {  	s9 =	simm.s32 $0x1  }
0x223: {  	_ =	swait.ge [sflag:s9], $0x2000  }
0x224: {  	[sflag:s9] =	ssyncset.done $0x0  }
0x225: {  	s11 =	simm.s32 $0x0;
	s13 =	simm.s32 $0x3;
	[sflag:s9] =	ssyncadd.s32 $0xFFFFE000  }
0x226: {  	s15 =	simm.s32 $0x0;
	s9 =	sand.u32 $0x40, s11;
	_ =	swait.ge [sflag:s13], $0x8000  }
0x227: {  	s1 =	sand.u32 $0x3FFFFF00, s15;
	s5 =	sor.u32 $0x30, s9;
	[sflag:s13] =	ssyncset.done $0x0  }
0x228: {  	s0 =	sor.u32 s5, s1;
	[sflag:s13] =	ssyncadd.s32 $0xFFFF8000  }
0x229: {  	s17 =	sor.u32 s9, s1;
	s18 =	sor.u32 $0x20, s9;
	v5 =	vld [tilespmem:s0+$0x0]  }
0x22a: {  	s19 =	sor.u32 $0x10, s9;
	s11 =	sor.u32 s18, s1;
	v6 =	vld [tilespmem:s17+$0x0]  }
0x22b: {  	s1 =	sor.u32 s19, s1;
	v7 =	vld [tilespmem:s11+$0x0]  }
0x22c: {  	v8 =	vld [tilespmem:s1+$0x0]  }
0x22d: {  	s1 =	simm.s32 $0x40  }
0x22e: {  	s20 =	simm.s32 $0x80;
	s30 =	sand.u32 $0x40, s1  }
0x22f: {  	s11 =	sand.u32 $0x3FFFFF00, s20;
	s29 =	sor.u32 $0x20, s30  }
0x230: {  	s21 =	sor.u32 s29, s11;
	v5 =	vadd.f32 $4.000000000e+00, v5;
	v6 =	vadd.f32 $4.000000000e+00, v6  }
0x231: {  	v14 =	vld [tilespmem:s21+$0x0];
	v7 =	vadd.f32 $4.000000000e+00, v7;
	v8 =	vadd.f32 $4.000000000e+00, v8  }
0x232: {  	v5 =	vadd.f32 v5, v5;
	v6 =	vadd.f32 v6, v6  }
0x233: {  	v8 =	vadd.f32 v8, v8  }
0x234: {  	v7 =	vadd.f32 v7, v7;
	v5 =	vmax.f32 v5, $0.0e+00;
	v6 =	vmax.f32 v6, $0.0e+00  }
0x235: {  	v8 =	vmax.f32 v8, $0.0e+00;
	v5 =	vmin.f32 v5, $1.500000000e+01;
	v6 =	vmin.f32 v6, $1.500000000e+01  }
0x236: {  	v14 =	vadd.f32 $4.000000000e+00, v14;
	v9 =	vtrunc.f32 v5;
	v10 =	vtrunc.f32 v6  }
0x237: {  	vm0 =	vlt.f32 v5, v9;
	vm1 =	vgt.f32 v5, v9;
	v5 =	vmax.f32 v7, $0.0e+00  }
0x238: {  	v7 =	vcvt.f32.s32 v9;
	vm0 =	vmor vm1, vm0;
	vm1 =	vlt.f32 v6, v10  }
0x239: {  	v5 =	vmin.f32 v5, $1.500000000e+01;
	v9 =	vsel vm0, $0x1, v3;
	vm0 =	vgt.f32 v6, v10  }
0x23a: {  	v6 =	vmin.f32 v8, $1.500000000e+01;
	v8 =	vtrunc.f32 v5;
	v9 =	vadd.s32 v7, v9  }
0x23b: {  	v7 =	vcvt.f32.s32 v10;
	vm0 =	vmor vm0, vm1;
	v10 =	vtrunc.f32 v6  }
0x23c: {  	vm2 =	vlt.f32 v5, v8;
	v11 =	vsel vm0, $0x1, v3;
	v12 =	vcvt.f32.s32 v10  }
0x23d: {  	s28 =	sor.u32 $0x30, s30;
	s15 =	sor.u32 s30, s11;
	vm0 =	vlt.f32 v6, v10;
	vm1 =	vgt.f32 v6, v10;
	v9 =	vand.u32 $0xF, v9  }
0x23e: {  	s13 =	sor.u32 s28, s11;
	v7 =	vadd.s32 v7, v11;
	vm0 =	vmor vm1, vm0;
	vm1 =	vgt.f32 v5, v8;
	v5 =	vld [tilespmem:s15+$0x0]  }
0x23f: {  	s22 =	simm.s32 $0x0;
	s31 =	sor.u32 $0x10, s30;
	v6 =	vld [tilespmem:s13+$0x0];
	v8 =	vcvt.f32.s32 v8;
	v7 =	vand.u32 $0xF, v7;
	v13 =	vsel vm0, $0x1, v3  }
0x240: {  	s23 =	sand.u32 $0x3FFFFE00, s22;
	s11 =	sor.u32 s31, s11;
	vm0 =	vmor vm1, vm2;
	v10 =	vperm.xlane v0, v7;
	v11 =	vperm.xlane v1, v7  }
0x241: {  	s13 =	sadd.s32 $0x4000, s23;
	v15 =	vperm.xlane v2, v7;
	v12 =	vadd.s32 v12, v13;
	v13 =	vld [tilespmem:s11+$0x0];
	v16 =	vsel vm0, $0x1, v3  }
0x242: {  	s9 =	sor.u32 s9, s13;
	v7 =	vperm.xlane v4, v7;
	v12 =	vand.u32 $0xF, v12;
	v8 =	vadd.s32 v8, v16  }
0x243: {  	v17 =	vperm.xlane v0, v12;
	v62 =	vperm.xlane v1, v12;
	[tilespmem:s9+$0x0] =	vst v10;
	v5 =	vadd.f32 $4.000000000e+00, v5  }
0x244: {  	v10 =	vperm.xlane v2, v12;
	v12 =	vperm.xlane v4, v12;
	[tilespmem:s9+$0x100] =	vst v15;
	v6 =	vadd.f32 $4.000000000e+00, v6  }
0x245: {  	v8 =	vand.u32 $0xF, v8;
	[tilespmem:s9+$0x80] =	vst v11;
	v11 =	vperm.xlane v1, v9;
	v5 =	vadd.f32 v5, v5  }
0x246: {  	s7 =	sor.u32 s19, s13;
	[tilespmem:s9+$0x180] =	vst v7;
	v15 =	vperm.xlane v0, v8;
	v6 =	vadd.f32 v6, v6;
	v13 =	vadd.f32 $4.000000000e+00, v13  }
0x247: {  	v18 =	vperm.xlane v1, v8;
	[tilespmem:s7+$0x100] =	vst v10;
	v10 =	vadd.f32 v14, v14;
	v5 =	vmax.f32 v5, $0.0e+00  }
0x248: {  	[tilespmem:s7+$0x0] =	vst v17;
	v6 =	vmax.f32 v6, $0.0e+00;
	v7 =	vmin.f32 v5, $1.500000000e+01;
	v5 =	vadd.f32 v13, v13  }
0x249: {  	v63 =	vperm.xlane v2, v8;
	v14 =	vperm.xlane v4, v8;
	[tilespmem:s7+$0x180] =	vst v12;
	v12 =	vmin.f32 v6, $1.500000000e+01  }
0x24a: {  	s0 =	sor.u32 s18, s13;
	[tilespmem:s7+$0x80] =	vst v62;
	v6 =	vmax.f32 v10, $0.0e+00;
	v10 =	vmax.f32 v5, $0.0e+00;
	v5 =	vtrunc.f32 v12  }
0x24b: {  	[tilespmem:s0+$0x0] =	vst v15;
	v6 =	vmin.f32 v6, $1.500000000e+01;
	vm1 =	vlt.f32 v12, v5;
	vm2 =	vgt.f32 v12, v5  }
0x24c: {  	s24 =	simm.s32 $0x100;
	[tilespmem:s0+$0x100] =	vst v63;
	v8 =	vtrunc.f32 v7;
	v5 =	vcvt.f32.s32 v5;
	vm1 =	vmor vm2, vm1  }
0x24d: {  	s25 =	sand.u32 $0x3FFFFE00, s24;
	[tilespmem:s0+$0x180] =	vst v14;
	v13 =	vperm.xlane v0, v9;
	vm0 =	vlt.f32 v7, v8;
	v14 =	vsel vm1, $0x1, v3  }
0x24e: {  	s9 =	sor.u32 s5, s13;
	[tilespmem:s0+$0x80] =	vst v18;
	s0 =	sadd.s32 $0x4000, s25;
	v12 =	vperm.xlane v4, v9;
	v9 =	vperm.xlane v2, v9;
	v5 =	vadd.s32 v5, v14  }
.LBB2_30:
0x24f: {  	s1 =	sadd.s32 $0x40, s1;
	vm1 =	vgt.f32 v7, v8;
	v7 =	vmin.f32 v10, $1.500000000e+01;
	v10 =	vtrunc.f32 v6;
	[tilespmem:s9+$0x0] =	vst v13  }
0x250: {  	v8 =	vcvt.f32.s32 v8;
	s11 =	sand.u32 $0x40, s1;
	s5 =	sshll.u32 s1, $0x1;
	s7 =	sshll.u32 s1, $0x2;
	vm0 =	vmor vm1, vm0;
	v13 =	vtrunc.f32 v7;
	[tilespmem:s9+$0x180] =	vst v12  }
0x251: {  	s13 =	sand.u32 $0x3FFFFF00, s5;
	s15 =	sor.u32 $0x10, s11;
	s5 =	sor.u32 $0x30, s11;
	v12 =	vsel vm0, $0x1, v3;
	v14 =	vcvt.f32.s32 v13;
	vm0 =	vlt.f32 v7, v13;
	[tilespmem:s9+$0x80] =	vst v11  }
0x252: {  	vm2 =	vlt.f32 v6, v10;
	vm1 =	vgt.f32 v7, v13;
	s17 =	sor.u32 s11, s13;
	s18 =	sor.u32 s15, s13;
	s19 =	sor.u32 s5, s13;
	v8 =	vadd.s32 v8, v12;
	[tilespmem:s9+$0x100] =	vst v9  }
0x253: {  	p0 =	slt.u32 s1, $0x1FC0;
	s7 =	sand.u32 $0x3FFFFE00, s7;
	s20 =	sor.u32 $0x20, s11;
	vm0 =	vmor vm1, vm0;
	vm1 =	vgt.f32 v6, v10;
	v7 =	vld [tilespmem:s19+$0x0];
	v8 =	vand.u32 $0xF, v8  }
0x254: {  	s7 =	sadd.s32 $0x4000, s7;
	s9 =	sor.u32 s20, s13;
	v12 =	vsel vm0, $0x1, v3;
	v6 =	vld [tilespmem:s17+$0x0];
	v9 =	vperm.xlane v0, v8;
	v11 =	vperm.xlane v1, v8  }
0x255: {  	v15 =	vperm.xlane v2, v8;
	v8 =	vperm.xlane v4, v8;
	v12 =	vadd.s32 v14, v12;
	v13 =	vld [tilespmem:s9+$0x0];
	s9 =	sor.u32 s30, s0;
	s30 =	smov.u32 s11  }
0x256: {  	v10 =	vcvt.f32.s32 v10;
	vm0 =	vmor vm1, vm2;
	v14 =	vld [tilespmem:s18+$0x0];
	[tilespmem:s9+$0x0] =	vst v9;
	v9 =	vand.u32 $0xF, v12  }
0x257: {  	v16 =	vsel vm0, $0x1, v3;
	[tilespmem:s9+$0x100] =	vst v15;
	v12 =	vperm.xlane v0, v9;
	v15 =	vperm.xlane v1, v9  }
0x258: {  	s11 =	sor.u32 s31, s0;
	v10 =	vadd.s32 v10, v16;
	s31 =	smov.u32 s15;
	[tilespmem:s9+$0x180] =	vst v8;
	v8 =	vperm.xlane v2, v9;
	v9 =	vperm.xlane v4, v9  }
0x259: {  	v10 =	vand.u32 $0xF, v10;
	v7 =	vadd.f32 $4.000000000e+00, v7;
	v6 =	vadd.f32 $4.000000000e+00, v6;
	[tilespmem:s11+$0x0] =	vst v12  }
0x25a: {  	v12 =	vadd.f32 $4.000000000e+00, v13;
	[tilespmem:s11+$0x100] =	vst v8;
	v8 =	vperm.xlane v0, v10;
	v13 =	vperm.xlane v1, v10  }
0x25b: {  	s13 =	sor.u32 s29, s0;
	s29 =	smov.u32 s20;
	v7 =	vadd.f32 v7, v7;
	v6 =	vadd.f32 v6, v6;
	[tilespmem:s11+$0x180] =	vst v9;
	v9 =	vperm.xlane v2, v10  }
0x25c: {  	v14 =	vadd.f32 $4.000000000e+00, v14;
	v12 =	vadd.f32 v12, v12;
	[tilespmem:s13+$0x0] =	vst v8;
	v8 =	vperm.xlane v4, v10  }
0x25d: {  	v10 =	vmax.f32 v7, $0.0e+00;
	v6 =	vmax.f32 v6, $0.0e+00;
	[tilespmem:s13+$0x100] =	vst v9  }
0x25e: {  	v9 =	vmin.f32 v10, $1.500000000e+01;
	v7 =	vmin.f32 v6, $1.500000000e+01;
	v6 =	vadd.f32 v14, v14;
	[tilespmem:s13+$0x180] =	vst v8  }
0x25f: {  	v12 =	vmax.f32 v12, $0.0e+00;
	v8 =	vtrunc.f32 v7;
	[tilespmem:s13+$0x80] =	vst v13  }
.Ltmp14:
0x260: {  	v13 =	vtrunc.f32 v9;
	vm0 =	vlt.f32 v7, v8;
	v10 =	vmax.f32 v6, $0.0e+00;
	[tilespmem:s11+$0x80] =	vst v15;
	(pc) =	sbr.rel @p0 .LBB2_30-.Ltmp14, $4  }
0x261: {  	v6 =	vmin.f32 v12, $1.500000000e+01;
	vm1 =	vlt.f32 v9, v13;
	vm2 =	vgt.f32 v9, v13;
	[tilespmem:s9+$0x80] =	vst v11  }
0x262: {  	v14 =	vand.u32 $0xF, v5;
	v9 =	vcvt.f32.s32 v13;
	vm1 =	vmor vm2, vm1  }
0x263: {  	v13 =	vperm.xlane v0, v14;
	v12 =	vperm.xlane v4, v14;
	v5 =	vsel vm1, $0x1, v3  }
0x264: {  	s9 =	sor.u32 s28, s0;
	v11 =	vperm.xlane v1, v14;
	s28 =	smov.u32 s5;
	s0 =	smov.u32 s7;
	v5 =	vadd.s32 v9, v5;
	v9 =	vperm.xlane v2, v14  }
0x265: {  	vm1 =	vgt.f32 v7, v8  }
0x266: {  	v7 =	vcvt.f32.s32 v8;
	vm0 =	vmor vm1, vm0  }
0x267: {  	v8 =	vmin.f32 v10, $1.500000000e+01;
	v14 =	vtrunc.f32 v6;
	v10 =	vsel vm0, $0x1, v3  }
0x268: {  	[tilespmem:s9+$0x0] =	vst v13;
	vm2 =	vlt.f32 v6, v14;
	v7 =	vadd.s32 v7, v10  }
0x269: {  	[tilespmem:s9+$0x180] =	vst v12;
	vm12 =	vgt.f32 v6, v14;
	v10 =	vtrunc.f32 v8;
	v7 =	vand.u32 $0xF, v7  }
0x26a: {  	[tilespmem:s9+$0x80] =	vst v11;
	vm10 =	vlt.f32 v8, v10;
	vm11 =	vgt.f32 v8, v10;
	v6 =	vperm.xlane v0, v7  }
0x26b: {  	s1 =	sor.u32 s30, s0;
	[tilespmem:s9+$0x100] =	vst v9;
	v62 =	vcvt.f32.s32 v10;
	vm0 =	vmor vm11, vm10;
	v9 =	vperm.xlane v2, v7  }
0x26c: {  	v10 =	vperm.xlane v4, v7;
	v7 =	vperm.xlane v1, v7;
	v8 =	vsel vm0, $0x1, v3;
	[tilespmem:s1+$0x0] =	vst v6  }
0x26d: {  	v5 =	vand.u32 $0xF, v5;
	v8 =	vadd.s32 v62, v8;
	[tilespmem:s1+$0x100] =	vst v9  }
0x26e: {  	[tilespmem:s1+$0x80] =	vst v7;
	v7 =	vperm.xlane v4, v5;
	v6 =	vand.u32 $0xF, v8  }
0x26f: {  	s18 =	sor.u32 s28, s0;
	vm13 =	vmor vm12, vm2;
	[tilespmem:s1+$0x180] =	vst v10;
	v8 =	vcvt.f32.s32 v14;
	v9 =	vperm.xlane v0, v6  }
0x270: {  	s5 =	sor.u32 s31, s0;
	v11 =	vsel vm13, $0x1, v3;
	v10 =	vperm.xlane v2, v6;
	[tilespmem:s18+$0x180] =	vst v7  }
0x271: {  	v8 =	vadd.s32 v8, v11;
	v11 =	vperm.xlane v4, v6;
	[tilespmem:s5+$0x0] =	vst v9  }
0x272: {  	v6 =	vperm.xlane v1, v6;
	v8 =	vand.u32 $0xF, v8;
	[tilespmem:s5+$0x100] =	vst v10  }
0x273: {  	v9 =	vperm.xlane v0, v8;
	[tilespmem:s5+$0x180] =	vst v11  }
0x274: {  	s7 =	sor.u32 s29, s0;
	v10 =	vperm.xlane v2, v8;
	[tilespmem:s5+$0x80] =	vst v6  }
0x275: {  	v6 =	vperm.xlane v0, v5;
	[tilespmem:s7+$0x0] =	vst v9  }
0x276: {  	v9 =	vperm.xlane v4, v8;
	v8 =	vperm.xlane v1, v8;
	[tilespmem:s7+$0x100] =	vst v10  }
0x277: {  	[tilespmem:s18+$0x0] =	vst v6  }
0x278: {  	[tilespmem:s7+$0x80] =	vst v8;
	v8 =	vperm.xlane v1, v5  }
0x279: {  	[tilespmem:s7+$0x180] =	vst v9;
	v5 =	vperm.xlane v2, v5  }
0x27a: {  	[tilespmem:s18+$0x80] =	vst v8  }
0x27b: {  	[tilespmem:s18+$0x100] =	vst v5  }
0x27c: {  	s19 =	simm.s32 $0x4000;
	s20 =	simm.s32 $0x2;
	s0 =	rddreg [dreg:$0x9]  }
0x27d: {  	[hbm4b:s0+s2] =	stream.linear.scatter [tilespmem:s19], [sflag:$0x3], $0x8000, $0x38;
	[tilespmem:$0x14000] =	vst v63  }
0x27e: {  	_ =	swait.ge [sflag:s20], $0x2000  }
0x27f: {  	[sflag:s20] =	ssyncset.done $0x0  }
0x280: {  	s21 =	simm.s32 $0x4;
	s0 =	simm.s32 $0x0;
	[sflag:s20] =	ssyncadd.s32 $0xFFFFE000  }
0x281: {  	s22 =	simm.s32 $0x0;
	s29 =	sand.u32 $0x40, s0;
	_ =	swait.ge [sflag:s21], $0x8000  }
0x282: {  	s23 =	sand.u32 $0x3FFFFF00, s22;
	s30 =	sor.u32 $0x30, s29;
	[sflag:s21] =	ssyncset.done $0x0  }
0x283: {  	s24 =	sor.u32 s30, s23;
	[sflag:s21] =	ssyncadd.s32 $0xFFFF8000  }
0x284: {  	s1 =	sor.u32 $0x10, s29;
	s25 =	sor.u32 s29, s23;
	v5 =	vld [tilespmem:s24+$0x80]  }
0x285: {  	s28 =	sor.u32 $0x20, s29;
	s31 =	sor.u32 s1, s23;
	v6 =	vld [tilespmem:s25+$0x80]  }
0x286: {  	s5 =	sor.u32 s28, s23;
	v7 =	vld [tilespmem:s31+$0x80]  }
0x287: {  	v8 =	vld [tilespmem:s5+$0x80];
	_ =	sdelay $0x1  }
0x288: {  	v5 =	vadd.f32 $4.000000000e+00, v5  }
0x289: {  	v6 =	vadd.f32 $4.000000000e+00, v6  }
0x28a: {  	v7 =	vadd.f32 $4.000000000e+00, v7;
	v5 =	vadd.f32 v5, v5  }
0x28b: {  	v8 =	vadd.f32 $4.000000000e+00, v8;
	v6 =	vadd.f32 v6, v6  }
0x28c: {  	v7 =	vadd.f32 v7, v7;
	v5 =	vmax.f32 v5, $0.0e+00  }
0x28d: {  	v8 =	vadd.f32 v8, v8;
	v6 =	vmax.f32 v6, $0.0e+00;
	v5 =	vmin.f32 v5, $1.500000000e+01  }
0x28e: {  	v10 =	vmin.f32 v6, $1.500000000e+01;
	v6 =	vmax.f32 v7, $0.0e+00;
	v7 =	vtrunc.f32 v5  }
0x28f: {  	v11 =	vmax.f32 v8, $0.0e+00;
	vm14 =	vlt.f32 v5, v7;
	vm15 =	vgt.f32 v5, v7  }
0x290: {  	v9 =	vmin.f32 v6, $1.500000000e+01;
	v63 =	vcvt.f32.s32 v7;
	vm0 =	vmor vm15, vm14  }
0x291: {  	v8 =	vtrunc.f32 v10;
	v7 =	vmin.f32 v11, $1.500000000e+01;
	v11 =	vsel vm0, $0x1, v3  }
0x292: {  	s5 =	simm.s32 $0x0;
	v6 =	vtrunc.f32 v9;
	v5 =	vtrunc.f32 v7;
	v11 =	vadd.s32 v63, v11  }
.LBB2_32:
0x293: {  	s0 =	sadd.s32 $0x40, s0;
	vm0 =	vlt.f32 v10, v8;
	vm1 =	vgt.f32 v10, v8;
	s11 =	sand.u32 $0x3FFFFE00, s5;
	v10 =	vand.u32 $0xF, v11  }
0x294: {  	vm2 =	vlt.f32 v9, v6;
	vm3 =	vgt.f32 v9, v6;
	s5 =	sand.u32 $0x40, s0;
	s7 =	sadd.s32 $0xC000, s11;
	v9 =	vperm.xlane v0, v10  }
0x295: {  	vm4 =	vlt.f32 v7, v5;
	vm5 =	vgt.f32 v7, v5;
	s9 =	sshll.u32 s0, $0x1;
	s31 =	sadd.s32 $0xC080, s11;
	v7 =	vperm.xlane v1, v10;
	s13 =	sor.u32 s30, s7  }
0x296: {  	vm0 =	vmor vm1, vm0;
	s17 =	sadd.s32 $0xC100, s11;
	vm1 =	vmor vm3, vm2;
	s15 =	sand.u32 $0x3FFFFF00, s9;
	[tilespmem:s13+$0x0] =	vst v9;
	s13 =	sor.u32 s30, s31;
	v9 =	vperm.xlane v2, v10  }
0x297: {  	v8 =	vcvt.f32.s32 v8;
	s11 =	sadd.s32 $0xC180, s11;
	vm2 =	vmor vm5, vm4;
	s9 =	sor.u32 $0x30, s5;
	[tilespmem:s13+$0x0] =	vst v7;
	s13 =	sor.u32 s30, s17;
	v7 =	vperm.xlane v4, v10  }
0x298: {  	v6 =	vcvt.f32.s32 v6;
	v5 =	vcvt.f32.s32 v5;
	s18 =	sor.u32 $0x10, s5;
	s19 =	sor.u32 s9, s15;
	v10 =	vsel vm0, $0x1, v3;
	[tilespmem:s13+$0x0] =	vst v9;
	s13 =	sor.u32 s30, s11  }
0x299: {  	s22 =	sor.u32 $0x20, s5;
	v11 =	vsel vm2, $0x1, v3;
	s20 =	sor.u32 s5, s15;
	s21 =	sor.u32 s18, s15;
	v8 =	vadd.s32 v8, v10;
	v10 =	vsel vm1, $0x1, v3;
	v9 =	vld [tilespmem:s19+$0x80];
	[tilespmem:s13+$0x0] =	vst v7  }
0x29a: {  	v5 =	vadd.s32 v5, v11;
	s13 =	sor.u32 s22, s15;
	v8 =	vand.u32 $0xF, v8;
	s15 =	sor.u32 s29, s7;
	s19 =	sor.u32 s29, s31;
	v6 =	vadd.s32 v6, v10;
	v7 =	vld [tilespmem:s20+$0x80]  }
0x29b: {  	s23 =	sor.u32 s1, s7;
	v5 =	vand.u32 $0xF, v5;
	v11 =	vperm.xlane v0, v8;
	s20 =	sor.u32 s29, s17;
	v6 =	vand.u32 $0xF, v6;
	v10 =	vld [tilespmem:s21+$0x80];
	s21 =	sor.u32 s29, s11  }
0x29c: {  	s24 =	sor.u32 s1, s17;
	s25 =	sor.u32 s1, s11;
	v13 =	vperm.xlane v1, v8;
	v14 =	vperm.xlane v2, v8;
	v12 =	vld [tilespmem:s13+$0x80];
	s13 =	sor.u32 s1, s31  }
0x29d: {  	s7 =	sor.u32 s28, s7;
	v8 =	vperm.xlane v4, v8;
	s17 =	sor.u32 s28, s17;
	[tilespmem:s15+$0x0] =	vst v11;
	v11 =	vperm.xlane v0, v6;
	s15 =	sor.u32 s28, s31  }
0x29e: {  	p0 =	slt.u32 s0, $0x1FC0;
	v15 =	vperm.xlane v2, v6;
	s11 =	sor.u32 s28, s11;
	s29 =	smov.u32 s5;
	v9 =	vadd.f32 $4.000000000e+00, v9;
	[tilespmem:s19+$0x0] =	vst v13;
	v13 =	vperm.xlane v1, v6  }
0x29f: {  	s30 =	smov.u32 s9;
	s1 =	smov.u32 s18;
	s28 =	smov.u32 s22;
	v6 =	vperm.xlane v4, v6;
	v7 =	vadd.f32 $4.000000000e+00, v7;
	[tilespmem:s20+$0x0] =	vst v14;
	v14 =	vperm.xlane v0, v5  }
0x2a0: {  	v10 =	vadd.f32 $4.000000000e+00, v10;
	v9 =	vadd.f32 v9, v9;
	[tilespmem:s21+$0x0] =	vst v8;
	v8 =	vperm.xlane v1, v5  }
0x2a1: {  	v7 =	vadd.f32 v7, v7;
	v12 =	vadd.f32 $4.000000000e+00, v12;
	[tilespmem:s23+$0x0] =	vst v11;
	v11 =	vperm.xlane v2, v5  }
0x2a2: {  	v16 =	vadd.f32 v10, v10;
	v9 =	vmax.f32 v9, $0.0e+00;
	[tilespmem:s13+$0x0] =	vst v13;
	v13 =	vperm.xlane v4, v5  }
0x2a3: {  	v5 =	vmax.f32 v7, $0.0e+00;
	v7 =	vadd.f32 v12, v12;
	v9 =	vmin.f32 v9, $1.500000000e+01;
	[tilespmem:s24+$0x0] =	vst v15  }
.Ltmp15:
0x2a4: {  	v10 =	vmin.f32 v5, $1.500000000e+01;
	v5 =	vmax.f32 v16, $0.0e+00;
	v12 =	vtrunc.f32 v9;
	[tilespmem:s25+$0x0] =	vst v6;
	(pc) =	sbr.rel @p0 .LBB2_32-.Ltmp15, $4  }
0x2a5: {  	v6 =	vmax.f32 v7, $0.0e+00;
	vm0 =	vlt.f32 v9, v12;
	vm1 =	vgt.f32 v9, v12;
	[tilespmem:s7+$0x0] =	vst v14  }
0x2a6: {  	v9 =	vmin.f32 v5, $1.500000000e+01;
	v12 =	vcvt.f32.s32 v12;
	vm0 =	vmor vm1, vm0;
	[tilespmem:s15+$0x0] =	vst v8  }
0x2a7: {  	v8 =	vtrunc.f32 v10;
	v7 =	vmin.f32 v6, $1.500000000e+01;
	v14 =	vsel vm0, $0x1, v3;
	[tilespmem:s17+$0x0] =	vst v11  }
0x2a8: {  	s5 =	sshll.u32 s0, $0x2;
	v6 =	vtrunc.f32 v9;
	v5 =	vtrunc.f32 v7;
	v11 =	vadd.s32 v12, v14;
	[tilespmem:s11+$0x0] =	vst v13  }
0x2a9: {  	vm0 =	vlt.f32 v10, v8;
	vm1 =	vgt.f32 v10, v8  }
0x2aa: {  	s0 =	sand.u32 $0x3FFFFE00, s5;
	v52 =	vand.u32 $0xF, v11;
	v53 =	vcvt.f32.s32 v8;
	vm12 =	vlt.f32 v9, v6  }
0x2ab: {  	vm13 =	vgt.f32 v9, v6;
	s5 =	sadd.s32 $0xC000, s0;
	v11 =	vperm.xlane v0, v52;
	vm0 =	vmor vm1, vm0  }
0x2ac: {  	v6 =	vcvt.f32.s32 v6;
	s7 =	sadd.s32 $0xC080, s0;
	v12 =	vperm.xlane v1, v52;
	s9 =	sor.u32 s30, s5;
	v13 =	vsel vm0, $0x1, v3  }
0x2ad: {  	s31 =	sadd.s32 $0xC100, s0;
	v54 =	vperm.xlane v2, v52;
	s11 =	sor.u32 s30, s7;
	vm0 =	vmor vm13, vm12;
	[tilespmem:s9+$0x0] =	vst v11;
	v8 =	vadd.s32 v53, v13  }
0x2ae: {  	s0 =	sadd.s32 $0xC180, s0;
	v55 =	vperm.xlane v4, v52;
	s13 =	sor.u32 s30, s31;
	v57 =	vsel vm0, $0x1, v3;
	[tilespmem:s11+$0x0] =	vst v12;
	v8 =	vand.u32 $0xF, v8  }
0x2af: {  	vm14 =	vlt.f32 v7, v5;
	s15 =	sor.u32 s30, s0;
	v6 =	vadd.s32 v6, v57;
	[tilespmem:s13+$0x0] =	vst v54;
	v56 =	vperm.xlane v0, v8  }
0x2b0: {  	vm15 =	vgt.f32 v7, v5;
	s17 =	sor.u32 s29, s5;
	v58 =	vperm.xlane v1, v8;
	v6 =	vand.u32 $0xF, v6;
	[tilespmem:s15+$0x0] =	vst v55  }
0x2b1: {  	v5 =	vcvt.f32.s32 v5;
	vm0 =	vmor vm15, vm14;
	s13 =	sor.u32 s29, s7;
	v60 =	vperm.xlane v0, v6;
	[tilespmem:s17+$0x0] =	vst v56  }
0x2b2: {  	s20 =	sor.u32 s1, s5;
	v61 =	vsel vm0, $0x1, v3;
	v59 =	vperm.xlane v2, v8;
	[tilespmem:s13+$0x0] =	vst v58  }
0x2b3: {  	s18 =	sor.u32 s29, s31;
	v5 =	vadd.s32 v5, v61;
	v62 =	vperm.xlane v1, v6;
	[tilespmem:s20+$0x0] =	vst v60  }
0x2b4: {  	s21 =	sor.u32 s1, s7;
	v7 =	vperm.xlane v4, v8;
	v5 =	vand.u32 $0xF, v5;
	[tilespmem:s18+$0x0] =	vst v59  }
0x2b5: {  	s19 =	sor.u32 s29, s0;
	v63 =	vperm.xlane v0, v5;
	[tilespmem:s21+$0x0] =	vst v62  }
0x2b6: {  	s5 =	sor.u32 s28, s5;
	[tilespmem:s19+$0x0] =	vst v7;
	v7 =	vperm.xlane v2, v6  }
0x2b7: {  	s22 =	sor.u32 s1, s31;
	[tilespmem:s5+$0x0] =	vst v63;
	v6 =	vperm.xlane v4, v6  }
0x2b8: {  	s23 =	sor.u32 s1, s0;
	[tilespmem:s22+$0x0] =	vst v7;
	v7 =	vperm.xlane v1, v5  }
0x2b9: {  	s24 =	sor.u32 s28, s7;
	[tilespmem:s23+$0x0] =	vst v6;
	v6 =	vperm.xlane v2, v5  }
0x2ba: {  	s25 =	sor.u32 s28, s31;
	v5 =	vperm.xlane v4, v5;
	[tilespmem:s24+$0x0] =	vst v7  }
0x2bb: {  	s0 =	sor.u32 s28, s0;
	[tilespmem:s25+$0x0] =	vst v6  }
0x2bc: {  	[tilespmem:s0+$0x0] =	vst v5  }
0x2bd: {  	s28 =	simm.s32 $0xC000;
	s29 =	simm.s32 $0x3;
	s0 =	rddreg [dreg:$0xa]  }
0x2be: {  	[hbm4b:s0+s2] =	stream.linear.scatter [tilespmem:s28], [sflag:$0x4], $0x8000, $0x38;
	[tilespmem:$0x14000] =	vst v63  }
0x2bf: {  	_ =	swait.ge [sflag:s29], $0x8000  }
0x2c0: {  	[sflag:s29] =	ssyncset.done $0x0  }
0x2c1: {  	s30 =	simm.s32 $0x4;
	[sflag:s29] =	ssyncadd.s32 $0xFFFF8000  }
0x2c2: {  	_ =	swait.ge [sflag:s30], $0x8000  }
0x2c3: {  	s26 =	sadd.s32 $0x1, s26;
	s31 =	rddreg [dreg:$0xb]  }
0x2c4: {  	p0 =	sne.s32 s26, s31  }
.Ltmp16:
0x2c5: {  	_ = 	snop;
	(pc) =	sbr.rel @p0 .LBB2_1-.Ltmp16, $3  }
0x2c6: {  	_ =	sdelay $0x1  }
0x2c7: {  	[sflag:s30] =	ssyncset.done $0x0  }
0x2c8: {  	[sflag:s30] =	ssyncadd.s32 $0xFFFF8000  }
0x2c9: {  	_ =	sfence.sel $0x180000  }
0x2ca: {  	[bflag:$0x0] =	sbarrier.arrive $0xFFFF  }
0x2cb: {  	_ =	strace $0x90000047  }
0x2cc: {  	s0 =	stileid.u32;
	[bflag:$0x2] =	sbarrier.arrive $0xFFFF  }
0x2cd: {  	p0 =	sne.s32 s0, $0x0;
	s0 =	rddreg [dreg:$0x2]  }
0x2ce: {  	s0 =	sadd.s32 @!p0 $0x100000, s0  }
0x2cf: {  	[sflag:s0] =	ssyncadd.tile.s32 @!p0 $0x1;
	_ =	shalt  }
.Lfunc_end2:
_tile_overlayer_lowered:
.L_overlay_start_2:
0x2d0: {  	(tag) =	ssettag $0x2  }
0x2d1: {  	s0 =	rddreg [dreg:$0x0];
	s2 =	stileid.u32  }
0x2d2: {  	s1 =	rddreg [dreg:$0x1];
	p0 =	sne.s32 s2, $0x0  }
0x2d3: {  	s3 =	rddreg [dreg:$0x2];
	[bflag:$0x3] =	sbarrier.arrive $0xFFFF;
	s2 =	simm.s32 @!p0 $0x1C05  }
0x2d4: {  	[timem:s3], [sflag:s2] =	dma.local @!p0 [hbm:s0], s1  }
0x2d5: {  	s0 =	simm.s32 @!p0 $0x5  }
0x2d6: {  	_ =	swait.ge @!p0 [sflag:s0], s1  }
0x2d7: {  	s1 =	ssub.s32 @!p0 $0x0, s1;
	[sflag:s0] =	ssyncset.done @!p0 $0x0  }
0x2d8: {  	[sflag:s0] =	ssyncadd.s32 @!p0 s1  }
0x2d9: {  	[bflag:$0x3] =	sbarrier.arrive $0xFFFF  }
0x2da: {  	_ =	shalt  }

</sc_bundles>
